<compile_context>
chip_gen: v7x
topology: tpu7x:2x2x1
jax: 0.10.2.dev20260603
libtpu: 0.0.44.dev20260713+nightly
codegen_flags: <defaults>
</compile_context>

<pallas_src>
import functools

import jax
import jax.numpy as jnp
from jax import lax
from jax.experimental import pallas as pl
from jax.experimental.pallas import tpu as pltpu
from jax.experimental.pallas import tpu_sc as plsc

N = 10000
E = 320000
NF_DIM = 128
HNF = 128
HEF = 64
YW = 128

NC_ = 2
NS_ = 16
NW = NC_ * NS_
EW = E // NW
GCH = 200
NGCH = EW // GCH
NGPAIR = (NGCH - 2) // 2
SCH = 80
SG = 1
NSCH = EW // (SCH * SG)
NSPAIR = (NSCH - 1) // 2
NSTRIPE = 624
NTAIL = N - NS_ * NSTRIPE


def _m8(x):
    return pl.multiple_of(x, 8)


def _m16(x):
    return pl.multiple_of(x, 16)

_mesh = plsc.VectorSubcoreMesh(core_axis_name="c", subcore_axis_name="s")


@functools.partial(
    pl.kernel,
    out_type=jax.ShapeDtypeStruct((E, 128), jnp.float32),
    mesh=_mesh,
    scratch_types=(
        pltpu.VMEM((EW,), jnp.int32),
        pltpu.VMEM((EW,), jnp.int32),
        pltpu.VMEM((2, GCH, 128), jnp.float32),
        pltpu.VMEM((2, GCH, 128), jnp.float32),
        pltpu.SemaphoreType.DMA,
        pltpu.SemaphoreType.DMA,
        pltpu.SemaphoreType.DMA,
        pltpu.SemaphoreType.DMA,
        pltpu.SemaphoreType.DMA,
        pltpu.SemaphoreType.DMA,
    ),
)
def _sc_gather(pq_hbm, src_hbm, dst_hbm, gsd_hbm,
               sidx, didx, rows_s, rows_d, gs0, gs1, gd0, gd1, w0, w1):
    c = lax.axis_index("c")
    s = lax.axis_index("s")
    w = c * NS_ + s
    base0 = w * EW
    pltpu.sync_copy(src_hbm.at[pl.ds(base0, EW)], sidx)
    pltpu.sync_copy(dst_hbm.at[pl.ds(base0, EW)], didx)

    gssem = (gs0, gs1)
    gdsem = (gd0, gd1)
    wsem = (w0, w1)

    def gath(ch, slot):
        pltpu.async_copy(
            pq_hbm.at[sidx.at[pl.ds(ch * GCH, GCH)]], rows_s.at[slot],
            gssem[slot])
        pltpu.async_copy(
            pq_hbm.at[didx.at[pl.ds(ch * GCH, GCH)]], rows_d.at[slot],
            gdsem[slot])

    def wout(ch, slot):
        return pltpu.async_copy(
            rows_s.at[slot], gsd_hbm.at[pl.ds(_m8(base0 + ch * GCH), GCH)],
            wsem[slot])

    def wait_g(slot):
        pltpu.make_async_copy(
            pq_hbm.at[sidx.at[pl.ds(0, GCH)]], rows_s.at[slot],
            gssem[slot]).wait()
        pltpu.make_async_copy(
            pq_hbm.at[didx.at[pl.ds(0, GCH)]], rows_d.at[slot],
            gdsem[slot]).wait()

    def wait_w(slot):
        pltpu.make_async_copy(
            rows_s.at[slot], gsd_hbm.at[pl.ds(base0, GCH)],
            wsem[slot]).wait()

    def add_halves(slot):
        @pl.loop(0, GCH, unroll=2)
        def _add(r):
            for k in range(HEF // 16):
                sl = pl.ds(k * 16, 16)
                sr = pl.ds(HEF + k * 16, 16)
                rows_s[slot, r, sl] = rows_s[slot, r, sl] + rows_d[slot, r, sr]

    gath(0, 0)

    @pl.loop(0, NGPAIR)
    def _pair(ii):
        i0 = 2 * ii

        @pl.when(ii > 0)
        def _():
            wait_w(1)

        gath(i0 + 1, 1)
        wait_g(0)
        add_halves(0)
        wout(i0, 0)
        wait_w(0)
        gath(i0 + 2, 0)
        wait_g(1)
        add_halves(1)
        wout(i0 + 1, 1)

    wait_w(1)
    gath(NGCH - 1, 1)
    wait_g(0)
    add_halves(0)
    wout(NGCH - 2, 0)
    wait_w(0)
    wait_g(1)
    add_halves(1)
    wout(NGCH - 1, 1)
    wait_w(1)


@functools.partial(
    pl.kernel,
    out_type=jax.ShapeDtypeStruct((NC_ * N, YW), jnp.float32),
    mesh=_mesh,
    scratch_types=(
        pltpu.VMEM((2, SCH, YW), jnp.float32),
        [pltpu.VMEM((SCH,), jnp.int32) for _ in range(2)],
        pltpu.VMEM_SHARED((N, YW), jnp.float32),
        pltpu.SemaphoreType.DMA,
        pltpu.SemaphoreType.DMA,
        pltpu.SemaphoreType.DMA,
        pltpu.SemaphoreType.DMA,
        pltpu.SemaphoreType.DMA,
        pltpu.SemaphoreType.DMA,
    ),
)
def _sc_scatter(y_hbm, dst_hbm, zer_hbm, z_hbm,
                ybuf, idxb, table, l0, l1, a0, a1, x0, x1):
    c = lax.axis_index("c")
    s = lax.axis_index("s")
    w = c * NS_ + s
    base0 = w * EW
    stripe = pl.ds(_m8(s * NSTRIPE), NSTRIPE)
    pltpu.sync_copy(zer_hbm.at[stripe], table.at[stripe])

    @pl.when(s == 0)
    def _ztail():
        tail = pl.ds(NS_ * NSTRIPE, NTAIL)
        pltpu.sync_copy(zer_hbm.at[tail], table.at[tail])

    lsem = (l0, l1)
    asem = (a0, a1)
    xsem = (x0, x1)

    def load(ch, slot):
        pltpu.async_copy(
            y_hbm.at[pl.ds(_m8(base0 + ch * SCH), SCH)],
            ybuf.at[slot], lsem[slot])
        pltpu.async_copy(
            dst_hbm.at[pl.ds(_m8(base0 + ch * SCH), SCH)],
            idxb[slot], xsem[slot])

    def scat(ch, slot):
        pltpu.async_copy(
            ybuf.at[slot], table.at[idxb[slot]], asem[slot], add=True)

    def wait_l(slot):
        pltpu.make_async_copy(
            y_hbm.at[pl.ds(base0, SCH)], ybuf.at[slot], lsem[slot]).wait()
        pltpu.make_async_copy(
            dst_hbm.at[pl.ds(base0, SCH)], idxb[slot], xsem[slot]).wait()

    def wait_a(slot):
        pltpu.make_async_copy(
            ybuf.at[slot], table.at[idxb[slot]], asem[slot]).wait()

    load(0, 0)
    plsc.subcore_barrier()

    @pl.loop(0, NSPAIR)
    def _pair(ii):
        i0 = 2 * ii

        @pl.when(ii > 0)
        def _():
            wait_a(1)

        load(i0 + 1, 1)
        wait_l(0)
        scat(i0, 0)
        wait_a(0)
        load(i0 + 2, 0)
        wait_l(1)
        scat(i0 + 1, 1)

    wait_a(1)
    wait_l(0)
    scat(NSCH - 1, 0)
    wait_a(0)

    plsc.subcore_barrier()
    pltpu.sync_copy(table.at[stripe],
                    z_hbm.at[pl.ds(_m8(c * N + s * NSTRIPE), NSTRIPE)])

    @pl.when(s == 0)
    def _wtail():
        tail = pl.ds(NS_ * NSTRIPE, NTAIL)
        pltpu.sync_copy(table.at[tail],
                        z_hbm.at[pl.ds(_m8(c * N + NS_ * NSTRIPE), NTAIL)])


def _matmul_call(f, n_rows, block_rows, n_in, extra_specs, out_shapes):
    grid = (n_rows // block_rows,)
    return pl.pallas_call(
        f,
        grid=grid,
        in_specs=[pl.BlockSpec((block_rows, n_in), lambda i: (i, 0))] + extra_specs,
        out_specs=[pl.BlockSpec((block_rows, s.shape[1]), lambda i: (i, 0))
                   for s in out_shapes],
        out_shape=list(out_shapes),
    )


def _sds(shape, dtype=jnp.float32):
    return jax.ShapeDtypeStruct(shape, dtype)


def _full(shape):
    return pl.BlockSpec(shape, lambda i: (0, 0))


BN = 1000
BE = 4000


def _node_pre_k(nf, wsd, wn, bn, pqn_o, nc_o):
    x = nf[...]
    pqn_o[...] = jnp.dot(x, wsd[...], preferred_element_type=jnp.float32)
    nc_o[...] = jnp.dot(x, wn[...], preferred_element_type=jnp.float32) + bn[...]


def _edge_k(gsd, hef_in, ef, wa, ba, we, we2, be, hef_o, y_o):
    r = (jnp.dot(hef_in[...], we[...], preferred_element_type=jnp.float32)
         + jnp.dot(ef[...], we2[...], preferred_element_type=jnp.float32)
         + be[...])
    hef = jnp.maximum(gsd[:, :HEF] + r, 0.0)
    hef_o[...] = hef
    logit = jnp.sum(hef * wa[...], axis=1, keepdims=True) + ba[...]
    ex = jnp.exp(logit)
    y_o[...] = jnp.concatenate(
        [hef * ex, ex, jnp.zeros((hef.shape[0], YW - HEF - 1), jnp.float32)],
        axis=1)


def _node_k(z0, z1, hnf, nc, wnh, wna, wsd, pqn, hnf_o, pq_o):
    z = z0[...] + z1[...]
    agg = z[:, :HEF] / (z[:, HEF:HEF + 1] + 1e-16)
    h = (jnp.dot(hnf[...], wnh[...], preferred_element_type=jnp.float32)
         + jnp.dot(agg, wna[...], preferred_element_type=jnp.float32)
         + nc[...])
    h = jnp.maximum(h, 0.0)
    hnf_o[...] = h
    pq_o[...] = jnp.dot(h, wsd[...], preferred_element_type=jnp.float32) + pqn[...]


def _readout_k(x, w, b, o):
    o[...] = jnp.dot(x[...], w[...], preferred_element_type=jnp.float32) + b[...]


def kernel(nf, ef, edge_index, n_iters, W_e, b_e, W_a, b_a, W_n, b_n,
           W_no, b_no, W_eo, b_eo):
    f32 = jnp.float32
    src = edge_index[0]
    dst = edge_index[1]

    We_sd1 = jnp.concatenate([W_e[0:128], W_e[256:384]], axis=1)
    We_sd2 = jnp.concatenate([W_e[128:256], W_e[384:512]], axis=1)
    We_e1 = W_e[512:576]
    We_e2 = W_e[576:592]
    Wn_h = W_n[0:128]
    Wn_nf = W_n[128:256]
    Wn_a = W_n[256:320]
    be = b_e.reshape(1, HEF)
    bn = b_n.reshape(1, HNF)
    wa = W_a.reshape(1, HEF)
    ba = b_a.reshape(1, 1)
    bno = b_no.reshape(1, 128)
    beo = b_eo.reshape(1, HEF)

    pqn, nc = _matmul_call(
        _node_pre_k, N, BN, NF_DIM,
        [_full((NF_DIM, 128)), _full((NF_DIM, HNF)), _full((1, HNF))],
        [_sds((N, 128)), _sds((N, HNF))],
    )(nf, We_sd2, Wn_nf, bn)

    zer = jnp.zeros((N, YW), f32)
    hnf0 = jnp.zeros((N, HNF), f32)

    edge_call = pl.pallas_call(
        _edge_k,
        grid=(E // BE,),
        in_specs=[
            pl.BlockSpec((BE, 128), lambda i: (i, 0)),
            pl.BlockSpec((BE, HEF), lambda i: (i, 0)),
            pl.BlockSpec((BE, 16), lambda i: (i, 0)),
            _full((1, HEF)), _full((1, 1)), _full((HEF, HEF)),
            _full((16, HEF)), _full((1, HEF))],
        out_specs=[pl.BlockSpec((BE, HEF), lambda i: (i, 0)),
                   pl.BlockSpec((BE, YW), lambda i: (i, 0))],
        out_shape=[_sds((E, HEF)), _sds((E, YW))],
    )

    node_call = _matmul_call(
        _node_k, N, BN, YW,
        [pl.BlockSpec((BN, YW), lambda i: (i + N // BN, 0)),
         pl.BlockSpec((BN, HNF), lambda i: (i, 0)),
         pl.BlockSpec((BN, HNF), lambda i: (i, 0)),
         _full((HNF, HNF)), _full((HEF, HNF)), _full((HNF, 128)),
         pl.BlockSpec((BN, 128), lambda i: (i, 0))],
        [_sds((N, HNF)), _sds((N, 128))],
    )

    def body(_, carry):
        hnf, hef, pq = carry
        gsd = _sc_gather(pq, src, dst)
        hef2, y = edge_call(gsd, hef, ef, wa, ba, We_e1, We_e2, be)
        z = _sc_scatter(y, dst, zer)
        hnf2, pq2 = node_call(z, z, hnf, nc, Wn_h, Wn_a, We_sd1, pqn)
        return (hnf2, hef2, pq2)

    hef0 = jnp.zeros((E, HEF), f32)
    hnf, hef, _ = lax.fori_loop(0, n_iters, body, (hnf0, hef0, pqn))

    (unf,) = _matmul_call(
        _readout_k, N, BN, HNF,
        [_full((HNF, 128)), _full((1, 128))],
        [_sds((N, 128))],
    )(hnf, W_no, bno)

    (uef,) = _matmul_call(
        _readout_k, E, BE, HEF,
        [_full((HEF, HEF)), _full((1, HEF))],
        [_sds((E, HEF))],
    )(hef, W_eo, beo)

    return (unf, uef)

# --- scband reference (transcript-rebuilt; emitter-appended) ---
"""Pipeline reference for scband-ijgnn-43920335569129 (READ-ONLY COPY).

The authoritative reference and input builder live on the scoring server;
editing this copy changes nothing except your own understanding.
"""

import jax, jax.numpy as jnp
import numpy as np

N = 10000
E = 320000
NF_DIM = 128
EF_DIM = 16
HNF = 128
HEF = 64
NF_OUT = 128
EF_OUT = 64
NODE_IN = HNF + NF_DIM   # 256
EDGE_IN = HEF + EF_DIM   # 80


def _init(key, shape):
    fan_in = shape[0]
    return jax.random.normal(key, shape, dtype=jnp.float32) * (1.0 / np.sqrt(fan_in))


def setup_inputs(seed: int = 0) -> dict:
    key = jax.random.key(seed)
    ks = jax.random.split(key, 16)
    nf = jax.random.normal(ks[0], (N, NF_DIM), dtype=jnp.float32)
    ef = jax.random.normal(ks[1], (E, EF_DIM), dtype=jnp.float32)
    edge_index = jax.random.randint(ks[2], (2, E), 0, N, dtype=jnp.int32)
    # AttnMPNNLayer params
    W_e = _init(ks[3], (2 * NODE_IN + EDGE_IN, HEF))
    b_e = jnp.zeros((HEF,), dtype=jnp.float32)
    W_a = _init(ks[4], (HEF, 1))
    b_a = jnp.zeros((1,), dtype=jnp.float32)
    W_n = _init(ks[5], (NODE_IN + HEF, HNF))
    b_n = jnp.zeros((HNF,), dtype=jnp.float32)
    # output MLPs (num_neurons=[] -> single linear layer)
    W_no = _init(ks[6], (HNF, NF_OUT))
    b_no = jnp.zeros((NF_OUT,), dtype=jnp.float32)
    W_eo = _init(ks[7], (HEF, EF_OUT))
    b_eo = jnp.zeros((EF_OUT,), dtype=jnp.float32)
    return {"nf": nf, "ef": ef, "edge_index": edge_index, "n_iters": 2,
            "W_e": W_e, "b_e": b_e, "W_a": W_a, "b_a": b_a,
            "W_n": W_n, "b_n": b_n, "W_no": W_no, "b_no": b_no,
            "W_eo": W_eo, "b_eo": b_eo}


def _attn_mpnn(hnf_c, hef_c, src, dst, W_e, b_e, W_a, b_a, W_n, b_n):
    n_nodes = hnf_c.shape[0]
    h_src = hnf_c[src]
    h_dst = hnf_c[dst]
    e_in = jnp.concatenate([h_src, h_dst, hef_c], axis=-1)
    hef = jax.nn.relu(e_in @ W_e + b_e)
    logits = (hef @ W_a + b_a)[:, 0]
    m = jax.ops.segment_max(logits, dst, num_segments=n_nodes)
    m = jnp.where(jnp.isfinite(m), m, 0.0)
    ex = jnp.exp(logits - m[dst])
    s = jax.ops.segment_sum(ex, dst, num_segments=n_nodes)
    attn = ex / (s[dst] + 1e-16)
    agg = jax.ops.segment_sum(attn[:, None] * hef, dst, num_segments=n_nodes)
    n_in = jnp.concatenate([hnf_c, agg], axis=-1)
    hnf = jax.nn.relu(n_in @ W_n + b_n)
    return hnf, hef


def reference(nf, ef, edge_index, n_iters, W_e, b_e, W_a, b_a, W_n, b_n, W_no, b_no, W_eo, b_eo):
    src = edge_index[0]
    dst = edge_index[1]
    hnf = jnp.zeros((nf.shape[0], HNF), dtype=nf.dtype)
    hef = jnp.zeros((ef.shape[0], HEF), dtype=ef.dtype)

    def _body(_, carry):
        hnf, hef = carry
        hnf_c = jnp.concatenate([hnf, nf], axis=-1)
        hef_c = jnp.concatenate([hef, ef], axis=-1)
        hnf, hef = _attn_mpnn(hnf_c, hef_c, src, dst, W_e, b_e, W_a, b_a, W_n, b_n)
        return (hnf, hef)

    hnf, hef = jax.lax.fori_loop(0, n_iters, _body, (hnf, hef))
    unf = hnf @ W_no + b_no
    uef = hef @ W_eo + b_eo
    return (unf, uef)

if __name__ == "__main__":
    import jax
    _d = setup_inputs()
    print(jax.jit(kernel)(*tuple(_d.values())))

</pallas_src>

<mosaic_0001>
#map = affine_map<(d0, d1) -> (0, 0)>
#map1 = affine_map<(d0, d1) -> (0)>
module attributes {stable_mosaic.version = 14 : i64} {
  func.func @_sc_scatter(%arg0: i32, %arg1: i32, %arg2: memref<320000x128xf32, #tpu.memory_space<hbm>>, %arg3: memref<320000xi32, #tpu.memory_space<hbm>>, %arg4: memref<10000x128xf32, #tpu.memory_space<hbm>>, %arg5: memref<20000x128xf32, #tpu.memory_space<hbm>>, %arg6: memref<2x80x128xf32, #tpu.memory_space<vmem>>, %arg7: memref<80xi32, #tpu.memory_space<vmem>>, %arg8: memref<80xi32, #tpu.memory_space<vmem>>, %arg9: memref<10000x128xf32, #tpu.memory_space<vmem_shared>>, %arg10: memref<!tpu.dma_semaphore, #tpu.memory_space<semaphore_mem>>, %arg11: memref<!tpu.dma_semaphore, #tpu.memory_space<semaphore_mem>>, %arg12: memref<!tpu.dma_semaphore, #tpu.memory_space<semaphore_mem>>, %arg13: memref<!tpu.dma_semaphore, #tpu.memory_space<semaphore_mem>>, %arg14: memref<!tpu.dma_semaphore, #tpu.memory_space<semaphore_mem>>, %arg15: memref<!tpu.dma_semaphore, #tpu.memory_space<semaphore_mem>>) attributes {dimension_semantics = [#tpu.dimension_semantics<core_parallel>, #tpu.dimension_semantics<subcore_parallel>], iteration_bounds = array<i64: 2, 16>, scalar_prefetch = 0 : i64, scratch_operands = 10 : i64, tpu.core_type = #tpu.core_type<sc_vector_subcore>, window_params = [{transform_indices = #map}, {transform_indices = #map1}, {transform_indices = #map}, {transform_indices = #map}]} {
    %mul3A = arith.constant 16 : i32
    %mul3A_0 = arith.muli %arg0, %mul3A : i32
    %add3A = arith.addi %mul3A_0, %arg1 : i32
    %mul3A_1 = arith.constant 10000 : i32
    %mul3A_2 = arith.muli %add3A, %mul3A_1 : i32
    %mul3A_3 = arith.constant 624 : i32
    %mul3A_4 = arith.muli %arg1, %mul3A_3 : i32
    %multiple_of3A = tpu.assume_multiple %mul3A_4, 8 : i32
    "tpu.region"() ({
      %run_scoped3A = tpu.sem_alloc : memref<!tpu.dma_semaphore, #tpu.memory_space<semaphore_mem>>
      %dma_start3A_81 = arith.constant 0 : i32
      %dma_start3A_82 = tpu.memref_slice %arg9[%multiple_of3A, %dma_start3A_81] : memref<10000x128xf32, #tpu.memory_space<vmem_shared>> -> memref<624x128xf32, #tpu.memory_space<vmem_shared>>
      %dma_start3A_83 = arith.constant 0 : i32
      %dma_start3A_84 = tpu.memref_slice %arg4[%multiple_of3A, %dma_start3A_83] : memref<10000x128xf32, #tpu.memory_space<hbm>> -> memref<624x128xf32, #tpu.memory_space<hbm>>
      tpu.enqueue_dma source(%dma_start3A_84 : memref<624x128xf32, #tpu.memory_space<hbm>>) target(%dma_start3A_82 : memref<624x128xf32, #tpu.memory_space<vmem_shared>>) target_semaphore(%run_scoped3A : memref<!tpu.dma_semaphore, #tpu.memory_space<semaphore_mem>>)
      %dma_wait3A_85 = arith.constant 0 : i32
      %dma_wait3A_86 = tpu.memref_slice %arg9[%multiple_of3A, %dma_wait3A_85] : memref<10000x128xf32, #tpu.memory_space<vmem_shared>> -> memref<624x128xf32, #tpu.memory_space<vmem_shared>>
      %dma_wait3A_87 = arith.constant 0 : i32
      %dma_wait3A_88 = tpu.memref_slice %arg4[%multiple_of3A, %dma_wait3A_87] : memref<10000x128xf32, #tpu.memory_space<hbm>> -> memref<624x128xf32, #tpu.memory_space<hbm>>
      tpu.wait_dma2 semaphore(%run_scoped3A : memref<!tpu.dma_semaphore, #tpu.memory_space<semaphore_mem>>) src(%dma_wait3A_88 : memref<624x128xf32, #tpu.memory_space<hbm>>) dst(%dma_wait3A_86 : memref<624x128xf32, #tpu.memory_space<vmem_shared>>)
      tpu.yield
    }) : () -> ()
    %eq3A = arith.constant 0 : i32
    %eq3A_5 = arith.cmpi eq, %arg1, %eq3A : i32
    %convert_element_type3A = arith.extui %eq3A_5 : i1 to i32
    %cond3A = arith.constant 0 : i32
    %cond3A_6 = arith.cmpi ne, %convert_element_type3A, %cond3A : i32
    scf.if %cond3A_6 {
      "tpu.region"() ({
        %run_scoped3A = tpu.sem_alloc : memref<!tpu.dma_semaphore, #tpu.memory_space<semaphore_mem>>
        %dma_start3A_81 = arith.constant 9984 : i32
        %dma_start3A_82 = arith.constant 0 : i32
        %dma_start3A_83 = tpu.memref_slice %arg9[%dma_start3A_81, %dma_start3A_82] : memref<10000x128xf32, #tpu.memory_space<vmem_shared>> -> memref<16x128xf32, #tpu.memory_space<vmem_shared>>
        %dma_start3A_84 = arith.constant 9984 : i32
        %dma_start3A_85 = arith.constant 0 : i32
        %dma_start3A_86 = tpu.memref_slice %arg4[%dma_start3A_84, %dma_start3A_85] : memref<10000x128xf32, #tpu.memory_space<hbm>> -> memref<16x128xf32, #tpu.memory_space<hbm>>
        tpu.enqueue_dma source(%dma_start3A_86 : memref<16x128xf32, #tpu.memory_space<hbm>>) target(%dma_start3A_83 : memref<16x128xf32, #tpu.memory_space<vmem_shared>>) target_semaphore(%run_scoped3A : memref<!tpu.dma_semaphore, #tpu.memory_space<semaphore_mem>>)
        %dma_wait3A_87 = arith.constant 9984 : i32
        %dma_wait3A_88 = arith.constant 0 : i32
        %dma_wait3A_89 = tpu.memref_slice %arg9[%dma_wait3A_87, %dma_wait3A_88] : memref<10000x128xf32, #tpu.memory_space<vmem_shared>> -> memref<16x128xf32, #tpu.memory_space<vmem_shared>>
        %dma_wait3A_90 = arith.constant 9984 : i32
        %dma_wait3A_91 = arith.constant 0 : i32
        %dma_wait3A_92 = tpu.memref_slice %arg4[%dma_wait3A_90, %dma_wait3A_91] : memref<10000x128xf32, #tpu.memory_space<hbm>> -> memref<16x128xf32, #tpu.memory_space<hbm>>
        tpu.wait_dma2 semaphore(%run_scoped3A : memref<!tpu.dma_semaphore, #tpu.memory_space<semaphore_mem>>) src(%dma_wait3A_92 : memref<16x128xf32, #tpu.memory_space<hbm>>) dst(%dma_wait3A_89 : memref<16x128xf32, #tpu.memory_space<vmem_shared>>)
        tpu.yield
      }) : () -> ()
    } else {
    }
    %add3A_7 = arith.constant 0 : i32
    %add3A_8 = arith.addi %mul3A_2, %add3A_7 : i32
    %multiple_of3A_9 = tpu.assume_multiple %add3A_8, 8 : i32
    %dma_start3A = arith.constant 0 : i32
    %dma_start3A_10 = arith.constant 0 : i32
    %dma_start3A_11 = arith.constant 0 : i32
    %dma_start3A_12 = tpu.memref_slice %arg6[%dma_start3A, %dma_start3A_10, %dma_start3A_11] : memref<2x80x128xf32, #tpu.memory_space<vmem>> -> memref<1x80x128xf32, #tpu.memory_space<vmem>>
    %dma_start3A_13 = tpu.memref_squeeze %dma_start3A_12 : memref<1x80x128xf32, #tpu.memory_space<vmem>> -> memref<80x128xf32, #tpu.memory_space<vmem>>
    %dma_start3A_14 = arith.constant 0 : i32
    %dma_start3A_15 = tpu.memref_slice %arg2[%multiple_of3A_9, %dma_start3A_14] : memref<320000x128xf32, #tpu.memory_space<hbm>> -> memref<80x128xf32, #tpu.memory_space<hbm>>
    %dma_start3A_16 = arith.constant 0 : i32
    %dma_start3A_17 = arith.constant 0 : i32
    %dma_start3A_18 = tpu.memref_slice %arg6[%dma_start3A, %dma_start3A_16, %dma_start3A_17] : memref<2x80x128xf32, #tpu.memory_space<vmem>> -> memref<1x80x128xf32, #tpu.memory_space<vmem>>
    %dma_start3A_19 = tpu.memref_squeeze %dma_start3A_18 : memref<1x80x128xf32, #tpu.memory_space<vmem>> -> memref<80x128xf32, #tpu.memory_space<vmem>>
    %dma_start3A_20 = arith.constant 0 : i32
    %dma_start3A_21 = tpu.memref_slice %arg2[%multiple_of3A_9, %dma_start3A_20] : memref<320000x128xf32, #tpu.memory_space<hbm>> -> memref<80x128xf32, #tpu.memory_space<hbm>>
    tpu.enqueue_dma source(%dma_start3A_21 : memref<80x128xf32, #tpu.memory_space<hbm>>) target(%dma_start3A_19 : memref<80x128xf32, #tpu.memory_space<vmem>>) target_semaphore(%arg10 : memref<!tpu.dma_semaphore, #tpu.memory_space<semaphore_mem>>)
    %add3A_22 = arith.constant 0 : i32
    %add3A_23 = arith.addi %mul3A_2, %add3A_22 : i32
    %multiple_of3A_24 = tpu.assume_multiple %add3A_23, 8 : i32
    %dma_start3A_25 = tpu.memref_slice %arg3[%multiple_of3A_24] : memref<320000xi32, #tpu.memory_space<hbm>> -> memref<80xi32, #tpu.memory_space<hbm>>
    %dma_start3A_26 = tpu.memref_slice %arg3[%multiple_of3A_24] : memref<320000xi32, #tpu.memory_space<hbm>> -> memref<80xi32, #tpu.memory_space<hbm>>
    tpu.enqueue_dma source(%dma_start3A_26 : memref<80xi32, #tpu.memory_space<hbm>>) target(%arg7 : memref<80xi32, #tpu.memory_space<vmem>>) target_semaphore(%arg14 : memref<!tpu.dma_semaphore, #tpu.memory_space<semaphore_mem>>)
    %barrier3A = arith.constant 0 : index
    tpu.barrier barrier_id(%barrier3A)
    %scan3A = arith.constant 0 : i32
    %scan3A_27 = arith.constant 62 : i32
    %scan3A_28 = arith.addi %scan3A, %scan3A_27 : i32
    %scan3A_29 = arith.constant 1 : i32
    scf.for %scan3A_81 = %scan3A to %scan3A_28 step %scan3A_29  : i32 {
      %mul3A_82 = arith.constant 1 : i32
      %mul3A_83 = arith.muli %scan3A_81, %mul3A_82 : i32
      %add3A_84 = arith.constant 0 : i32
      %add3A_85 = arith.addi %add3A_84, %mul3A_83 : i32
      %mul3A_86 = arith.constant 2 : i32
      %mul3A_87 = arith.muli %mul3A_86, %add3A_85 : i32
      %gt3A = arith.constant 0 : i32
      %gt3A_88 = arith.cmpi sgt, %add3A_85, %gt3A : i32
      %convert_element_type3A_89 = arith.extui %gt3A_88 : i1 to i32
      %cond3A_90 = arith.constant 0 : i32
      %cond3A_91 = arith.cmpi ne, %convert_element_type3A_89, %cond3A_90 : i32
      scf.if %cond3A_91 {
        %dma_wait3A_198 = arith.constant 1 : i32
        %dma_wait3A_199 = arith.constant 0 : i32
        %dma_wait3A_200 = arith.constant 0 : i32
        %dma_wait3A_201 = tpu.memref_slice %arg6[%dma_wait3A_198, %dma_wait3A_199, %dma_wait3A_200] : memref<2x80x128xf32, #tpu.memory_space<vmem>> -> memref<1x80x128xf32, #tpu.memory_space<vmem>>
        %dma_wait3A_202 = tpu.memref_squeeze %dma_wait3A_201 : memref<1x80x128xf32, #tpu.memory_space<vmem>> -> memref<80x128xf32, #tpu.memory_space<vmem>>
        %dma_wait3A_203 = arith.constant 0 : i32
        %dma_wait3A_204 = arith.constant 0 : i32
        %dma_wait3A_205 = tpu.memref_slice %arg9[%dma_wait3A_203, %dma_wait3A_204] : memref<10000x128xf32, #tpu.memory_space<vmem_shared>> -> memref<10000x128xf32, #tpu.memory_space<vmem_shared>>
        tpu.wait_indirect_dma semaphore(%arg13 : memref<!tpu.dma_semaphore, #tpu.memory_space<semaphore_mem>>) src(%dma_wait3A_202 : memref<80x128xf32, #tpu.memory_space<vmem>>) dst(%dma_wait3A_205 : memref<10000x128xf32, #tpu.memory_space<vmem_shared>>)
      } else {
      }
      %add3A_92 = arith.constant 1 : i32
      %add3A_93 = arith.addi %mul3A_87, %add3A_92 : i32
      %mul3A_94 = arith.constant 80 : i32
      %mul3A_95 = arith.muli %add3A_93, %mul3A_94 : i32
      %add3A_96 = arith.addi %mul3A_2, %mul3A_95 : i32
      %multiple_of3A_97 = tpu.assume_multiple %add3A_96, 8 : i32
      %dma_start3A_98 = arith.constant 1 : i32
      %dma_start3A_99 = arith.constant 0 : i32
      %dma_start3A_100 = arith.constant 0 : i32
      %dma_start3A_101 = tpu.memref_slice %arg6[%dma_start3A_98, %dma_start3A_99, %dma_start3A_100] : memref<2x80x128xf32, #tpu.memory_space<vmem>> -> memref<1x80x128xf32, #tpu.memory_space<vmem>>
      %dma_start3A_102 = tpu.memref_squeeze %dma_start3A_101 : memref<1x80x128xf32, #tpu.memory_space<vmem>> -> memref<80x128xf32, #tpu.memory_space<vmem>>
      %dma_start3A_103 = arith.constant 0 : i32
      %dma_start3A_104 = tpu.memref_slice %arg2[%multiple_of3A_97, %dma_start3A_103] : memref<320000x128xf32, #tpu.memory_space<hbm>> -> memref<80x128xf32, #tpu.memory_space<hbm>>
      %dma_start3A_105 = arith.constant 0 : i32
      %dma_start3A_106 = arith.constant 0 : i32
      %dma_start3A_107 = tpu.memref_slice %arg6[%dma_start3A_98, %dma_start3A_105, %dma_start3A_106] : memref<2x80x128xf32, #tpu.memory_space<vmem>> -> memref<1x80x128xf32, #tpu.memory_space<vmem>>
      %dma_start3A_108 = tpu.memref_squeeze %dma_start3A_107 : memref<1x80x128xf32, #tpu.memory_space<vmem>> -> memref<80x128xf32, #tpu.memory_space<vmem>>
      %dma_start3A_109 = arith.constant 0 : i32
      %dma_start3A_110 = tpu.memref_slice %arg2[%multiple_of3A_97, %dma_start3A_109] : memref<320000x128xf32, #tpu.memory_space<hbm>> -> memref<80x128xf32, #tpu.memory_space<hbm>>
      tpu.enqueue_dma source(%dma_start3A_110 : memref<80x128xf32, #tpu.memory_space<hbm>>) target(%dma_start3A_108 : memref<80x128xf32, #tpu.memory_space<vmem>>) target_semaphore(%arg11 : memref<!tpu.dma_semaphore, #tpu.memory_space<semaphore_mem>>)
      %mul3A_111 = arith.constant 80 : i32
      %mul3A_112 = arith.muli %add3A_93, %mul3A_111 : i32
      %add3A_113 = arith.addi %mul3A_2, %mul3A_112 : i32
      %multiple_of3A_114 = tpu.assume_multiple %add3A_113, 8 : i32
      %dma_start3A_115 = tpu.memref_slice %arg3[%multiple_of3A_114] : memref<320000xi32, #tpu.memory_space<hbm>> -> memref<80xi32, #tpu.memory_space<hbm>>
      %dma_start3A_116 = tpu.memref_slice %arg3[%multiple_of3A_114] : memref<320000xi32, #tpu.memory_space<hbm>> -> memref<80xi32, #tpu.memory_space<hbm>>
      tpu.enqueue_dma source(%dma_start3A_116 : memref<80xi32, #tpu.memory_space<hbm>>) target(%arg8 : memref<80xi32, #tpu.memory_space<vmem>>) target_semaphore(%arg15 : memref<!tpu.dma_semaphore, #tpu.memory_space<semaphore_mem>>)
      %dma_wait3A_117 = arith.constant 0 : i32
      %dma_wait3A_118 = arith.constant 0 : i32
      %dma_wait3A_119 = arith.constant 0 : i32
      %dma_wait3A_120 = tpu.memref_slice %arg6[%dma_wait3A_117, %dma_wait3A_118, %dma_wait3A_119] : memref<2x80x128xf32, #tpu.memory_space<vmem>> -> memref<1x80x128xf32, #tpu.memory_space<vmem>>
      %dma_wait3A_121 = tpu.memref_squeeze %dma_wait3A_120 : memref<1x80x128xf32, #tpu.memory_space<vmem>> -> memref<80x128xf32, #tpu.memory_space<vmem>>
      %dma_wait3A_122 = arith.constant 0 : i32
      %dma_wait3A_123 = tpu.memref_slice %arg2[%mul3A_2, %dma_wait3A_122] : memref<320000x128xf32, #tpu.memory_space<hbm>> -> memref<80x128xf32, #tpu.memory_space<hbm>>
      %dma_wait3A_124 = arith.constant 0 : i32
      %dma_wait3A_125 = arith.constant 0 : i32
      %dma_wait3A_126 = tpu.memref_slice %arg6[%dma_wait3A_117, %dma_wait3A_124, %dma_wait3A_125] : memref<2x80x128xf32, #tpu.memory_space<vmem>> -> memref<1x80x128xf32, #tpu.memory_space<vmem>>
      %dma_wait3A_127 = tpu.memref_squeeze %dma_wait3A_126 : memref<1x80x128xf32, #tpu.memory_space<vmem>> -> memref<80x128xf32, #tpu.memory_space<vmem>>
      %dma_wait3A_128 = arith.constant 0 : i32
      %dma_wait3A_129 = tpu.memref_slice %arg2[%mul3A_2, %dma_wait3A_128] : memref<320000x128xf32, #tpu.memory_space<hbm>> -> memref<80x128xf32, #tpu.memory_space<hbm>>
      tpu.wait_dma2 semaphore(%arg10 : memref<!tpu.dma_semaphore, #tpu.memory_space<semaphore_mem>>) src(%dma_wait3A_129 : memref<80x128xf32, #tpu.memory_space<hbm>>) dst(%dma_wait3A_127 : memref<80x128xf32, #tpu.memory_space<vmem>>)
      %dma_wait3A_130 = tpu.memref_slice %arg3[%mul3A_2] : memref<320000xi32, #tpu.memory_space<hbm>> -> memref<80xi32, #tpu.memory_space<hbm>>
      %dma_wait3A_131 = tpu.memref_slice %arg3[%mul3A_2] : memref<320000xi32, #tpu.memory_space<hbm>> -> memref<80xi32, #tpu.memory_space<hbm>>
      tpu.wait_dma2 semaphore(%arg14 : memref<!tpu.dma_semaphore, #tpu.memory_space<semaphore_mem>>) src(%dma_wait3A_131 : memref<80xi32, #tpu.memory_space<hbm>>) dst(%arg7 : memref<80xi32, #tpu.memory_space<vmem>>)
      %dma_start3A_132 = arith.constant 0 : i32
      %dma_start3A_133 = arith.constant 0 : i32
      %dma_start3A_134 = arith.constant 0 : i32
      %dma_start3A_135 = tpu.memref_slice %arg6[%dma_start3A_132, %dma_start3A_133, %dma_start3A_134] : memref<2x80x128xf32, #tpu.memory_space<vmem>> -> memref<1x80x128xf32, #tpu.memory_space<vmem>>
      %dma_start3A_136 = tpu.memref_squeeze %dma_start3A_135 : memref<1x80x128xf32, #tpu.memory_space<vmem>> -> memref<80x128xf32, #tpu.memory_space<vmem>>
      %dma_start3A_137 = arith.constant 0 : i32
      %dma_start3A_138 = arith.constant 0 : i32
      %dma_start3A_139 = tpu.memref_slice %arg9[%dma_start3A_137, %dma_start3A_138] : memref<10000x128xf32, #tpu.memory_space<vmem_shared>> -> memref<10000x128xf32, #tpu.memory_space<vmem_shared>>
      tpu.enqueue_indirect_dma source(%dma_start3A_136 : memref<80x128xf32, #tpu.memory_space<vmem>>) target(%dma_start3A_139 : memref<10000x128xf32, #tpu.memory_space<vmem_shared>>) offsets(%arg7 : memref<80xi32, #tpu.memory_space<vmem>>) semaphore(%arg12 : memref<!tpu.dma_semaphore, #tpu.memory_space<semaphore_mem>>) {add = true}
      %dma_wait3A_140 = arith.constant 0 : i32
      %dma_wait3A_141 = arith.constant 0 : i32
      %dma_wait3A_142 = arith.constant 0 : i32
      %dma_wait3A_143 = tpu.memref_slice %arg6[%dma_wait3A_140, %dma_wait3A_141, %dma_wait3A_142] : memref<2x80x128xf32, #tpu.memory_space<vmem>> -> memref<1x80x128xf32, #tpu.memory_space<vmem>>
      %dma_wait3A_144 = tpu.memref_squeeze %dma_wait3A_143 : memref<1x80x128xf32, #tpu.memory_space<vmem>> -> memref<80x128xf32, #tpu.memory_space<vmem>>
      %dma_wait3A_145 = arith.constant 0 : i32
      %dma_wait3A_146 = arith.constant 0 : i32
      %dma_wait3A_147 = tpu.memref_slice %arg9[%dma_wait3A_145, %dma_wait3A_146] : memref<10000x128xf32, #tpu.memory_space<vmem_shared>> -> memref<10000x128xf32, #tpu.memory_space<vmem_shared>>
      tpu.wait_indirect_dma semaphore(%arg12 : memref<!tpu.dma_semaphore, #tpu.memory_space<semaphore_mem>>) src(%dma_wait3A_144 : memref<80x128xf32, #tpu.memory_space<vmem>>) dst(%dma_wait3A_147 : memref<10000x128xf32, #tpu.memory_space<vmem_shared>>)
      %add3A_148 = arith.constant 2 : i32
      %add3A_149 = arith.addi %mul3A_87, %add3A_148 : i32
      %mul3A_150 = arith.constant 80 : i32
      %mul3A_151 = arith.muli %add3A_149, %mul3A_150 : i32
      %add3A_152 = arith.addi %mul3A_2, %mul3A_151 : i32
      %multiple_of3A_153 = tpu.assume_multiple %add3A_152, 8 : i32
      %dma_start3A_154 = arith.constant 0 : i32
      %dma_start3A_155 = arith.constant 0 : i32
      %dma_start3A_156 = arith.constant 0 : i32
      %dma_start3A_157 = tpu.memref_slice %arg6[%dma_start3A_154, %dma_start3A_155, %dma_start3A_156] : memref<2x80x128xf32, #tpu.memory_space<vmem>> -> memref<1x80x128xf32, #tpu.memory_space<vmem>>
      %dma_start3A_158 = tpu.memref_squeeze %dma_start3A_157 : memref<1x80x128xf32, #tpu.memory_space<vmem>> -> memref<80x128xf32, #tpu.memory_space<vmem>>
      %dma_start3A_159 = arith.constant 0 : i32
      %dma_start3A_160 = tpu.memref_slice %arg2[%multiple_of3A_153, %dma_start3A_159] : memref<320000x128xf32, #tpu.memory_space<hbm>> -> memref<80x128xf32, #tpu.memory_space<hbm>>
      %dma_start3A_161 = arith.constant 0 : i32
      %dma_start3A_162 = arith.constant 0 : i32
      %dma_start3A_163 = tpu.memref_slice %arg6[%dma_start3A_154, %dma_start3A_161, %dma_start3A_162] : memref<2x80x128xf32, #tpu.memory_space<vmem>> -> memref<1x80x128xf32, #tpu.memory_space<vmem>>
      %dma_start3A_164 = tpu.memref_squeeze %dma_start3A_163 : memref<1x80x128xf32, #tpu.memory_space<vmem>> -> memref<80x128xf32, #tpu.memory_space<vmem>>
      %dma_start3A_165 = arith.constant 0 : i32
      %dma_start3A_166 = tpu.memref_slice %arg2[%multiple_of3A_153, %dma_start3A_165] : memref<320000x128xf32, #tpu.memory_space<hbm>> -> memref<80x128xf32, #tpu.memory_space<hbm>>
      tpu.enqueue_dma source(%dma_start3A_166 : memref<80x128xf32, #tpu.memory_space<hbm>>) target(%dma_start3A_164 : memref<80x128xf32, #tpu.memory_space<vmem>>) target_semaphore(%arg10 : memref<!tpu.dma_semaphore, #tpu.memory_space<semaphore_mem>>)
      %mul3A_167 = arith.constant 80 : i32
      %mul3A_168 = arith.muli %add3A_149, %mul3A_167 : i32
      %add3A_169 = arith.addi %mul3A_2, %mul3A_168 : i32
      %multiple_of3A_170 = tpu.assume_multiple %add3A_169, 8 : i32
      %dma_start3A_171 = tpu.memref_slice %arg3[%multiple_of3A_170] : memref<320000xi32, #tpu.memory_space<hbm>> -> memref<80xi32, #tpu.memory_space<hbm>>
      %dma_start3A_172 = tpu.memref_slice %arg3[%multiple_of3A_170] : memref<320000xi32, #tpu.memory_space<hbm>> -> memref<80xi32, #tpu.memory_space<hbm>>
      tpu.enqueue_dma source(%dma_start3A_172 : memref<80xi32, #tpu.memory_space<hbm>>) target(%arg7 : memref<80xi32, #tpu.memory_space<vmem>>) target_semaphore(%arg14 : memref<!tpu.dma_semaphore, #tpu.memory_space<semaphore_mem>>)
      %dma_wait3A_173 = arith.constant 1 : i32
      %dma_wait3A_174 = arith.constant 0 : i32
      %dma_wait3A_175 = arith.constant 0 : i32
      %dma_wait3A_176 = tpu.memref_slice %arg6[%dma_wait3A_173, %dma_wait3A_174, %dma_wait3A_175] : memref<2x80x128xf32, #tpu.memory_space<vmem>> -> memref<1x80x128xf32, #tpu.memory_space<vmem>>
      %dma_wait3A_177 = tpu.memref_squeeze %dma_wait3A_176 : memref<1x80x128xf32, #tpu.memory_space<vmem>> -> memref<80x128xf32, #tpu.memory_space<vmem>>
      %dma_wait3A_178 = arith.constant 0 : i32
      %dma_wait3A_179 = tpu.memref_slice %arg2[%mul3A_2, %dma_wait3A_178] : memref<320000x128xf32, #tpu.memory_space<hbm>> -> memref<80x128xf32, #tpu.memory_space<hbm>>
      %dma_wait3A_180 = arith.constant 0 : i32
      %dma_wait3A_181 = arith.constant 0 : i32
      %dma_wait3A_182 = tpu.memref_slice %arg6[%dma_wait3A_173, %dma_wait3A_180, %dma_wait3A_181] : memref<2x80x128xf32, #tpu.memory_space<vmem>> -> memref<1x80x128xf32, #tpu.memory_space<vmem>>
      %dma_wait3A_183 = tpu.memref_squeeze %dma_wait3A_182 : memref<1x80x128xf32, #tpu.memory_space<vmem>> -> memref<80x128xf32, #tpu.memory_space<vmem>>
      %dma_wait3A_184 = arith.constant 0 : i32
      %dma_wait3A_185 = tpu.memref_slice %arg2[%mul3A_2, %dma_wait3A_184] : memref<320000x128xf32, #tpu.memory_space<hbm>> -> memref<80x128xf32, #tpu.memory_space<hbm>>
      tpu.wait_dma2 semaphore(%arg11 : memref<!tpu.dma_semaphore, #tpu.memory_space<semaphore_mem>>) src(%dma_wait3A_185 : memref<80x128xf32, #tpu.memory_space<hbm>>) dst(%dma_wait3A_183 : memref<80x128xf32, #tpu.memory_space<vmem>>)
      %dma_wait3A_186 = tpu.memref_slice %arg3[%mul3A_2] : memref<320000xi32, #tpu.memory_space<hbm>> -> memref<80xi32, #tpu.memory_space<hbm>>
      %dma_wait3A_187 = tpu.memref_slice %arg3[%mul3A_2] : memref<320000xi32, #tpu.memory_space<hbm>> -> memref<80xi32, #tpu.memory_space<hbm>>
      tpu.wait_dma2 semaphore(%arg15 : memref<!tpu.dma_semaphore, #tpu.memory_space<semaphore_mem>>) src(%dma_wait3A_187 : memref<80xi32, #tpu.memory_space<hbm>>) dst(%arg8 : memref<80xi32, #tpu.memory_space<vmem>>)
      %add3A_188 = arith.constant 1 : i32
      %add3A_189 = arith.addi %mul3A_87, %add3A_188 : i32
      %dma_start3A_190 = arith.constant 1 : i32
      %dma_start3A_191 = arith.constant 0 : i32
      %dma_start3A_192 = arith.constant 0 : i32
      %dma_start3A_193 = tpu.memref_slice %arg6[%dma_start3A_190, %dma_start3A_191, %dma_start3A_192] : memref<2x80x128xf32, #tpu.memory_space<vmem>> -> memref<1x80x128xf32, #tpu.memory_space<vmem>>
      %dma_start3A_194 = tpu.memref_squeeze %dma_start3A_193 : memref<1x80x128xf32, #tpu.memory_space<vmem>> -> memref<80x128xf32, #tpu.memory_space<vmem>>
      %dma_start3A_195 = arith.constant 0 : i32
      %dma_start3A_196 = arith.constant 0 : i32
      %dma_start3A_197 = tpu.memref_slice %arg9[%dma_start3A_195, %dma_start3A_196] : memref<10000x128xf32, #tpu.memory_space<vmem_shared>> -> memref<10000x128xf32, #tpu.memory_space<vmem_shared>>
      tpu.enqueue_indirect_dma source(%dma_start3A_194 : memref<80x128xf32, #tpu.memory_space<vmem>>) target(%dma_start3A_197 : memref<10000x128xf32, #tpu.memory_space<vmem_shared>>) offsets(%arg8 : memref<80xi32, #tpu.memory_space<vmem>>) semaphore(%arg13 : memref<!tpu.dma_semaphore, #tpu.memory_space<semaphore_mem>>) {add = true}
    }
    %scan3A_30 = arith.constant 62 : i32
    %dma_wait3A = arith.constant 1 : i32
    %dma_wait3A_31 = arith.constant 0 : i32
    %dma_wait3A_32 = arith.constant 0 : i32
    %dma_wait3A_33 = tpu.memref_slice %arg6[%dma_wait3A, %dma_wait3A_31, %dma_wait3A_32] : memref<2x80x128xf32, #tpu.memory_space<vmem>> -> memref<1x80x128xf32, #tpu.memory_space<vmem>>
    %dma_wait3A_34 = tpu.memref_squeeze %dma_wait3A_33 : memref<1x80x128xf32, #tpu.memory_space<vmem>> -> memref<80x128xf32, #tpu.memory_space<vmem>>
    %dma_wait3A_35 = arith.constant 0 : i32
    %dma_wait3A_36 = arith.constant 0 : i32
    %dma_wait3A_37 = tpu.memref_slice %arg9[%dma_wait3A_35, %dma_wait3A_36] : memref<10000x128xf32, #tpu.memory_space<vmem_shared>> -> memref<10000x128xf32, #tpu.memory_space<vmem_shared>>
    tpu.wait_indirect_dma semaphore(%arg13 : memref<!tpu.dma_semaphore, #tpu.memory_space<semaphore_mem>>) src(%dma_wait3A_34 : memref<80x128xf32, #tpu.memory_space<vmem>>) dst(%dma_wait3A_37 : memref<10000x128xf32, #tpu.memory_space<vmem_shared>>)
    %dma_wait3A_38 = arith.constant 0 : i32
    %dma_wait3A_39 = arith.constant 0 : i32
    %dma_wait3A_40 = arith.constant 0 : i32
    %dma_wait3A_41 = tpu.memref_slice %arg6[%dma_wait3A_38, %dma_wait3A_39, %dma_wait3A_40] : memref<2x80x128xf32, #tpu.memory_space<vmem>> -> memref<1x80x128xf32, #tpu.memory_space<vmem>>
    %dma_wait3A_42 = tpu.memref_squeeze %dma_wait3A_41 : memref<1x80x128xf32, #tpu.memory_space<vmem>> -> memref<80x128xf32, #tpu.memory_space<vmem>>
    %dma_wait3A_43 = arith.constant 0 : i32
    %dma_wait3A_44 = tpu.memref_slice %arg2[%mul3A_2, %dma_wait3A_43] : memref<320000x128xf32, #tpu.memory_space<hbm>> -> memref<80x128xf32, #tpu.memory_space<hbm>>
    %dma_wait3A_45 = arith.constant 0 : i32
    %dma_wait3A_46 = arith.constant 0 : i32
    %dma_wait3A_47 = tpu.memref_slice %arg6[%dma_wait3A_38, %dma_wait3A_45, %dma_wait3A_46] : memref<2x80x128xf32, #tpu.memory_space<vmem>> -> memref<1x80x128xf32, #tpu.memory_space<vmem>>
    %dma_wait3A_48 = tpu.memref_squeeze %dma_wait3A_47 : memref<1x80x128xf32, #tpu.memory_space<vmem>> -> memref<80x128xf32, #tpu.memory_space<vmem>>
    %dma_wait3A_49 = arith.constant 0 : i32
    %dma_wait3A_50 = tpu.memref_slice %arg2[%mul3A_2, %dma_wait3A_49] : memref<320000x128xf32, #tpu.memory_space<hbm>> -> memref<80x128xf32, #tpu.memory_space<hbm>>
    tpu.wait_dma2 semaphore(%arg10 : memref<!tpu.dma_semaphore, #tpu.memory_space<semaphore_mem>>) src(%dma_wait3A_50 : memref<80x128xf32, #tpu.memory_space<hbm>>) dst(%dma_wait3A_48 : memref<80x128xf32, #tpu.memory_space<vmem>>)
    %dma_wait3A_51 = tpu.memref_slice %arg3[%mul3A_2] : memref<320000xi32, #tpu.memory_space<hbm>> -> memref<80xi32, #tpu.memory_space<hbm>>
    %dma_wait3A_52 = tpu.memref_slice %arg3[%mul3A_2] : memref<320000xi32, #tpu.memory_space<hbm>> -> memref<80xi32, #tpu.memory_space<hbm>>
    tpu.wait_dma2 semaphore(%arg14 : memref<!tpu.dma_semaphore, #tpu.memory_space<semaphore_mem>>) src(%dma_wait3A_52 : memref<80xi32, #tpu.memory_space<hbm>>) dst(%arg7 : memref<80xi32, #tpu.memory_space<vmem>>)
    %dma_start3A_53 = arith.constant 0 : i32
    %dma_start3A_54 = arith.constant 0 : i32
    %dma_start3A_55 = arith.constant 0 : i32
    %dma_start3A_56 = tpu.memref_slice %arg6[%dma_start3A_53, %dma_start3A_54, %dma_start3A_55] : memref<2x80x128xf32, #tpu.memory_space<vmem>> -> memref<1x80x128xf32, #tpu.memory_space<vmem>>
    %dma_start3A_57 = tpu.memref_squeeze %dma_start3A_56 : memref<1x80x128xf32, #tpu.memory_space<vmem>> -> memref<80x128xf32, #tpu.memory_space<vmem>>
    %dma_start3A_58 = arith.constant 0 : i32
    %dma_start3A_59 = arith.constant 0 : i32
    %dma_start3A_60 = tpu.memref_slice %arg9[%dma_start3A_58, %dma_start3A_59] : memref<10000x128xf32, #tpu.memory_space<vmem_shared>> -> memref<10000x128xf32, #tpu.memory_space<vmem_shared>>
    tpu.enqueue_indirect_dma source(%dma_start3A_57 : memref<80x128xf32, #tpu.memory_space<vmem>>) target(%dma_start3A_60 : memref<10000x128xf32, #tpu.memory_space<vmem_shared>>) offsets(%arg7 : memref<80xi32, #tpu.memory_space<vmem>>) semaphore(%arg12 : memref<!tpu.dma_semaphore, #tpu.memory_space<semaphore_mem>>) {add = true}
    %dma_wait3A_61 = arith.constant 0 : i32
    %dma_wait3A_62 = arith.constant 0 : i32
    %dma_wait3A_63 = arith.constant 0 : i32
    %dma_wait3A_64 = tpu.memref_slice %arg6[%dma_wait3A_61, %dma_wait3A_62, %dma_wait3A_63] : memref<2x80x128xf32, #tpu.memory_space<vmem>> -> memref<1x80x128xf32, #tpu.memory_space<vmem>>
    %dma_wait3A_65 = tpu.memref_squeeze %dma_wait3A_64 : memref<1x80x128xf32, #tpu.memory_space<vmem>> -> memref<80x128xf32, #tpu.memory_space<vmem>>
    %dma_wait3A_66 = arith.constant 0 : i32
    %dma_wait3A_67 = arith.constant 0 : i32
    %dma_wait3A_68 = tpu.memref_slice %arg9[%dma_wait3A_66, %dma_wait3A_67] : memref<10000x128xf32, #tpu.memory_space<vmem_shared>> -> memref<10000x128xf32, #tpu.memory_space<vmem_shared>>
    tpu.wait_indirect_dma semaphore(%arg12 : memref<!tpu.dma_semaphore, #tpu.memory_space<semaphore_mem>>) src(%dma_wait3A_65 : memref<80x128xf32, #tpu.memory_space<vmem>>) dst(%dma_wait3A_68 : memref<10000x128xf32, #tpu.memory_space<vmem_shared>>)
    %barrier3A_69 = arith.constant 0 : index
    tpu.barrier barrier_id(%barrier3A_69)
    %mul3A_70 = arith.constant 10000 : i32
    %mul3A_71 = arith.muli %arg0, %mul3A_70 : i32
    %mul3A_72 = arith.constant 624 : i32
    %mul3A_73 = arith.muli %arg1, %mul3A_72 : i32
    %add3A_74 = arith.addi %mul3A_71, %mul3A_73 : i32
    %multiple_of3A_75 = tpu.assume_multiple %add3A_74, 8 : i32
    "tpu.region"() ({
      %run_scoped3A = tpu.sem_alloc : memref<!tpu.dma_semaphore, #tpu.memory_space<semaphore_mem>>
      %dma_start3A_81 = arith.constant 0 : i32
      %dma_start3A_82 = tpu.memref_slice %arg5[%multiple_of3A_75, %dma_start3A_81] : memref<20000x128xf32, #tpu.memory_space<hbm>> -> memref<624x128xf32, #tpu.memory_space<hbm>>
      %dma_start3A_83 = arith.constant 0 : i32
      %dma_start3A_84 = tpu.memref_slice %arg9[%multiple_of3A, %dma_start3A_83] : memref<10000x128xf32, #tpu.memory_space<vmem_shared>> -> memref<624x128xf32, #tpu.memory_space<vmem_shared>>
      tpu.enqueue_dma source(%dma_start3A_84 : memref<624x128xf32, #tpu.memory_space<vmem_shared>>) target(%dma_start3A_82 : memref<624x128xf32, #tpu.memory_space<hbm>>) target_semaphore(%run_scoped3A : memref<!tpu.dma_semaphore, #tpu.memory_space<semaphore_mem>>)
      %dma_wait3A_85 = arith.constant 0 : i32
      %dma_wait3A_86 = tpu.memref_slice %arg5[%multiple_of3A_75, %dma_wait3A_85] : memref<20000x128xf32, #tpu.memory_space<hbm>> -> memref<624x128xf32, #tpu.memory_space<hbm>>
      %dma_wait3A_87 = arith.constant 0 : i32
      %dma_wait3A_88 = tpu.memref_slice %arg9[%multiple_of3A, %dma_wait3A_87] : memref<10000x128xf32, #tpu.memory_space<vmem_shared>> -> memref<624x128xf32, #tpu.memory_space<vmem_shared>>
      tpu.wait_dma2 semaphore(%run_scoped3A : memref<!tpu.dma_semaphore, #tpu.memory_space<semaphore_mem>>) src(%dma_wait3A_88 : memref<624x128xf32, #tpu.memory_space<vmem_shared>>) dst(%dma_wait3A_86 : memref<624x128xf32, #tpu.memory_space<hbm>>)
      tpu.yield
    }) : () -> ()
    %eq3A_76 = arith.constant 0 : i32
    %eq3A_77 = arith.cmpi eq, %arg1, %eq3A_76 : i32
    %convert_element_type3A_78 = arith.extui %eq3A_77 : i1 to i32
    %cond3A_79 = arith.constant 0 : i32
    %cond3A_80 = arith.cmpi ne, %convert_element_type3A_78, %cond3A_79 : i32
    scf.if %cond3A_80 {
      %mul3A_81 = arith.constant 10000 : i32
      %mul3A_82 = arith.muli %arg0, %mul3A_81 : i32
      %add3A_83 = arith.constant 9984 : i32
      %add3A_84 = arith.addi %mul3A_82, %add3A_83 : i32
      %multiple_of3A_85 = tpu.assume_multiple %add3A_84, 8 : i32
      "tpu.region"() ({
        %run_scoped3A = tpu.sem_alloc : memref<!tpu.dma_semaphore, #tpu.memory_space<semaphore_mem>>
        %dma_start3A_86 = arith.constant 0 : i32
        %dma_start3A_87 = tpu.memref_slice %arg5[%multiple_of3A_85, %dma_start3A_86] : memref<20000x128xf32, #tpu.memory_space<hbm>> -> memref<16x128xf32, #tpu.memory_space<hbm>>
        %dma_start3A_88 = arith.constant 9984 : i32
        %dma_start3A_89 = arith.constant 0 : i32
        %dma_start3A_90 = tpu.memref_slice %arg9[%dma_start3A_88, %dma_start3A_89] : memref<10000x128xf32, #tpu.memory_space<vmem_shared>> -> memref<16x128xf32, #tpu.memory_space<vmem_shared>>
        tpu.enqueue_dma source(%dma_start3A_90 : memref<16x128xf32, #tpu.memory_space<vmem_shared>>) target(%dma_start3A_87 : memref<16x128xf32, #tpu.memory_space<hbm>>) target_semaphore(%run_scoped3A : memref<!tpu.dma_semaphore, #tpu.memory_space<semaphore_mem>>)
        %dma_wait3A_91 = arith.constant 0 : i32
        %dma_wait3A_92 = tpu.memref_slice %arg5[%multiple_of3A_85, %dma_wait3A_91] : memref<20000x128xf32, #tpu.memory_space<hbm>> -> memref<16x128xf32, #tpu.memory_space<hbm>>
        %dma_wait3A_93 = arith.constant 9984 : i32
        %dma_wait3A_94 = arith.constant 0 : i32
        %dma_wait3A_95 = tpu.memref_slice %arg9[%dma_wait3A_93, %dma_wait3A_94] : memref<10000x128xf32, #tpu.memory_space<vmem_shared>> -> memref<16x128xf32, #tpu.memory_space<vmem_shared>>
        tpu.wait_dma2 semaphore(%run_scoped3A : memref<!tpu.dma_semaphore, #tpu.memory_space<semaphore_mem>>) src(%dma_wait3A_95 : memref<16x128xf32, #tpu.memory_space<vmem_shared>>) dst(%dma_wait3A_92 : memref<16x128xf32, #tpu.memory_space<hbm>>)
        tpu.yield
      }) : () -> ()
    } else {
    }
    return
  }
}

#map = affine_map<(d0, d1) -> (0, 0)>
#map1 = affine_map<(d0, d1) -> (0)>
module attributes {stable_mosaic.version = 14 : i64} {
  func.func @_sc_gather(%arg0: i32, %arg1: i32, %arg2: memref<10000x128xf32, #tpu.memory_space<hbm>>, %arg3: memref<320000xi32, #tpu.memory_space<hbm>>, %arg4: memref<320000xi32, #tpu.memory_space<hbm>>, %arg5: memref<320000x128xf32, #tpu.memory_space<hbm>>, %arg6: memref<10000xi32, #tpu.memory_space<vmem>>, %arg7: memref<10000xi32, #tpu.memory_space<vmem>>, %arg8: memref<2x200x128xf32, #tpu.memory_space<vmem>>, %arg9: memref<2x200x128xf32, #tpu.memory_space<vmem>>, %arg10: memref<!tpu.dma_semaphore, #tpu.memory_space<semaphore_mem>>, %arg11: memref<!tpu.dma_semaphore, #tpu.memory_space<semaphore_mem>>, %arg12: memref<!tpu.dma_semaphore, #tpu.memory_space<semaphore_mem>>, %arg13: memref<!tpu.dma_semaphore, #tpu.memory_space<semaphore_mem>>, %arg14: memref<!tpu.dma_semaphore, #tpu.memory_space<semaphore_mem>>, %arg15: memref<!tpu.dma_semaphore, #tpu.memory_space<semaphore_mem>>) attributes {dimension_semantics = [#tpu.dimension_semantics<core_parallel>, #tpu.dimension_semantics<subcore_parallel>], iteration_bounds = array<i64: 2, 16>, scalar_prefetch = 0 : i64, scratch_operands = 10 : i64, tpu.core_type = #tpu.core_type<sc_vector_subcore>, window_params = [{transform_indices = #map}, {transform_indices = #map1}, {transform_indices = #map1}, {transform_indices = #map}]} {
    %mul3A = arith.constant 16 : i32
    %mul3A_0 = arith.muli %arg0, %mul3A : i32
    %add3A = arith.addi %mul3A_0, %arg1 : i32
    %mul3A_1 = arith.constant 10000 : i32
    %mul3A_2 = arith.muli %add3A, %mul3A_1 : i32
    "tpu.region"() ({
      %run_scoped3A = tpu.sem_alloc : memref<!tpu.dma_semaphore, #tpu.memory_space<semaphore_mem>>
      %dma_start3A_165 = tpu.memref_slice %arg3[%mul3A_2] : memref<320000xi32, #tpu.memory_space<hbm>> -> memref<10000xi32, #tpu.memory_space<hbm>>
      %dma_start3A_166 = tpu.memref_slice %arg3[%mul3A_2] : memref<320000xi32, #tpu.memory_space<hbm>> -> memref<10000xi32, #tpu.memory_space<hbm>>
      tpu.enqueue_dma source(%dma_start3A_166 : memref<10000xi32, #tpu.memory_space<hbm>>) target(%arg6 : memref<10000xi32, #tpu.memory_space<vmem>>) target_semaphore(%run_scoped3A : memref<!tpu.dma_semaphore, #tpu.memory_space<semaphore_mem>>)
      %dma_wait3A_167 = tpu.memref_slice %arg3[%mul3A_2] : memref<320000xi32, #tpu.memory_space<hbm>> -> memref<10000xi32, #tpu.memory_space<hbm>>
      %dma_wait3A_168 = tpu.memref_slice %arg3[%mul3A_2] : memref<320000xi32, #tpu.memory_space<hbm>> -> memref<10000xi32, #tpu.memory_space<hbm>>
      tpu.wait_dma2 semaphore(%run_scoped3A : memref<!tpu.dma_semaphore, #tpu.memory_space<semaphore_mem>>) src(%dma_wait3A_168 : memref<10000xi32, #tpu.memory_space<hbm>>) dst(%arg6 : memref<10000xi32, #tpu.memory_space<vmem>>)
      tpu.yield
    }) : () -> ()
    "tpu.region"() ({
      %run_scoped3A = tpu.sem_alloc : memref<!tpu.dma_semaphore, #tpu.memory_space<semaphore_mem>>
      %dma_start3A_165 = tpu.memref_slice %arg4[%mul3A_2] : memref<320000xi32, #tpu.memory_space<hbm>> -> memref<10000xi32, #tpu.memory_space<hbm>>
      %dma_start3A_166 = tpu.memref_slice %arg4[%mul3A_2] : memref<320000xi32, #tpu.memory_space<hbm>> -> memref<10000xi32, #tpu.memory_space<hbm>>
      tpu.enqueue_dma source(%dma_start3A_166 : memref<10000xi32, #tpu.memory_space<hbm>>) target(%arg7 : memref<10000xi32, #tpu.memory_space<vmem>>) target_semaphore(%run_scoped3A : memref<!tpu.dma_semaphore, #tpu.memory_space<semaphore_mem>>)
      %dma_wait3A_167 = tpu.memref_slice %arg4[%mul3A_2] : memref<320000xi32, #tpu.memory_space<hbm>> -> memref<10000xi32, #tpu.memory_space<hbm>>
      %dma_wait3A_168 = tpu.memref_slice %arg4[%mul3A_2] : memref<320000xi32, #tpu.memory_space<hbm>> -> memref<10000xi32, #tpu.memory_space<hbm>>
      tpu.wait_dma2 semaphore(%run_scoped3A : memref<!tpu.dma_semaphore, #tpu.memory_space<semaphore_mem>>) src(%dma_wait3A_168 : memref<10000xi32, #tpu.memory_space<hbm>>) dst(%arg7 : memref<10000xi32, #tpu.memory_space<vmem>>)
      tpu.yield
    }) : () -> ()
    %dma_start3A = arith.constant 0 : i32
    %dma_start3A_3 = arith.constant 0 : i32
    %dma_start3A_4 = arith.constant 0 : i32
    %dma_start3A_5 = tpu.memref_slice %arg8[%dma_start3A, %dma_start3A_3, %dma_start3A_4] : memref<2x200x128xf32, #tpu.memory_space<vmem>> -> memref<1x200x128xf32, #tpu.memory_space<vmem>>
    %dma_start3A_6 = tpu.memref_squeeze %dma_start3A_5 : memref<1x200x128xf32, #tpu.memory_space<vmem>> -> memref<200x128xf32, #tpu.memory_space<vmem>>
    %dma_start3A_7 = arith.constant 0 : i32
    %dma_start3A_8 = tpu.memref_slice %arg6[%dma_start3A_7] : memref<10000xi32, #tpu.memory_space<vmem>> -> memref<200xi32, #tpu.memory_space<vmem>>
    %dma_start3A_9 = arith.constant 0 : i32
    %dma_start3A_10 = arith.constant 0 : i32
    %dma_start3A_11 = tpu.memref_slice %arg2[%dma_start3A_9, %dma_start3A_10] : memref<10000x128xf32, #tpu.memory_space<hbm>> -> memref<10000x128xf32, #tpu.memory_space<hbm>>
    tpu.enqueue_indirect_dma source(%dma_start3A_11 : memref<10000x128xf32, #tpu.memory_space<hbm>>) target(%dma_start3A_6 : memref<200x128xf32, #tpu.memory_space<vmem>>) offsets(%dma_start3A_8 : memref<200xi32, #tpu.memory_space<vmem>>) semaphore(%arg10 : memref<!tpu.dma_semaphore, #tpu.memory_space<semaphore_mem>>)
    %dma_start3A_12 = arith.constant 0 : i32
    %dma_start3A_13 = arith.constant 0 : i32
    %dma_start3A_14 = arith.constant 0 : i32
    %dma_start3A_15 = tpu.memref_slice %arg9[%dma_start3A_12, %dma_start3A_13, %dma_start3A_14] : memref<2x200x128xf32, #tpu.memory_space<vmem>> -> memref<1x200x128xf32, #tpu.memory_space<vmem>>
    %dma_start3A_16 = tpu.memref_squeeze %dma_start3A_15 : memref<1x200x128xf32, #tpu.memory_space<vmem>> -> memref<200x128xf32, #tpu.memory_space<vmem>>
    %dma_start3A_17 = arith.constant 0 : i32
    %dma_start3A_18 = tpu.memref_slice %arg7[%dma_start3A_17] : memref<10000xi32, #tpu.memory_space<vmem>> -> memref<200xi32, #tpu.memory_space<vmem>>
    %dma_start3A_19 = arith.constant 0 : i32
    %dma_start3A_20 = arith.constant 0 : i32
    %dma_start3A_21 = tpu.memref_slice %arg2[%dma_start3A_19, %dma_start3A_20] : memref<10000x128xf32, #tpu.memory_space<hbm>> -> memref<10000x128xf32, #tpu.memory_space<hbm>>
    tpu.enqueue_indirect_dma source(%dma_start3A_21 : memref<10000x128xf32, #tpu.memory_space<hbm>>) target(%dma_start3A_16 : memref<200x128xf32, #tpu.memory_space<vmem>>) offsets(%dma_start3A_18 : memref<200xi32, #tpu.memory_space<vmem>>) semaphore(%arg12 : memref<!tpu.dma_semaphore, #tpu.memory_space<semaphore_mem>>)
    %scan3A = arith.constant 0 : i32
    %scan3A_22 = arith.constant 24 : i32
    %scan3A_23 = arith.addi %scan3A, %scan3A_22 : i32
    %scan3A_24 = arith.constant 1 : i32
    scf.for %scan3A_165 = %scan3A to %scan3A_23 step %scan3A_24  : i32 {
      %mul3A_166 = arith.constant 1 : i32
      %mul3A_167 = arith.muli %scan3A_165, %mul3A_166 : i32
      %add3A_168 = arith.constant 0 : i32
      %add3A_169 = arith.addi %add3A_168, %mul3A_167 : i32
      %mul3A_170 = arith.constant 2 : i32
      %mul3A_171 = arith.muli %mul3A_170, %add3A_169 : i32
      %gt3A = arith.constant 0 : i32
      %gt3A_172 = arith.cmpi sgt, %add3A_169, %gt3A : i32
      %convert_element_type3A = arith.extui %gt3A_172 : i1 to i32
      %cond3A = arith.constant 0 : i32
      %cond3A_173 = arith.cmpi ne, %convert_element_type3A, %cond3A : i32
      scf.if %cond3A_173 {
        %dma_wait3A_321 = arith.constant 1 : i32
        %dma_wait3A_322 = arith.constant 0 : i32
        %dma_wait3A_323 = arith.constant 0 : i32
        %dma_wait3A_324 = tpu.memref_slice %arg8[%dma_wait3A_321, %dma_wait3A_322, %dma_wait3A_323] : memref<2x200x128xf32, #tpu.memory_space<vmem>> -> memref<1x200x128xf32, #tpu.memory_space<vmem>>
        %dma_wait3A_325 = tpu.memref_squeeze %dma_wait3A_324 : memref<1x200x128xf32, #tpu.memory_space<vmem>> -> memref<200x128xf32, #tpu.memory_space<vmem>>
        %dma_wait3A_326 = arith.constant 0 : i32
        %dma_wait3A_327 = tpu.memref_slice %arg5[%mul3A_2, %dma_wait3A_326] : memref<320000x128xf32, #tpu.memory_space<hbm>> -> memref<200x128xf32, #tpu.memory_space<hbm>>
        %dma_wait3A_328 = arith.constant 0 : i32
        %dma_wait3A_329 = tpu.memref_slice %arg5[%mul3A_2, %dma_wait3A_328] : memref<320000x128xf32, #tpu.memory_space<hbm>> -> memref<200x128xf32, #tpu.memory_space<hbm>>
        %dma_wait3A_330 = arith.constant 0 : i32
        %dma_wait3A_331 = arith.constant 0 : i32
        %dma_wait3A_332 = tpu.memref_slice %arg8[%dma_wait3A_321, %dma_wait3A_330, %dma_wait3A_331] : memref<2x200x128xf32, #tpu.memory_space<vmem>> -> memref<1x200x128xf32, #tpu.memory_space<vmem>>
        %dma_wait3A_333 = tpu.memref_squeeze %dma_wait3A_332 : memref<1x200x128xf32, #tpu.memory_space<vmem>> -> memref<200x128xf32, #tpu.memory_space<vmem>>
        tpu.wait_dma2 semaphore(%arg15 : memref<!tpu.dma_semaphore, #tpu.memory_space<semaphore_mem>>) src(%dma_wait3A_333 : memref<200x128xf32, #tpu.memory_space<vmem>>) dst(%dma_wait3A_329 : memref<200x128xf32, #tpu.memory_space<hbm>>)
      } else {
      }
      %add3A_174 = arith.constant 1 : i32
      %add3A_175 = arith.addi %mul3A_171, %add3A_174 : i32
      %mul3A_176 = arith.constant 200 : i32
      %mul3A_177 = arith.muli %add3A_175, %mul3A_176 : i32
      %dma_start3A_178 = arith.constant 1 : i32
      %dma_start3A_179 = arith.constant 0 : i32
      %dma_start3A_180 = arith.constant 0 : i32
      %dma_start3A_181 = tpu.memref_slice %arg8[%dma_start3A_178, %dma_start3A_179, %dma_start3A_180] : memref<2x200x128xf32, #tpu.memory_space<vmem>> -> memref<1x200x128xf32, #tpu.memory_space<vmem>>
      %dma_start3A_182 = tpu.memref_squeeze %dma_start3A_181 : memref<1x200x128xf32, #tpu.memory_space<vmem>> -> memref<200x128xf32, #tpu.memory_space<vmem>>
      %dma_start3A_183 = tpu.memref_slice %arg6[%mul3A_177] : memref<10000xi32, #tpu.memory_space<vmem>> -> memref<200xi32, #tpu.memory_space<vmem>>
      %dma_start3A_184 = arith.constant 0 : i32
      %dma_start3A_185 = arith.constant 0 : i32
      %dma_start3A_186 = tpu.memref_slice %arg2[%dma_start3A_184, %dma_start3A_185] : memref<10000x128xf32, #tpu.memory_space<hbm>> -> memref<10000x128xf32, #tpu.memory_space<hbm>>
      tpu.enqueue_indirect_dma source(%dma_start3A_186 : memref<10000x128xf32, #tpu.memory_space<hbm>>) target(%dma_start3A_182 : memref<200x128xf32, #tpu.memory_space<vmem>>) offsets(%dma_start3A_183 : memref<200xi32, #tpu.memory_space<vmem>>) semaphore(%arg11 : memref<!tpu.dma_semaphore, #tpu.memory_space<semaphore_mem>>)
      %mul3A_187 = arith.constant 200 : i32
      %mul3A_188 = arith.muli %add3A_175, %mul3A_187 : i32
      %dma_start3A_189 = arith.constant 1 : i32
      %dma_start3A_190 = arith.constant 0 : i32
      %dma_start3A_191 = arith.constant 0 : i32
      %dma_start3A_192 = tpu.memref_slice %arg9[%dma_start3A_189, %dma_start3A_190, %dma_start3A_191] : memref<2x200x128xf32, #tpu.memory_space<vmem>> -> memref<1x200x128xf32, #tpu.memory_space<vmem>>
      %dma_start3A_193 = tpu.memref_squeeze %dma_start3A_192 : memref<1x200x128xf32, #tpu.memory_space<vmem>> -> memref<200x128xf32, #tpu.memory_space<vmem>>
      %dma_start3A_194 = tpu.memref_slice %arg7[%mul3A_188] : memref<10000xi32, #tpu.memory_space<vmem>> -> memref<200xi32, #tpu.memory_space<vmem>>
      %dma_start3A_195 = arith.constant 0 : i32
      %dma_start3A_196 = arith.constant 0 : i32
      %dma_start3A_197 = tpu.memref_slice %arg2[%dma_start3A_195, %dma_start3A_196] : memref<10000x128xf32, #tpu.memory_space<hbm>> -> memref<10000x128xf32, #tpu.memory_space<hbm>>
      tpu.enqueue_indirect_dma source(%dma_start3A_197 : memref<10000x128xf32, #tpu.memory_space<hbm>>) target(%dma_start3A_193 : memref<200x128xf32, #tpu.memory_space<vmem>>) offsets(%dma_start3A_194 : memref<200xi32, #tpu.memory_space<vmem>>) semaphore(%arg13 : memref<!tpu.dma_semaphore, #tpu.memory_space<semaphore_mem>>)
      %dma_wait3A_198 = arith.constant 0 : i32
      %dma_wait3A_199 = arith.constant 0 : i32
      %dma_wait3A_200 = arith.constant 0 : i32
      %dma_wait3A_201 = tpu.memref_slice %arg8[%dma_wait3A_198, %dma_wait3A_199, %dma_wait3A_200] : memref<2x200x128xf32, #tpu.memory_space<vmem>> -> memref<1x200x128xf32, #tpu.memory_space<vmem>>
      %dma_wait3A_202 = tpu.memref_squeeze %dma_wait3A_201 : memref<1x200x128xf32, #tpu.memory_space<vmem>> -> memref<200x128xf32, #tpu.memory_space<vmem>>
      %dma_wait3A_203 = arith.constant 0 : i32
      %dma_wait3A_204 = tpu.memref_slice %arg6[%dma_wait3A_203] : memref<10000xi32, #tpu.memory_space<vmem>> -> memref<200xi32, #tpu.memory_space<vmem>>
      %dma_wait3A_205 = arith.constant 0 : i32
      %dma_wait3A_206 = arith.constant 0 : i32
      %dma_wait3A_207 = tpu.memref_slice %arg2[%dma_wait3A_205, %dma_wait3A_206] : memref<10000x128xf32, #tpu.memory_space<hbm>> -> memref<10000x128xf32, #tpu.memory_space<hbm>>
      tpu.wait_indirect_dma semaphore(%arg10 : memref<!tpu.dma_semaphore, #tpu.memory_space<semaphore_mem>>) src(%dma_wait3A_207 : memref<10000x128xf32, #tpu.memory_space<hbm>>) dst(%dma_wait3A_202 : memref<200x128xf32, #tpu.memory_space<vmem>>)
      %dma_wait3A_208 = arith.constant 0 : i32
      %dma_wait3A_209 = arith.constant 0 : i32
      %dma_wait3A_210 = arith.constant 0 : i32
      %dma_wait3A_211 = tpu.memref_slice %arg9[%dma_wait3A_208, %dma_wait3A_209, %dma_wait3A_210] : memref<2x200x128xf32, #tpu.memory_space<vmem>> -> memref<1x200x128xf32, #tpu.memory_space<vmem>>
      %dma_wait3A_212 = tpu.memref_squeeze %dma_wait3A_211 : memref<1x200x128xf32, #tpu.memory_space<vmem>> -> memref<200x128xf32, #tpu.memory_space<vmem>>
      %dma_wait3A_213 = arith.constant 0 : i32
      %dma_wait3A_214 = tpu.memref_slice %arg7[%dma_wait3A_213] : memref<10000xi32, #tpu.memory_space<vmem>> -> memref<200xi32, #tpu.memory_space<vmem>>
      %dma_wait3A_215 = arith.constant 0 : i32
      %dma_wait3A_216 = arith.constant 0 : i32
      %dma_wait3A_217 = tpu.memref_slice %arg2[%dma_wait3A_215, %dma_wait3A_216] : memref<10000x128xf32, #tpu.memory_space<hbm>> -> memref<10000x128xf32, #tpu.memory_space<hbm>>
      tpu.wait_indirect_dma semaphore(%arg12 : memref<!tpu.dma_semaphore, #tpu.memory_space<semaphore_mem>>) src(%dma_wait3A_217 : memref<10000x128xf32, #tpu.memory_space<hbm>>) dst(%dma_wait3A_212 : memref<200x128xf32, #tpu.memory_space<vmem>>)
      %scan3A_218 = arith.constant 0 : i32
      %scan3A_219 = arith.constant 200 : i32
      %scan3A_220 = arith.addi %scan3A_218, %scan3A_219 : i32
      %scan3A_221 = arith.constant 2 : i32
      scf.for %scan3A_321 = %scan3A_218 to %scan3A_220 step %scan3A_221  : i32 {
        %mul3A_322 = arith.constant 1 : i32
        %mul3A_323 = arith.muli %scan3A_321, %mul3A_322 : i32
        %add3A_324 = arith.constant 0 : i32
        %add3A_325 = arith.addi %add3A_324, %mul3A_323 : i32
        %get3A = arith.constant 0 : i32
        %get3A_326 = arith.index_cast %get3A : i32 to index
        %get3A_327 = arith.index_cast %add3A_325 : i32 to index
        %get3A_328 = arith.constant 0 : index
        %get3A_329 = tpu.vector_load %arg8[%get3A_326, %get3A_327, %get3A_328] {strides = array<i32>} : memref<2x200x128xf32, #tpu.memory_space<vmem>>, vector<1x1x16xf32>,
        %get3A_330 = vector.shape_cast %get3A_329 : vector<1x1x16xf32> to vector<16xf32>
        %get3A_331 = arith.constant 0 : i32
        %get3A_332 = arith.index_cast %get3A_331 : i32 to index
        %get3A_333 = arith.index_cast %add3A_325 : i32 to index
        %get3A_334 = arith.constant 64 : index
        %get3A_335 = tpu.vector_load %arg9[%get3A_332, %get3A_333, %get3A_334] {strides = array<i32>} : memref<2x200x128xf32, #tpu.memory_space<vmem>>, vector<1x1x16xf32>,
        %get3A_336 = vector.shape_cast %get3A_335 : vector<1x1x16xf32> to vector<16xf32>
        %add3A_337 = arith.addf %get3A_330, %get3A_336 : vector<16xf32>
        %swap3A = arith.constant 0 : i32
        %swap3A_338 = arith.index_cast %swap3A : i32 to index
        %swap3A_339 = arith.index_cast %add3A_325 : i32 to index
        %swap3A_340 = arith.constant 0 : index
        %swap3A_341 = tpu.vector_load %arg8[%swap3A_338, %swap3A_339, %swap3A_340] {strides = array<i32>} : memref<2x200x128xf32, #tpu.memory_space<vmem>>, vector<1x1x16xf32>,
        %swap3A_342 = vector.shape_cast %swap3A_341 : vector<1x1x16xf32> to vector<16xf32>
        %swap3A_343 = vector.shape_cast %add3A_337 : vector<16xf32> to vector<1x1x16xf32>
        tpu.vector_store %arg8[%swap3A_338, %swap3A_339, %swap3A_340], %swap3A_343 {strides = array<i32>} : memref<2x200x128xf32, #tpu.memory_space<vmem>>, vector<1x1x16xf32>,
        %get3A_344 = arith.constant 0 : i32
        %get3A_345 = arith.index_cast %get3A_344 : i32 to index
        %get3A_346 = arith.index_cast %add3A_325 : i32 to index
        %get3A_347 = arith.constant 16 : index
        %get3A_348 = tpu.vector_load %arg8[%get3A_345, %get3A_346, %get3A_347] {strides = array<i32>} : memref<2x200x128xf32, #tpu.memory_space<vmem>>, vector<1x1x16xf32>,
        %get3A_349 = vector.shape_cast %get3A_348 : vector<1x1x16xf32> to vector<16xf32>
        %get3A_350 = arith.constant 0 : i32
        %get3A_351 = arith.index_cast %get3A_350 : i32 to index
        %get3A_352 = arith.index_cast %add3A_325 : i32 to index
        %get3A_353 = arith.constant 80 : index
        %get3A_354 = tpu.vector_load %arg9[%get3A_351, %get3A_352, %get3A_353] {strides = array<i32>} : memref<2x200x128xf32, #tpu.memory_space<vmem>>, vector<1x1x16xf32>,
        %get3A_355 = vector.shape_cast %get3A_354 : vector<1x1x16xf32> to vector<16xf32>
        %add3A_356 = arith.addf %get3A_349, %get3A_355 : vector<16xf32>
        %swap3A_357 = arith.constant 0 : i32
        %swap3A_358 = arith.index_cast %swap3A_357 : i32 to index
        %swap3A_359 = arith.index_cast %add3A_325 : i32 to index
        %swap3A_360 = arith.constant 16 : index
        %swap3A_361 = tpu.vector_load %arg8[%swap3A_358, %swap3A_359, %swap3A_360] {strides = array<i32>} : memref<2x200x128xf32, #tpu.memory_space<vmem>>, vector<1x1x16xf32>,
        %swap3A_362 = vector.shape_cast %swap3A_361 : vector<1x1x16xf32> to vector<16xf32>
        %swap3A_363 = vector.shape_cast %add3A_356 : vector<16xf32> to vector<1x1x16xf32>
        tpu.vector_store %arg8[%swap3A_358, %swap3A_359, %swap3A_360], %swap3A_363 {strides = array<i32>} : memref<2x200x128xf32, #tpu.memory_space<vmem>>, vector<1x1x16xf32>,
        %get3A_364 = arith.constant 0 : i32
        %get3A_365 = arith.index_cast %get3A_364 : i32 to index
        %get3A_366 = arith.index_cast %add3A_325 : i32 to index
        %get3A_367 = arith.constant 32 : index
        %get3A_368 = tpu.vector_load %arg8[%get3A_365, %get3A_366, %get3A_367] {strides = array<i32>} : memref<2x200x128xf32, #tpu.memory_space<vmem>>, vector<1x1x16xf32>,
        %get3A_369 = vector.shape_cast %get3A_368 : vector<1x1x16xf32> to vector<16xf32>
        %get3A_370 = arith.constant 0 : i32
        %get3A_371 = arith.index_cast %get3A_370 : i32 to index
        %get3A_372 = arith.index_cast %add3A_325 : i32 to index
        %get3A_373 = arith.constant 96 : index
        %get3A_374 = tpu.vector_load %arg9[%get3A_371, %get3A_372, %get3A_373] {strides = array<i32>} : memref<2x200x128xf32, #tpu.memory_space<vmem>>, vector<1x1x16xf32>,
        %get3A_375 = vector.shape_cast %get3A_374 : vector<1x1x16xf32> to vector<16xf32>
        %add3A_376 = arith.addf %get3A_369, %get3A_375 : vector<16xf32>
        %swap3A_377 = arith.constant 0 : i32
        %swap3A_378 = arith.index_cast %swap3A_377 : i32 to index
        %swap3A_379 = arith.index_cast %add3A_325 : i32 to index
        %swap3A_380 = arith.constant 32 : index
        %swap3A_381 = tpu.vector_load %arg8[%swap3A_378, %swap3A_379, %swap3A_380] {strides = array<i32>} : memref<2x200x128xf32, #tpu.memory_space<vmem>>, vector<1x1x16xf32>,
        %swap3A_382 = vector.shape_cast %swap3A_381 : vector<1x1x16xf32> to vector<16xf32>
        %swap3A_383 = vector.shape_cast %add3A_376 : vector<16xf32> to vector<1x1x16xf32>
        tpu.vector_store %arg8[%swap3A_378, %swap3A_379, %swap3A_380], %swap3A_383 {strides = array<i32>} : memref<2x200x128xf32, #tpu.memory_space<vmem>>, vector<1x1x16xf32>,
        %get3A_384 = arith.constant 0 : i32
        %get3A_385 = arith.index_cast %get3A_384 : i32 to index
        %get3A_386 = arith.index_cast %add3A_325 : i32 to index
        %get3A_387 = arith.constant 48 : index
        %get3A_388 = tpu.vector_load %arg8[%get3A_385, %get3A_386, %get3A_387] {strides = array<i32>} : memref<2x200x128xf32, #tpu.memory_space<vmem>>, vector<1x1x16xf32>,
        %get3A_389 = vector.shape_cast %get3A_388 : vector<1x1x16xf32> to vector<16xf32>
        %get3A_390 = arith.constant 0 : i32
        %get3A_391 = arith.index_cast %get3A_390 : i32 to index
        %get3A_392 = arith.index_cast %add3A_325 : i32 to index
        %get3A_393 = arith.constant 112 : index
        %get3A_394 = tpu.vector_load %arg9[%get3A_391, %get3A_392, %get3A_393] {strides = array<i32>} : memref<2x200x128xf32, #tpu.memory_space<vmem>>, vector<1x1x16xf32>,
        %get3A_395 = vector.shape_cast %get3A_394 : vector<1x1x16xf32> to vector<16xf32>
        %add3A_396 = arith.addf %get3A_389, %get3A_395 : vector<16xf32>
        %swap3A_397 = arith.constant 0 : i32
        %swap3A_398 = arith.index_cast %swap3A_397 : i32 to index
        %swap3A_399 = arith.index_cast %add3A_325 : i32 to index
        %swap3A_400 = arith.constant 48 : index
        %swap3A_401 = tpu.vector_load %arg8[%swap3A_398, %swap3A_399, %swap3A_400] {strides = array<i32>} : memref<2x200x128xf32, #tpu.memory_space<vmem>>, vector<1x1x16xf32>,
        %swap3A_402 = vector.shape_cast %swap3A_401 : vector<1x1x16xf32> to vector<16xf32>
        %swap3A_403 = vector.shape_cast %add3A_396 : vector<16xf32> to vector<1x1x16xf32>
        tpu.vector_store %arg8[%swap3A_398, %swap3A_399, %swap3A_400], %swap3A_403 {strides = array<i32>} : memref<2x200x128xf32, #tpu.memory_space<vmem>>, vector<1x1x16xf32>,
        %scan3A_404 = arith.constant 1 : i32
        %scan3A_405 = arith.addi %scan3A_321, %scan3A_404 : i32
        %mul3A_406 = arith.constant 1 : i32
        %mul3A_407 = arith.muli %scan3A_405, %mul3A_406 : i32
        %add3A_408 = arith.constant 0 : i32
        %add3A_409 = arith.addi %add3A_408, %mul3A_407 : i32
        %get3A_410 = arith.constant 0 : i32
        %get3A_411 = arith.index_cast %get3A_410 : i32 to index
        %get3A_412 = arith.index_cast %add3A_409 : i32 to index
        %get3A_413 = arith.constant 0 : index
        %get3A_414 = tpu.vector_load %arg8[%get3A_411, %get3A_412, %get3A_413] {strides = array<i32>} : memref<2x200x128xf32, #tpu.memory_space<vmem>>, vector<1x1x16xf32>,
        %get3A_415 = vector.shape_cast %get3A_414 : vector<1x1x16xf32> to vector<16xf32>
        %get3A_416 = arith.constant 0 : i32
        %get3A_417 = arith.index_cast %get3A_416 : i32 to index
        %get3A_418 = arith.index_cast %add3A_409 : i32 to index
        %get3A_419 = arith.constant 64 : index
        %get3A_420 = tpu.vector_load %arg9[%get3A_417, %get3A_418, %get3A_419] {strides = array<i32>} : memref<2x200x128xf32, #tpu.memory_space<vmem>>, vector<1x1x16xf32>,
        %get3A_421 = vector.shape_cast %get3A_420 : vector<1x1x16xf32> to vector<16xf32>
        %add3A_422 = arith.addf %get3A_415, %get3A_421 : vector<16xf32>
        %swap3A_423 = arith.constant 0 : i32
        %swap3A_424 = arith.index_cast %swap3A_423 : i32 to index
        %swap3A_425 = arith.index_cast %add3A_409 : i32 to index
        %swap3A_426 = arith.constant 0 : index
        %swap3A_427 = tpu.vector_load %arg8[%swap3A_424, %swap3A_425, %swap3A_426] {strides = array<i32>} : memref<2x200x128xf32, #tpu.memory_space<vmem>>, vector<1x1x16xf32>,
        %swap3A_428 = vector.shape_cast %swap3A_427 : vector<1x1x16xf32> to vector<16xf32>
        %swap3A_429 = vector.shape_cast %add3A_422 : vector<16xf32> to vector<1x1x16xf32>
        tpu.vector_store %arg8[%swap3A_424, %swap3A_425, %swap3A_426], %swap3A_429 {strides = array<i32>} : memref<2x200x128xf32, #tpu.memory_space<vmem>>, vector<1x1x16xf32>,
        %get3A_430 = arith.constant 0 : i32
        %get3A_431 = arith.index_cast %get3A_430 : i32 to index
        %get3A_432 = arith.index_cast %add3A_409 : i32 to index
        %get3A_433 = arith.constant 16 : index
        %get3A_434 = tpu.vector_load %arg8[%get3A_431, %get3A_432, %get3A_433] {strides = array<i32>} : memref<2x200x128xf32, #tpu.memory_space<vmem>>, vector<1x1x16xf32>,
        %get3A_435 = vector.shape_cast %get3A_434 : vector<1x1x16xf32> to vector<16xf32>
        %get3A_436 = arith.constant 0 : i32
        %get3A_437 = arith.index_cast %get3A_436 : i32 to index
        %get3A_438 = arith.index_cast %add3A_409 : i32 to index
        %get3A_439 = arith.constant 80 : index
        %get3A_440 = tpu.vector_load %arg9[%get3A_437, %get3A_438, %get3A_439] {strides = array<i32>} : memref<2x200x128xf32, #tpu.memory_space<vmem>>, vector<1x1x16xf32>,
        %get3A_441 = vector.shape_cast %get3A_440 : vector<1x1x16xf32> to vector<16xf32>
        %add3A_442 = arith.addf %get3A_435, %get3A_441 : vector<16xf32>
        %swap3A_443 = arith.constant 0 : i32
        %swap3A_444 = arith.index_cast %swap3A_443 : i32 to index
        %swap3A_445 = arith.index_cast %add3A_409 : i32 to index
        %swap3A_446 = arith.constant 16 : index
        %swap3A_447 = tpu.vector_load %arg8[%swap3A_444, %swap3A_445, %swap3A_446] {strides = array<i32>} : memref<2x200x128xf32, #tpu.memory_space<vmem>>, vector<1x1x16xf32>,
        %swap3A_448 = vector.shape_cast %swap3A_447 : vector<1x1x16xf32> to vector<16xf32>
        %swap3A_449 = vector.shape_cast %add3A_442 : vector<16xf32> to vector<1x1x16xf32>
        tpu.vector_store %arg8[%swap3A_444, %swap3A_445, %swap3A_446], %swap3A_449 {strides = array<i32>} : memref<2x200x128xf32, #tpu.memory_space<vmem>>, vector<1x1x16xf32>,
        %get3A_450 = arith.constant 0 : i32
        %get3A_451 = arith.index_cast %get3A_450 : i32 to index
        %get3A_452 = arith.index_cast %add3A_409 : i32 to index
        %get3A_453 = arith.constant 32 : index
        %get3A_454 = tpu.vector_load %arg8[%get3A_451, %get3A_452, %get3A_453] {strides = array<i32>} : memref<2x200x128xf32, #tpu.memory_space<vmem>>, vector<1x1x16xf32>,
        %get3A_455 = vector.shape_cast %get3A_454 : vector<1x1x16xf32> to vector<16xf32>
        %get3A_456 = arith.constant 0 : i32
        %get3A_457 = arith.index_cast %get3A_456 : i32 to index
        %get3A_458 = arith.index_cast %add3A_409 : i32 to index
        %get3A_459 = arith.constant 96 : index
        %get3A_460 = tpu.vector_load %arg9[%get3A_457, %get3A_458, %get3A_459] {strides = array<i32>} : memref<2x200x128xf32, #tpu.memory_space<vmem>>, vector<1x1x16xf32>,
        %get3A_461 = vector.shape_cast %get3A_460 : vector<1x1x16xf32> to vector<16xf32>
        %add3A_462 = arith.addf %get3A_455, %get3A_461 : vector<16xf32>
        %swap3A_463 = arith.constant 0 : i32
        %swap3A_464 = arith.index_cast %swap3A_463 : i32 to index
        %swap3A_465 = arith.index_cast %add3A_409 : i32 to index
        %swap3A_466 = arith.constant 32 : index
        %swap3A_467 = tpu.vector_load %arg8[%swap3A_464, %swap3A_465, %swap3A_466] {strides = array<i32>} : memref<2x200x128xf32, #tpu.memory_space<vmem>>, vector<1x1x16xf32>,
        %swap3A_468 = vector.shape_cast %swap3A_467 : vector<1x1x16xf32> to vector<16xf32>
        %swap3A_469 = vector.shape_cast %add3A_462 : vector<16xf32> to vector<1x1x16xf32>
        tpu.vector_store %arg8[%swap3A_464, %swap3A_465, %swap3A_466], %swap3A_469 {strides = array<i32>} : memref<2x200x128xf32, #tpu.memory_space<vmem>>, vector<1x1x16xf32>,
        %get3A_470 = arith.constant 0 : i32
        %get3A_471 = arith.index_cast %get3A_470 : i32 to index
        %get3A_472 = arith.index_cast %add3A_409 : i32 to index
        %get3A_473 = arith.constant 48 : index
        %get3A_474 = tpu.vector_load %arg8[%get3A_471, %get3A_472, %get3A_473] {strides = array<i32>} : memref<2x200x128xf32, #tpu.memory_space<vmem>>, vector<1x1x16xf32>,
        %get3A_475 = vector.shape_cast %get3A_474 : vector<1x1x16xf32> to vector<16xf32>
        %get3A_476 = arith.constant 0 : i32
        %get3A_477 = arith.index_cast %get3A_476 : i32 to index
        %get3A_478 = arith.index_cast %add3A_409 : i32 to index
        %get3A_479 = arith.constant 112 : index
        %get3A_480 = tpu.vector_load %arg9[%get3A_477, %get3A_478, %get3A_479] {strides = array<i32>} : memref<2x200x128xf32, #tpu.memory_space<vmem>>, vector<1x1x16xf32>,
        %get3A_481 = vector.shape_cast %get3A_480 : vector<1x1x16xf32> to vector<16xf32>
        %add3A_482 = arith.addf %get3A_475, %get3A_481 : vector<16xf32>
        %swap3A_483 = arith.constant 0 : i32
        %swap3A_484 = arith.index_cast %swap3A_483 : i32 to index
        %swap3A_485 = arith.index_cast %add3A_409 : i32 to index
        %swap3A_486 = arith.constant 48 : index
        %swap3A_487 = tpu.vector_load %arg8[%swap3A_484, %swap3A_485, %swap3A_486] {strides = array<i32>} : memref<2x200x128xf32, #tpu.memory_space<vmem>>, vector<1x1x16xf32>,
        %swap3A_488 = vector.shape_cast %swap3A_487 : vector<1x1x16xf32> to vector<16xf32>
        %swap3A_489 = vector.shape_cast %add3A_482 : vector<16xf32> to vector<1x1x16xf32>
        tpu.vector_store %arg8[%swap3A_484, %swap3A_485, %swap3A_486], %swap3A_489 {strides = array<i32>} : memref<2x200x128xf32, #tpu.memory_space<vmem>>, vector<1x1x16xf32>,
      }
      %scan3A_222 = arith.constant 200 : i32
      %mul3A_223 = arith.constant 200 : i32
      %mul3A_224 = arith.muli %mul3A_171, %mul3A_223 : i32
      %add3A_225 = arith.addi %mul3A_2, %mul3A_224 : i32
      %multiple_of3A_226 = tpu.assume_multiple %add3A_225, 8 : i32
      %dma_start3A_227 = arith.constant 0 : i32
      %dma_start3A_228 = arith.constant 0 : i32
      %dma_start3A_229 = arith.constant 0 : i32
      %dma_start3A_230 = tpu.memref_slice %arg8[%dma_start3A_227, %dma_start3A_228, %dma_start3A_229] : memref<2x200x128xf32, #tpu.memory_space<vmem>> -> memref<1x200x128xf32, #tpu.memory_space<vmem>>
      %dma_start3A_231 = tpu.memref_squeeze %dma_start3A_230 : memref<1x200x128xf32, #tpu.memory_space<vmem>> -> memref<200x128xf32, #tpu.memory_space<vmem>>
      %dma_start3A_232 = arith.constant 0 : i32
      %dma_start3A_233 = tpu.memref_slice %arg5[%multiple_of3A_226, %dma_start3A_232] : memref<320000x128xf32, #tpu.memory_space<hbm>> -> memref<200x128xf32, #tpu.memory_space<hbm>>
      %dma_start3A_234 = arith.constant 0 : i32
      %dma_start3A_235 = tpu.memref_slice %arg5[%multiple_of3A_226, %dma_start3A_234] : memref<320000x128xf32, #tpu.memory_space<hbm>> -> memref<200x128xf32, #tpu.memory_space<hbm>>
      %dma_start3A_236 = arith.constant 0 : i32
      %dma_start3A_237 = arith.constant 0 : i32
      %dma_start3A_238 = tpu.memref_slice %arg8[%dma_start3A_227, %dma_start3A_236, %dma_start3A_237] : memref<2x200x128xf32, #tpu.memory_space<vmem>> -> memref<1x200x128xf32, #tpu.memory_space<vmem>>
      %dma_start3A_239 = tpu.memref_squeeze %dma_start3A_238 : memref<1x200x128xf32, #tpu.memory_space<vmem>> -> memref<200x128xf32, #tpu.memory_space<vmem>>
      tpu.enqueue_dma source(%dma_start3A_239 : memref<200x128xf32, #tpu.memory_space<vmem>>) target(%dma_start3A_235 : memref<200x128xf32, #tpu.memory_space<hbm>>) target_semaphore(%arg14 : memref<!tpu.dma_semaphore, #tpu.memory_space<semaphore_mem>>)
      %dma_wait3A_240 = arith.constant 0 : i32
      %dma_wait3A_241 = arith.constant 0 : i32
      %dma_wait3A_242 = arith.constant 0 : i32
      %dma_wait3A_243 = tpu.memref_slice %arg8[%dma_wait3A_240, %dma_wait3A_241, %dma_wait3A_242] : memref<2x200x128xf32, #tpu.memory_space<vmem>> -> memref<1x200x128xf32, #tpu.memory_space<vmem>>
      %dma_wait3A_244 = tpu.memref_squeeze %dma_wait3A_243 : memref<1x200x128xf32, #tpu.memory_space<vmem>> -> memref<200x128xf32, #tpu.memory_space<vmem>>
      %dma_wait3A_245 = arith.constant 0 : i32
      %dma_wait3A_246 = tpu.memref_slice %arg5[%mul3A_2, %dma_wait3A_245] : memref<320000x128xf32, #tpu.memory_space<hbm>> -> memref<200x128xf32, #tpu.memory_space<hbm>>
      %dma_wait3A_247 = arith.constant 0 : i32
      %dma_wait3A_248 = tpu.memref_slice %arg5[%mul3A_2, %dma_wait3A_247] : memref<320000x128xf32, #tpu.memory_space<hbm>> -> memref<200x128xf32, #tpu.memory_space<hbm>>
      %dma_wait3A_249 = arith.constant 0 : i32
      %dma_wait3A_250 = arith.constant 0 : i32
      %dma_wait3A_251 = tpu.memref_slice %arg8[%dma_wait3A_240, %dma_wait3A_249, %dma_wait3A_250] : memref<2x200x128xf32, #tpu.memory_space<vmem>> -> memref<1x200x128xf32, #tpu.memory_space<vmem>>
      %dma_wait3A_252 = tpu.memref_squeeze %dma_wait3A_251 : memref<1x200x128xf32, #tpu.memory_space<vmem>> -> memref<200x128xf32, #tpu.memory_space<vmem>>
      tpu.wait_dma2 semaphore(%arg14 : memref<!tpu.dma_semaphore, #tpu.memory_space<semaphore_mem>>) src(%dma_wait3A_252 : memref<200x128xf32, #tpu.memory_space<vmem>>) dst(%dma_wait3A_248 : memref<200x128xf32, #tpu.memory_space<hbm>>)
      %add3A_253 = arith.constant 2 : i32
      %add3A_254 = arith.addi %mul3A_171, %add3A_253 : i32
      %mul3A_255 = arith.constant 200 : i32
      %mul3A_256 = arith.muli %add3A_254, %mul3A_255 : i32
      %dma_start3A_257 = arith.constant 0 : i32
      %dma_start3A_258 = arith.constant 0 : i32
      %dma_start3A_259 = arith.constant 0 : i32
      %dma_start3A_260 = tpu.memref_slice %arg8[%dma_start3A_257, %dma_start3A_258, %dma_start3A_259] : memref<2x200x128xf32, #tpu.memory_space<vmem>> -> memref<1x200x128xf32, #tpu.memory_space<vmem>>
      %dma_start3A_261 = tpu.memref_squeeze %dma_start3A_260 : memref<1x200x128xf32, #tpu.memory_space<vmem>> -> memref<200x128xf32, #tpu.memory_space<vmem>>
      %dma_start3A_262 = tpu.memref_slice %arg6[%mul3A_256] : memref<10000xi32, #tpu.memory_space<vmem>> -> memref<200xi32, #tpu.memory_space<vmem>>
      %dma_start3A_263 = arith.constant 0 : i32
      %dma_start3A_264 = arith.constant 0 : i32
      %dma_start3A_265 = tpu.memref_slice %arg2[%dma_start3A_263, %dma_start3A_264] : memref<10000x128xf32, #tpu.memory_space<hbm>> -> memref<10000x128xf32, #tpu.memory_space<hbm>>
      tpu.enqueue_indirect_dma source(%dma_start3A_265 : memref<10000x128xf32, #tpu.memory_space<hbm>>) target(%dma_start3A_261 : memref<200x128xf32, #tpu.memory_space<vmem>>) offsets(%dma_start3A_262 : memref<200xi32, #tpu.memory_space<vmem>>) semaphore(%arg10 : memref<!tpu.dma_semaphore, #tpu.memory_space<semaphore_mem>>)
      %mul3A_266 = arith.constant 200 : i32
      %mul3A_267 = arith.muli %add3A_254, %mul3A_266 : i32
      %dma_start3A_268 = arith.constant 0 : i32
      %dma_start3A_269 = arith.constant 0 : i32
      %dma_start3A_270 = arith.constant 0 : i32
      %dma_start3A_271 = tpu.memref_slice %arg9[%dma_start3A_268, %dma_start3A_269, %dma_start3A_270] : memref<2x200x128xf32, #tpu.memory_space<vmem>> -> memref<1x200x128xf32, #tpu.memory_space<vmem>>
      %dma_start3A_272 = tpu.memref_squeeze %dma_start3A_271 : memref<1x200x128xf32, #tpu.memory_space<vmem>> -> memref<200x128xf32, #tpu.memory_space<vmem>>
      %dma_start3A_273 = tpu.memref_slice %arg7[%mul3A_267] : memref<10000xi32, #tpu.memory_space<vmem>> -> memref<200xi32, #tpu.memory_space<vmem>>
      %dma_start3A_274 = arith.constant 0 : i32
      %dma_start3A_275 = arith.constant 0 : i32
      %dma_start3A_276 = tpu.memref_slice %arg2[%dma_start3A_274, %dma_start3A_275] : memref<10000x128xf32, #tpu.memory_space<hbm>> -> memref<10000x128xf32, #tpu.memory_space<hbm>>
      tpu.enqueue_indirect_dma source(%dma_start3A_276 : memref<10000x128xf32, #tpu.memory_space<hbm>>) target(%dma_start3A_272 : memref<200x128xf32, #tpu.memory_space<vmem>>) offsets(%dma_start3A_273 : memref<200xi32, #tpu.memory_space<vmem>>) semaphore(%arg12 : memref<!tpu.dma_semaphore, #tpu.memory_space<semaphore_mem>>)
      %dma_wait3A_277 = arith.constant 1 : i32
      %dma_wait3A_278 = arith.constant 0 : i32
      %dma_wait3A_279 = arith.constant 0 : i32
      %dma_wait3A_280 = tpu.memref_slice %arg8[%dma_wait3A_277, %dma_wait3A_278, %dma_wait3A_279] : memref<2x200x128xf32, #tpu.memory_space<vmem>> -> memref<1x200x128xf32, #tpu.memory_space<vmem>>
      %dma_wait3A_281 = tpu.memref_squeeze %dma_wait3A_280 : memref<1x200x128xf32, #tpu.memory_space<vmem>> -> memref<200x128xf32, #tpu.memory_space<vmem>>
      %dma_wait3A_282 = arith.constant 0 : i32
      %dma_wait3A_283 = tpu.memref_slice %arg6[%dma_wait3A_282] : memref<10000xi32, #tpu.memory_space<vmem>> -> memref<200xi32, #tpu.memory_space<vmem>>
      %dma_wait3A_284 = arith.constant 0 : i32
      %dma_wait3A_285 = arith.constant 0 : i32
      %dma_wait3A_286 = tpu.memref_slice %arg2[%dma_wait3A_284, %dma_wait3A_285] : memref<10000x128xf32, #tpu.memory_space<hbm>> -> memref<10000x128xf32, #tpu.memory_space<hbm>>
      tpu.wait_indirect_dma semaphore(%arg11 : memref<!tpu.dma_semaphore, #tpu.memory_space<semaphore_mem>>) src(%dma_wait3A_286 : memref<10000x128xf32, #tpu.memory_space<hbm>>) dst(%dma_wait3A_281 : memref<200x128xf32, #tpu.memory_space<vmem>>)
      %dma_wait3A_287 = arith.constant 1 : i32
      %dma_wait3A_288 = arith.constant 0 : i32
      %dma_wait3A_289 = arith.constant 0 : i32
      %dma_wait3A_290 = tpu.memref_slice %arg9[%dma_wait3A_287, %dma_wait3A_288, %dma_wait3A_289] : memref<2x200x128xf32, #tpu.memory_space<vmem>> -> memref<1x200x128xf32, #tpu.memory_space<vmem>>
      %dma_wait3A_291 = tpu.memref_squeeze %dma_wait3A_290 : memref<1x200x128xf32, #tpu.memory_space<vmem>> -> memref<200x128xf32, #tpu.memory_space<vmem>>
      %dma_wait3A_292 = arith.constant 0 : i32
      %dma_wait3A_293 = tpu.memref_slice %arg7[%dma_wait3A_292] : memref<10000xi32, #tpu.memory_space<vmem>> -> memref<200xi32, #tpu.memory_space<vmem>>
      %dma_wait3A_294 = arith.constant 0 : i32
      %dma_wait3A_295 = arith.constant 0 : i32
      %dma_wait3A_296 = tpu.memref_slice %arg2[%dma_wait3A_294, %dma_wait3A_295] : memref<10000x128xf32, #tpu.memory_space<hbm>> -> memref<10000x128xf32, #tpu.memory_space<hbm>>
      tpu.wait_indirect_dma semaphore(%arg13 : memref<!tpu.dma_semaphore, #tpu.memory_space<semaphore_mem>>) src(%dma_wait3A_296 : memref<10000x128xf32, #tpu.memory_space<hbm>>) dst(%dma_wait3A_291 : memref<200x128xf32, #tpu.memory_space<vmem>>)
      %scan3A_297 = arith.constant 0 : i32
      %scan3A_298 = arith.constant 200 : i32
      %scan3A_299 = arith.addi %scan3A_297, %scan3A_298 : i32
      %scan3A_300 = arith.constant 2 : i32
      scf.for %scan3A_321 = %scan3A_297 to %scan3A_299 step %scan3A_300  : i32 {
        %mul3A_322 = arith.constant 1 : i32
        %mul3A_323 = arith.muli %scan3A_321, %mul3A_322 : i32
        %add3A_324 = arith.constant 0 : i32
        %add3A_325 = arith.addi %add3A_324, %mul3A_323 : i32
        %get3A = arith.constant 1 : i32
        %get3A_326 = arith.index_cast %get3A : i32 to index
        %get3A_327 = arith.index_cast %add3A_325 : i32 to index
        %get3A_328 = arith.constant 0 : index
        %get3A_329 = tpu.vector_load %arg8[%get3A_326, %get3A_327, %get3A_328] {strides = array<i32>} : memref<2x200x128xf32, #tpu.memory_space<vmem>>, vector<1x1x16xf32>,
        %get3A_330 = vector.shape_cast %get3A_329 : vector<1x1x16xf32> to vector<16xf32>
        %get3A_331 = arith.constant 1 : i32
        %get3A_332 = arith.index_cast %get3A_331 : i32 to index
        %get3A_333 = arith.index_cast %add3A_325 : i32 to index
        %get3A_334 = arith.constant 64 : index
        %get3A_335 = tpu.vector_load %arg9[%get3A_332, %get3A_333, %get3A_334] {strides = array<i32>} : memref<2x200x128xf32, #tpu.memory_space<vmem>>, vector<1x1x16xf32>,
        %get3A_336 = vector.shape_cast %get3A_335 : vector<1x1x16xf32> to vector<16xf32>
        %add3A_337 = arith.addf %get3A_330, %get3A_336 : vector<16xf32>
        %swap3A = arith.constant 1 : i32
        %swap3A_338 = arith.index_cast %swap3A : i32 to index
        %swap3A_339 = arith.index_cast %add3A_325 : i32 to index
        %swap3A_340 = arith.constant 0 : index
        %swap3A_341 = tpu.vector_load %arg8[%swap3A_338, %swap3A_339, %swap3A_340] {strides = array<i32>} : memref<2x200x128xf32, #tpu.memory_space<vmem>>, vector<1x1x16xf32>,
        %swap3A_342 = vector.shape_cast %swap3A_341 : vector<1x1x16xf32> to vector<16xf32>
        %swap3A_343 = vector.shape_cast %add3A_337 : vector<16xf32> to vector<1x1x16xf32>
        tpu.vector_store %arg8[%swap3A_338, %swap3A_339, %swap3A_340], %swap3A_343 {strides = array<i32>} : memref<2x200x128xf32, #tpu.memory_space<vmem>>, vector<1x1x16xf32>,
        %get3A_344 = arith.constant 1 : i32
        %get3A_345 = arith.index_cast %get3A_344 : i32 to index
        %get3A_346 = arith.index_cast %add3A_325 : i32 to index
        %get3A_347 = arith.constant 16 : index
        %get3A_348 = tpu.vector_load %arg8[%get3A_345, %get3A_346, %get3A_347] {strides = array<i32>} : memref<2x200x128xf32, #tpu.memory_space<vmem>>, vector<1x1x16xf32>,
        %get3A_349 = vector.shape_cast %get3A_348 : vector<1x1x16xf32> to vector<16xf32>
        %get3A_350 = arith.constant 1 : i32
        %get3A_351 = arith.index_cast %get3A_350 : i32 to index
        %get3A_352 = arith.index_cast %add3A_325 : i32 to index
        %get3A_353 = arith.constant 80 : index
        %get3A_354 = tpu.vector_load %arg9[%get3A_351, %get3A_352, %get3A_353] {strides = array<i32>} : memref<2x200x128xf32, #tpu.memory_space<vmem>>, vector<1x1x16xf32>,
        %get3A_355 = vector.shape_cast %get3A_354 : vector<1x1x16xf32> to vector<16xf32>
        %add3A_356 = arith.addf %get3A_349, %get3A_355 : vector<16xf32>
        %swap3A_357 = arith.constant 1 : i32
        %swap3A_358 = arith.index_cast %swap3A_357 : i32 to index
        %swap3A_359 = arith.index_cast %add3A_325 : i32 to index
        %swap3A_360 = arith.constant 16 : index
        %swap3A_361 = tpu.vector_load %arg8[%swap3A_358, %swap3A_359, %swap3A_360] {strides = array<i32>} : memref<2x200x128xf32, #tpu.memory_space<vmem>>, vector<1x1x16xf32>,
        %swap3A_362 = vector.shape_cast %swap3A_361 : vector<1x1x16xf32> to vector<16xf32>
        %swap3A_363 = vector.shape_cast %add3A_356 : vector<16xf32> to vector<1x1x16xf32>
        tpu.vector_store %arg8[%swap3A_358, %swap3A_359, %swap3A_360], %swap3A_363 {strides = array<i32>} : memref<2x200x128xf32, #tpu.memory_space<vmem>>, vector<1x1x16xf32>,
        %get3A_364 = arith.constant 1 : i32
        %get3A_365 = arith.index_cast %get3A_364 : i32 to index
        %get3A_366 = arith.index_cast %add3A_325 : i32 to index
        %get3A_367 = arith.constant 32 : index
        %get3A_368 = tpu.vector_load %arg8[%get3A_365, %get3A_366, %get3A_367] {strides = array<i32>} : memref<2x200x128xf32, #tpu.memory_space<vmem>>, vector<1x1x16xf32>,
        %get3A_369 = vector.shape_cast %get3A_368 : vector<1x1x16xf32> to vector<16xf32>
        %get3A_370 = arith.constant 1 : i32
        %get3A_371 = arith.index_cast %get3A_370 : i32 to index
        %get3A_372 = arith.index_cast %add3A_325 : i32 to index
        %get3A_373 = arith.constant 96 : index
        %get3A_374 = tpu.vector_load %arg9[%get3A_371, %get3A_372, %get3A_373] {strides = array<i32>} : memref<2x200x128xf32, #tpu.memory_space<vmem>>, vector<1x1x16xf32>,
        %get3A_375 = vector.shape_cast %get3A_374 : vector<1x1x16xf32> to vector<16xf32>
        %add3A_376 = arith.addf %get3A_369, %get3A_375 : vector<16xf32>
        %swap3A_377 = arith.constant 1 : i32
        %swap3A_378 = arith.index_cast %swap3A_377 : i32 to index
        %swap3A_379 = arith.index_cast %add3A_325 : i32 to index
        %swap3A_380 = arith.constant 32 : index
        %swap3A_381 = tpu.vector_load %arg8[%swap3A_378, %swap3A_379, %swap3A_380] {strides = array<i32>} : memref<2x200x128xf32, #tpu.memory_space<vmem>>, vector<1x1x16xf32>,
        %swap3A_382 = vector.shape_cast %swap3A_381 : vector<1x1x16xf32> to vector<16xf32>
        %swap3A_383 = vector.shape_cast %add3A_376 : vector<16xf32> to vector<1x1x16xf32>
        tpu.vector_store %arg8[%swap3A_378, %swap3A_379, %swap3A_380], %swap3A_383 {strides = array<i32>} : memref<2x200x128xf32, #tpu.memory_space<vmem>>, vector<1x1x16xf32>,
        %get3A_384 = arith.constant 1 : i32
        %get3A_385 = arith.index_cast %get3A_384 : i32 to index
        %get3A_386 = arith.index_cast %add3A_325 : i32 to index
        %get3A_387 = arith.constant 48 : index
        %get3A_388 = tpu.vector_load %arg8[%get3A_385, %get3A_386, %get3A_387] {strides = array<i32>} : memref<2x200x128xf32, #tpu.memory_space<vmem>>, vector<1x1x16xf32>,
        %get3A_389 = vector.shape_cast %get3A_388 : vector<1x1x16xf32> to vector<16xf32>
        %get3A_390 = arith.constant 1 : i32
        %get3A_391 = arith.index_cast %get3A_390 : i32 to index
        %get3A_392 = arith.index_cast %add3A_325 : i32 to index
        %get3A_393 = arith.constant 112 : index
        %get3A_394 = tpu.vector_load %arg9[%get3A_391, %get3A_392, %get3A_393] {strides = array<i32>} : memref<2x200x128xf32, #tpu.memory_space<vmem>>, vector<1x1x16xf32>,
        %get3A_395 = vector.shape_cast %get3A_394 : vector<1x1x16xf32> to vector<16xf32>
        %add3A_396 = arith.addf %get3A_389, %get3A_395 : vector<16xf32>
        %swap3A_397 = arith.constant 1 : i32
        %swap3A_398 = arith.index_cast %swap3A_397 : i32 to index
        %swap3A_399 = arith.index_cast %add3A_325 : i32 to index
        %swap3A_400 = arith.constant 48 : index
        %swap3A_401 = tpu.vector_load %arg8[%swap3A_398, %swap3A_399, %swap3A_400] {strides = array<i32>} : memref<2x200x128xf32, #tpu.memory_space<vmem>>, vector<1x1x16xf32>,
        %swap3A_402 = vector.shape_cast %swap3A_401 : vector<1x1x16xf32> to vector<16xf32>
        %swap3A_403 = vector.shape_cast %add3A_396 : vector<16xf32> to vector<1x1x16xf32>
        tpu.vector_store %arg8[%swap3A_398, %swap3A_399, %swap3A_400], %swap3A_403 {strides = array<i32>} : memref<2x200x128xf32, #tpu.memory_space<vmem>>, vector<1x1x16xf32>,
        %scan3A_404 = arith.constant 1 : i32
        %scan3A_405 = arith.addi %scan3A_321, %scan3A_404 : i32
        %mul3A_406 = arith.constant 1 : i32
        %mul3A_407 = arith.muli %scan3A_405, %mul3A_406 : i32
        %add3A_408 = arith.constant 0 : i32
        %add3A_409 = arith.addi %add3A_408, %mul3A_407 : i32
        %get3A_410 = arith.constant 1 : i32
        %get3A_411 = arith.index_cast %get3A_410 : i32 to index
        %get3A_412 = arith.index_cast %add3A_409 : i32 to index
        %get3A_413 = arith.constant 0 : index
        %get3A_414 = tpu.vector_load %arg8[%get3A_411, %get3A_412, %get3A_413] {strides = array<i32>} : memref<2x200x128xf32, #tpu.memory_space<vmem>>, vector<1x1x16xf32>,
        %get3A_415 = vector.shape_cast %get3A_414 : vector<1x1x16xf32> to vector<16xf32>
        %get3A_416 = arith.constant 1 : i32
        %get3A_417 = arith.index_cast %get3A_416 : i32 to index
        %get3A_418 = arith.index_cast %add3A_409 : i32 to index
        %get3A_419 = arith.constant 64 : index
        %get3A_420 = tpu.vector_load %arg9[%get3A_417, %get3A_418, %get3A_419] {strides = array<i32>} : memref<2x200x128xf32, #tpu.memory_space<vmem>>, vector<1x1x16xf32>,
        %get3A_421 = vector.shape_cast %get3A_420 : vector<1x1x16xf32> to vector<16xf32>
        %add3A_422 = arith.addf %get3A_415, %get3A_421 : vector<16xf32>
        %swap3A_423 = arith.constant 1 : i32
        %swap3A_424 = arith.index_cast %swap3A_423 : i32 to index
        %swap3A_425 = arith.index_cast %add3A_409 : i32 to index
        %swap3A_426 = arith.constant 0 : index
        %swap3A_427 = tpu.vector_load %arg8[%swap3A_424, %swap3A_425, %swap3A_426] {strides = array<i32>} : memref<2x200x128xf32, #tpu.memory_space<vmem>>, vector<1x1x16xf32>,
        %swap3A_428 = vector.shape_cast %swap3A_427 : vector<1x1x16xf32> to vector<16xf32>
        %swap3A_429 = vector.shape_cast %add3A_422 : vector<16xf32> to vector<1x1x16xf32>
        tpu.vector_store %arg8[%swap3A_424, %swap3A_425, %swap3A_426], %swap3A_429 {strides = array<i32>} : memref<2x200x128xf32, #tpu.memory_space<vmem>>, vector<1x1x16xf32>,
        %get3A_430 = arith.constant 1 : i32
        %get3A_431 = arith.index_cast %get3A_430 : i32 to index
        %get3A_432 = arith.index_cast %add3A_409 : i32 to index
        %get3A_433 = arith.constant 16 : index
        %get3A_434 = tpu.vector_load %arg8[%get3A_431, %get3A_432, %get3A_433] {strides = array<i32>} : memref<2x200x128xf32, #tpu.memory_space<vmem>>, vector<1x1x16xf32>,
        %get3A_435 = vector.shape_cast %get3A_434 : vector<1x1x16xf32> to vector<16xf32>
        %get3A_436 = arith.constant 1 : i32
        %get3A_437 = arith.index_cast %get3A_436 : i32 to index
        %get3A_438 = arith.index_cast %add3A_409 : i32 to index
        %get3A_439 = arith.constant 80 : index
        %get3A_440 = tpu.vector_load %arg9[%get3A_437, %get3A_438, %get3A_439] {strides = array<i32>} : memref<2x200x128xf32, #tpu.memory_space<vmem>>, vector<1x1x16xf32>,
        %get3A_441 = vector.shape_cast %get3A_440 : vector<1x1x16xf32> to vector<16xf32>
        %add3A_442 = arith.addf %get3A_435, %get3A_441 : vector<16xf32>
        %swap3A_443 = arith.constant 1 : i32
        %swap3A_444 = arith.index_cast %swap3A_443 : i32 to index
        %swap3A_445 = arith.index_cast %add3A_409 : i32 to index
        %swap3A_446 = arith.constant 16 : index
        %swap3A_447 = tpu.vector_load %arg8[%swap3A_444, %swap3A_445, %swap3A_446] {strides = array<i32>} : memref<2x200x128xf32, #tpu.memory_space<vmem>>, vector<1x1x16xf32>,
        %swap3A_448 = vector.shape_cast %swap3A_447 : vector<1x1x16xf32> to vector<16xf32>
        %swap3A_449 = vector.shape_cast %add3A_442 : vector<16xf32> to vector<1x1x16xf32>
        tpu.vector_store %arg8[%swap3A_444, %swap3A_445, %swap3A_446], %swap3A_449 {strides = array<i32>} : memref<2x200x128xf32, #tpu.memory_space<vmem>>, vector<1x1x16xf32>,
        %get3A_450 = arith.constant 1 : i32
        %get3A_451 = arith.index_cast %get3A_450 : i32 to index
        %get3A_452 = arith.index_cast %add3A_409 : i32 to index
        %get3A_453 = arith.constant 32 : index
        %get3A_454 = tpu.vector_load %arg8[%get3A_451, %get3A_452, %get3A_453] {strides = array<i32>} : memref<2x200x128xf32, #tpu.memory_space<vmem>>, vector<1x1x16xf32>,
        %get3A_455 = vector.shape_cast %get3A_454 : vector<1x1x16xf32> to vector<16xf32>
        %get3A_456 = arith.constant 1 : i32
        %get3A_457 = arith.index_cast %get3A_456 : i32 to index
        %get3A_458 = arith.index_cast %add3A_409 : i32 to index
        %get3A_459 = arith.constant 96 : index
        %get3A_460 = tpu.vector_load %arg9[%get3A_457, %get3A_458, %get3A_459] {strides = array<i32>} : memref<2x200x128xf32, #tpu.memory_space<vmem>>, vector<1x1x16xf32>,
        %get3A_461 = vector.shape_cast %get3A_460 : vector<1x1x16xf32> to vector<16xf32>
        %add3A_462 = arith.addf %get3A_455, %get3A_461 : vector<16xf32>
        %swap3A_463 = arith.constant 1 : i32
        %swap3A_464 = arith.index_cast %swap3A_463 : i32 to index
        %swap3A_465 = arith.index_cast %add3A_409 : i32 to index
        %swap3A_466 = arith.constant 32 : index
        %swap3A_467 = tpu.vector_load %arg8[%swap3A_464, %swap3A_465, %swap3A_466] {strides = array<i32>} : memref<2x200x128xf32, #tpu.memory_space<vmem>>, vector<1x1x16xf32>,
        %swap3A_468 = vector.shape_cast %swap3A_467 : vector<1x1x16xf32> to vector<16xf32>
        %swap3A_469 = vector.shape_cast %add3A_462 : vector<16xf32> to vector<1x1x16xf32>
        tpu.vector_store %arg8[%swap3A_464, %swap3A_465, %swap3A_466], %swap3A_469 {strides = array<i32>} : memref<2x200x128xf32, #tpu.memory_space<vmem>>, vector<1x1x16xf32>,
        %get3A_470 = arith.constant 1 : i32
        %get3A_471 = arith.index_cast %get3A_470 : i32 to index
        %get3A_472 = arith.index_cast %add3A_409 : i32 to index
        %get3A_473 = arith.constant 48 : index
        %get3A_474 = tpu.vector_load %arg8[%get3A_471, %get3A_472, %get3A_473] {strides = array<i32>} : memref<2x200x128xf32, #tpu.memory_space<vmem>>, vector<1x1x16xf32>,
        %get3A_475 = vector.shape_cast %get3A_474 : vector<1x1x16xf32> to vector<16xf32>
        %get3A_476 = arith.constant 1 : i32
        %get3A_477 = arith.index_cast %get3A_476 : i32 to index
        %get3A_478 = arith.index_cast %add3A_409 : i32 to index
        %get3A_479 = arith.constant 112 : index
        %get3A_480 = tpu.vector_load %arg9[%get3A_477, %get3A_478, %get3A_479] {strides = array<i32>} : memref<2x200x128xf32, #tpu.memory_space<vmem>>, vector<1x1x16xf32>,
        %get3A_481 = vector.shape_cast %get3A_480 : vector<1x1x16xf32> to vector<16xf32>
        %add3A_482 = arith.addf %get3A_475, %get3A_481 : vector<16xf32>
        %swap3A_483 = arith.constant 1 : i32
        %swap3A_484 = arith.index_cast %swap3A_483 : i32 to index
        %swap3A_485 = arith.index_cast %add3A_409 : i32 to index
        %swap3A_486 = arith.constant 48 : index
        %swap3A_487 = tpu.vector_load %arg8[%swap3A_484, %swap3A_485, %swap3A_486] {strides = array<i32>} : memref<2x200x128xf32, #tpu.memory_space<vmem>>, vector<1x1x16xf32>,
        %swap3A_488 = vector.shape_cast %swap3A_487 : vector<1x1x16xf32> to vector<16xf32>
        %swap3A_489 = vector.shape_cast %add3A_482 : vector<16xf32> to vector<1x1x16xf32>
        tpu.vector_store %arg8[%swap3A_484, %swap3A_485, %swap3A_486], %swap3A_489 {strides = array<i32>} : memref<2x200x128xf32, #tpu.memory_space<vmem>>, vector<1x1x16xf32>,
      }
      %scan3A_301 = arith.constant 200 : i32
      %add3A_302 = arith.constant 1 : i32
      %add3A_303 = arith.addi %mul3A_171, %add3A_302 : i32
      %mul3A_304 = arith.constant 200 : i32
      %mul3A_305 = arith.muli %add3A_303, %mul3A_304 : i32
      %add3A_306 = arith.addi %mul3A_2, %mul3A_305 : i32
      %multiple_of3A_307 = tpu.assume_multiple %add3A_306, 8 : i32
      %dma_start3A_308 = arith.constant 1 : i32
      %dma_start3A_309 = arith.constant 0 : i32
      %dma_start3A_310 = arith.constant 0 : i32
      %dma_start3A_311 = tpu.memref_slice %arg8[%dma_start3A_308, %dma_start3A_309, %dma_start3A_310] : memref<2x200x128xf32, #tpu.memory_space<vmem>> -> memref<1x200x128xf32, #tpu.memory_space<vmem>>
      %dma_start3A_312 = tpu.memref_squeeze %dma_start3A_311 : memref<1x200x128xf32, #tpu.memory_space<vmem>> -> memref<200x128xf32, #tpu.memory_space<vmem>>
      %dma_start3A_313 = arith.constant 0 : i32
      %dma_start3A_314 = tpu.memref_slice %arg5[%multiple_of3A_307, %dma_start3A_313] : memref<320000x128xf32, #tpu.memory_space<hbm>> -> memref<200x128xf32, #tpu.memory_space<hbm>>
      %dma_start3A_315 = arith.constant 0 : i32
      %dma_start3A_316 = tpu.memref_slice %arg5[%multiple_of3A_307, %dma_start3A_315] : memref<320000x128xf32, #tpu.memory_space<hbm>> -> memref<200x128xf32, #tpu.memory_space<hbm>>
      %dma_start3A_317 = arith.constant 0 : i32
      %dma_start3A_318 = arith.constant 0 : i32
      %dma_start3A_319 = tpu.memref_slice %arg8[%dma_start3A_308, %dma_start3A_317, %dma_start3A_318] : memref<2x200x128xf32, #tpu.memory_space<vmem>> -> memref<1x200x128xf32, #tpu.memory_space<vmem>>
      %dma_start3A_320 = tpu.memref_squeeze %dma_start3A_319 : memref<1x200x128xf32, #tpu.memory_space<vmem>> -> memref<200x128xf32, #tpu.memory_space<vmem>>
      tpu.enqueue_dma source(%dma_start3A_320 : memref<200x128xf32, #tpu.memory_space<vmem>>) target(%dma_start3A_316 : memref<200x128xf32, #tpu.memory_space<hbm>>) target_semaphore(%arg15 : memref<!tpu.dma_semaphore, #tpu.memory_space<semaphore_mem>>)
    }
    %scan3A_25 = arith.constant 24 : i32
    %dma_wait3A = arith.constant 1 : i32
    %dma_wait3A_26 = arith.constant 0 : i32
    %dma_wait3A_27 = arith.constant 0 : i32
    %dma_wait3A_28 = tpu.memref_slice %arg8[%dma_wait3A, %dma_wait3A_26, %dma_wait3A_27] : memref<2x200x128xf32, #tpu.memory_space<vmem>> -> memref<1x200x128xf32, #tpu.memory_space<vmem>>
    %dma_wait3A_29 = tpu.memref_squeeze %dma_wait3A_28 : memref<1x200x128xf32, #tpu.memory_space<vmem>> -> memref<200x128xf32, #tpu.memory_space<vmem>>
    %dma_wait3A_30 = arith.constant 0 : i32
    %dma_wait3A_31 = tpu.memref_slice %arg5[%mul3A_2, %dma_wait3A_30] : memref<320000x128xf32, #tpu.memory_space<hbm>> -> memref<200x128xf32, #tpu.memory_space<hbm>>
    %dma_wait3A_32 = arith.constant 0 : i32
    %dma_wait3A_33 = tpu.memref_slice %arg5[%mul3A_2, %dma_wait3A_32] : memref<320000x128xf32, #tpu.memory_space<hbm>> -> memref<200x128xf32, #tpu.memory_space<hbm>>
    %dma_wait3A_34 = arith.constant 0 : i32
    %dma_wait3A_35 = arith.constant 0 : i32
    %dma_wait3A_36 = tpu.memref_slice %arg8[%dma_wait3A, %dma_wait3A_34, %dma_wait3A_35] : memref<2x200x128xf32, #tpu.memory_space<vmem>> -> memref<1x200x128xf32, #tpu.memory_space<vmem>>
    %dma_wait3A_37 = tpu.memref_squeeze %dma_wait3A_36 : memref<1x200x128xf32, #tpu.memory_space<vmem>> -> memref<200x128xf32, #tpu.memory_space<vmem>>
    tpu.wait_dma2 semaphore(%arg15 : memref<!tpu.dma_semaphore, #tpu.memory_space<semaphore_mem>>) src(%dma_wait3A_37 : memref<200x128xf32, #tpu.memory_space<vmem>>) dst(%dma_wait3A_33 : memref<200x128xf32, #tpu.memory_space<hbm>>)
    %dma_start3A_38 = arith.constant 1 : i32
    %dma_start3A_39 = arith.constant 0 : i32
    %dma_start3A_40 = arith.constant 0 : i32
    %dma_start3A_41 = tpu.memref_slice %arg8[%dma_start3A_38, %dma_start3A_39, %dma_start3A_40] : memref<2x200x128xf32, #tpu.memory_space<vmem>> -> memref<1x200x128xf32, #tpu.memory_space<vmem>>
    %dma_start3A_42 = tpu.memref_squeeze %dma_start3A_41 : memref<1x200x128xf32, #tpu.memory_space<vmem>> -> memref<200x128xf32, #tpu.memory_space<vmem>>
    %dma_start3A_43 = arith.constant 9800 : i32
    %dma_start3A_44 = tpu.memref_slice %arg6[%dma_start3A_43] : memref<10000xi32, #tpu.memory_space<vmem>> -> memref<200xi32, #tpu.memory_space<vmem>>
    %dma_start3A_45 = arith.constant 0 : i32
    %dma_start3A_46 = arith.constant 0 : i32
    %dma_start3A_47 = tpu.memref_slice %arg2[%dma_start3A_45, %dma_start3A_46] : memref<10000x128xf32, #tpu.memory_space<hbm>> -> memref<10000x128xf32, #tpu.memory_space<hbm>>
    tpu.enqueue_indirect_dma source(%dma_start3A_47 : memref<10000x128xf32, #tpu.memory_space<hbm>>) target(%dma_start3A_42 : memref<200x128xf32, #tpu.memory_space<vmem>>) offsets(%dma_start3A_44 : memref<200xi32, #tpu.memory_space<vmem>>) semaphore(%arg11 : memref<!tpu.dma_semaphore, #tpu.memory_space<semaphore_mem>>)
    %dma_start3A_48 = arith.constant 1 : i32
    %dma_start3A_49 = arith.constant 0 : i32
    %dma_start3A_50 = arith.constant 0 : i32
    %dma_start3A_51 = tpu.memref_slice %arg9[%dma_start3A_48, %dma_start3A_49, %dma_start3A_50] : memref<2x200x128xf32, #tpu.memory_space<vmem>> -> memref<1x200x128xf32, #tpu.memory_space<vmem>>
    %dma_start3A_52 = tpu.memref_squeeze %dma_start3A_51 : memref<1x200x128xf32, #tpu.memory_space<vmem>> -> memref<200x128xf32, #tpu.memory_space<vmem>>
    %dma_start3A_53 = arith.constant 9800 : i32
    %dma_start3A_54 = tpu.memref_slice %arg7[%dma_start3A_53] : memref<10000xi32, #tpu.memory_space<vmem>> -> memref<200xi32, #tpu.memory_space<vmem>>
    %dma_start3A_55 = arith.constant 0 : i32
    %dma_start3A_56 = arith.constant 0 : i32
    %dma_start3A_57 = tpu.memref_slice %arg2[%dma_start3A_55, %dma_start3A_56] : memref<10000x128xf32, #tpu.memory_space<hbm>> -> memref<10000x128xf32, #tpu.memory_space<hbm>>
    tpu.enqueue_indirect_dma source(%dma_start3A_57 : memref<10000x128xf32, #tpu.memory_space<hbm>>) target(%dma_start3A_52 : memref<200x128xf32, #tpu.memory_space<vmem>>) offsets(%dma_start3A_54 : memref<200xi32, #tpu.memory_space<vmem>>) semaphore(%arg13 : memref<!tpu.dma_semaphore, #tpu.memory_space<semaphore_mem>>)
    %dma_wait3A_58 = arith.constant 0 : i32
    %dma_wait3A_59 = arith.constant 0 : i32
    %dma_wait3A_60 = arith.constant 0 : i32
    %dma_wait3A_61 = tpu.memref_slice %arg8[%dma_wait3A_58, %dma_wait3A_59, %dma_wait3A_60] : memref<2x200x128xf32, #tpu.memory_space<vmem>> -> memref<1x200x128xf32, #tpu.memory_space<vmem>>
    %dma_wait3A_62 = tpu.memref_squeeze %dma_wait3A_61 : memref<1x200x128xf32, #tpu.memory_space<vmem>> -> memref<200x128xf32, #tpu.memory_space<vmem>>
    %dma_wait3A_63 = arith.constant 0 : i32
    %dma_wait3A_64 = tpu.memref_slice %arg6[%dma_wait3A_63] : memref<10000xi32, #tpu.memory_space<vmem>> -> memref<200xi32, #tpu.memory_space<vmem>>
    %dma_wait3A_65 = arith.constant 0 : i32
    %dma_wait3A_66 = arith.constant 0 : i32
    %dma_wait3A_67 = tpu.memref_slice %arg2[%dma_wait3A_65, %dma_wait3A_66] : memref<10000x128xf32, #tpu.memory_space<hbm>> -> memref<10000x128xf32, #tpu.memory_space<hbm>>
    tpu.wait_indirect_dma semaphore(%arg10 : memref<!tpu.dma_semaphore, #tpu.memory_space<semaphore_mem>>) src(%dma_wait3A_67 : memref<10000x128xf32, #tpu.memory_space<hbm>>) dst(%dma_wait3A_62 : memref<200x128xf32, #tpu.memory_space<vmem>>)
    %dma_wait3A_68 = arith.constant 0 : i32
    %dma_wait3A_69 = arith.constant 0 : i32
    %dma_wait3A_70 = arith.constant 0 : i32
    %dma_wait3A_71 = tpu.memref_slice %arg9[%dma_wait3A_68, %dma_wait3A_69, %dma_wait3A_70] : memref<2x200x128xf32, #tpu.memory_space<vmem>> -> memref<1x200x128xf32, #tpu.memory_space<vmem>>
    %dma_wait3A_72 = tpu.memref_squeeze %dma_wait3A_71 : memref<1x200x128xf32, #tpu.memory_space<vmem>> -> memref<200x128xf32, #tpu.memory_space<vmem>>
    %dma_wait3A_73 = arith.constant 0 : i32
    %dma_wait3A_74 = tpu.memref_slice %arg7[%dma_wait3A_73] : memref<10000xi32, #tpu.memory_space<vmem>> -> memref<200xi32, #tpu.memory_space<vmem>>
    %dma_wait3A_75 = arith.constant 0 : i32
    %dma_wait3A_76 = arith.constant 0 : i32
    %dma_wait3A_77 = tpu.memref_slice %arg2[%dma_wait3A_75, %dma_wait3A_76] : memref<10000x128xf32, #tpu.memory_space<hbm>> -> memref<10000x128xf32, #tpu.memory_space<hbm>>
    tpu.wait_indirect_dma semaphore(%arg12 : memref<!tpu.dma_semaphore, #tpu.memory_space<semaphore_mem>>) src(%dma_wait3A_77 : memref<10000x128xf32, #tpu.memory_space<hbm>>) dst(%dma_wait3A_72 : memref<200x128xf32, #tpu.memory_space<vmem>>)
    %scan3A_78 = arith.constant 0 : i32
    %scan3A_79 = arith.constant 200 : i32
    %scan3A_80 = arith.addi %scan3A_78, %scan3A_79 : i32
    %scan3A_81 = arith.constant 2 : i32
    scf.for %scan3A_165 = %scan3A_78 to %scan3A_80 step %scan3A_81  : i32 {
      %mul3A_166 = arith.constant 1 : i32
      %mul3A_167 = arith.muli %scan3A_165, %mul3A_166 : i32
      %add3A_168 = arith.constant 0 : i32
      %add3A_169 = arith.addi %add3A_168, %mul3A_167 : i32
      %get3A = arith.constant 0 : i32
      %get3A_170 = arith.index_cast %get3A : i32 to index
      %get3A_171 = arith.index_cast %add3A_169 : i32 to index
      %get3A_172 = arith.constant 0 : index
      %get3A_173 = tpu.vector_load %arg8[%get3A_170, %get3A_171, %get3A_172] {strides = array<i32>} : memref<2x200x128xf32, #tpu.memory_space<vmem>>, vector<1x1x16xf32>,
      %get3A_174 = vector.shape_cast %get3A_173 : vector<1x1x16xf32> to vector<16xf32>
      %get3A_175 = arith.constant 0 : i32
      %get3A_176 = arith.index_cast %get3A_175 : i32 to index
      %get3A_177 = arith.index_cast %add3A_169 : i32 to index
      %get3A_178 = arith.constant 64 : index
      %get3A_179 = tpu.vector_load %arg9[%get3A_176, %get3A_177, %get3A_178] {strides = array<i32>} : memref<2x200x128xf32, #tpu.memory_space<vmem>>, vector<1x1x16xf32>,
      %get3A_180 = vector.shape_cast %get3A_179 : vector<1x1x16xf32> to vector<16xf32>
      %add3A_181 = arith.addf %get3A_174, %get3A_180 : vector<16xf32>
      %swap3A = arith.constant 0 : i32
      %swap3A_182 = arith.index_cast %swap3A : i32 to index
      %swap3A_183 = arith.index_cast %add3A_169 : i32 to index
      %swap3A_184 = arith.constant 0 : index
      %swap3A_185 = tpu.vector_load %arg8[%swap3A_182, %swap3A_183, %swap3A_184] {strides = array<i32>} : memref<2x200x128xf32, #tpu.memory_space<vmem>>, vector<1x1x16xf32>,
      %swap3A_186 = vector.shape_cast %swap3A_185 : vector<1x1x16xf32> to vector<16xf32>
      %swap3A_187 = vector.shape_cast %add3A_181 : vector<16xf32> to vector<1x1x16xf32>
      tpu.vector_store %arg8[%swap3A_182, %swap3A_183, %swap3A_184], %swap3A_187 {strides = array<i32>} : memref<2x200x128xf32, #tpu.memory_space<vmem>>, vector<1x1x16xf32>,
      %get3A_188 = arith.constant 0 : i32
      %get3A_189 = arith.index_cast %get3A_188 : i32 to index
      %get3A_190 = arith.index_cast %add3A_169 : i32 to index
      %get3A_191 = arith.constant 16 : index
      %get3A_192 = tpu.vector_load %arg8[%get3A_189, %get3A_190, %get3A_191] {strides = array<i32>} : memref<2x200x128xf32, #tpu.memory_space<vmem>>, vector<1x1x16xf32>,
      %get3A_193 = vector.shape_cast %get3A_192 : vector<1x1x16xf32> to vector<16xf32>
      %get3A_194 = arith.constant 0 : i32
      %get3A_195 = arith.index_cast %get3A_194 : i32 to index
      %get3A_196 = arith.index_cast %add3A_169 : i32 to index
      %get3A_197 = arith.constant 80 : index
      %get3A_198 = tpu.vector_load %arg9[%get3A_195, %get3A_196, %get3A_197] {strides = array<i32>} : memref<2x200x128xf32, #tpu.memory_space<vmem>>, vector<1x1x16xf32>,
      %get3A_199 = vector.shape_cast %get3A_198 : vector<1x1x16xf32> to vector<16xf32>
      %add3A_200 = arith.addf %get3A_193, %get3A_199 : vector<16xf32>
      %swap3A_201 = arith.constant 0 : i32
      %swap3A_202 = arith.index_cast %swap3A_201 : i32 to index
      %swap3A_203 = arith.index_cast %add3A_169 : i32 to index
      %swap3A_204 = arith.constant 16 : index
      %swap3A_205 = tpu.vector_load %arg8[%swap3A_202, %swap3A_203, %swap3A_204] {strides = array<i32>} : memref<2x200x128xf32, #tpu.memory_space<vmem>>, vector<1x1x16xf32>,
      %swap3A_206 = vector.shape_cast %swap3A_205 : vector<1x1x16xf32> to vector<16xf32>
      %swap3A_207 = vector.shape_cast %add3A_200 : vector<16xf32> to vector<1x1x16xf32>
      tpu.vector_store %arg8[%swap3A_202, %swap3A_203, %swap3A_204], %swap3A_207 {strides = array<i32>} : memref<2x200x128xf32, #tpu.memory_space<vmem>>, vector<1x1x16xf32>,
      %get3A_208 = arith.constant 0 : i32
      %get3A_209 = arith.index_cast %get3A_208 : i32 to index
      %get3A_210 = arith.index_cast %add3A_169 : i32 to index
      %get3A_211 = arith.constant 32 : index
      %get3A_212 = tpu.vector_load %arg8[%get3A_209, %get3A_210, %get3A_211] {strides = array<i32>} : memref<2x200x128xf32, #tpu.memory_space<vmem>>, vector<1x1x16xf32>,
      %get3A_213 = vector.shape_cast %get3A_212 : vector<1x1x16xf32> to vector<16xf32>
      %get3A_214 = arith.constant 0 : i32
      %get3A_215 = arith.index_cast %get3A_214 : i32 to index
      %get3A_216 = arith.index_cast %add3A_169 : i32 to index
      %get3A_217 = arith.constant 96 : index
      %get3A_218 = tpu.vector_load %arg9[%get3A_215, %get3A_216, %get3A_217] {strides = array<i32>} : memref<2x200x128xf32, #tpu.memory_space<vmem>>, vector<1x1x16xf32>,
      %get3A_219 = vector.shape_cast %get3A_218 : vector<1x1x16xf32> to vector<16xf32>
      %add3A_220 = arith.addf %get3A_213, %get3A_219 : vector<16xf32>
      %swap3A_221 = arith.constant 0 : i32
      %swap3A_222 = arith.index_cast %swap3A_221 : i32 to index
      %swap3A_223 = arith.index_cast %add3A_169 : i32 to index
      %swap3A_224 = arith.constant 32 : index
      %swap3A_225 = tpu.vector_load %arg8[%swap3A_222, %swap3A_223, %swap3A_224] {strides = array<i32>} : memref<2x200x128xf32, #tpu.memory_space<vmem>>, vector<1x1x16xf32>,
      %swap3A_226 = vector.shape_cast %swap3A_225 : vector<1x1x16xf32> to vector<16xf32>
      %swap3A_227 = vector.shape_cast %add3A_220 : vector<16xf32> to vector<1x1x16xf32>
      tpu.vector_store %arg8[%swap3A_222, %swap3A_223, %swap3A_224], %swap3A_227 {strides = array<i32>} : memref<2x200x128xf32, #tpu.memory_space<vmem>>, vector<1x1x16xf32>,
      %get3A_228 = arith.constant 0 : i32
      %get3A_229 = arith.index_cast %get3A_228 : i32 to index
      %get3A_230 = arith.index_cast %add3A_169 : i32 to index
      %get3A_231 = arith.constant 48 : index
      %get3A_232 = tpu.vector_load %arg8[%get3A_229, %get3A_230, %get3A_231] {strides = array<i32>} : memref<2x200x128xf32, #tpu.memory_space<vmem>>, vector<1x1x16xf32>,
      %get3A_233 = vector.shape_cast %get3A_232 : vector<1x1x16xf32> to vector<16xf32>
      %get3A_234 = arith.constant 0 : i32
      %get3A_235 = arith.index_cast %get3A_234 : i32 to index
      %get3A_236 = arith.index_cast %add3A_169 : i32 to index
      %get3A_237 = arith.constant 112 : index
      %get3A_238 = tpu.vector_load %arg9[%get3A_235, %get3A_236, %get3A_237] {strides = array<i32>} : memref<2x200x128xf32, #tpu.memory_space<vmem>>, vector<1x1x16xf32>,
      %get3A_239 = vector.shape_cast %get3A_238 : vector<1x1x16xf32> to vector<16xf32>
      %add3A_240 = arith.addf %get3A_233, %get3A_239 : vector<16xf32>
      %swap3A_241 = arith.constant 0 : i32
      %swap3A_242 = arith.index_cast %swap3A_241 : i32 to index
      %swap3A_243 = arith.index_cast %add3A_169 : i32 to index
      %swap3A_244 = arith.constant 48 : index
      %swap3A_245 = tpu.vector_load %arg8[%swap3A_242, %swap3A_243, %swap3A_244] {strides = array<i32>} : memref<2x200x128xf32, #tpu.memory_space<vmem>>, vector<1x1x16xf32>,
      %swap3A_246 = vector.shape_cast %swap3A_245 : vector<1x1x16xf32> to vector<16xf32>
      %swap3A_247 = vector.shape_cast %add3A_240 : vector<16xf32> to vector<1x1x16xf32>
      tpu.vector_store %arg8[%swap3A_242, %swap3A_243, %swap3A_244], %swap3A_247 {strides = array<i32>} : memref<2x200x128xf32, #tpu.memory_space<vmem>>, vector<1x1x16xf32>,
      %scan3A_248 = arith.constant 1 : i32
      %scan3A_249 = arith.addi %scan3A_165, %scan3A_248 : i32
      %mul3A_250 = arith.constant 1 : i32
      %mul3A_251 = arith.muli %scan3A_249, %mul3A_250 : i32
      %add3A_252 = arith.constant 0 : i32
      %add3A_253 = arith.addi %add3A_252, %mul3A_251 : i32
      %get3A_254 = arith.constant 0 : i32
      %get3A_255 = arith.index_cast %get3A_254 : i32 to index
      %get3A_256 = arith.index_cast %add3A_253 : i32 to index
      %get3A_257 = arith.constant 0 : index
      %get3A_258 = tpu.vector_load %arg8[%get3A_255, %get3A_256, %get3A_257] {strides = array<i32>} : memref<2x200x128xf32, #tpu.memory_space<vmem>>, vector<1x1x16xf32>,
      %get3A_259 = vector.shape_cast %get3A_258 : vector<1x1x16xf32> to vector<16xf32>
      %get3A_260 = arith.constant 0 : i32
      %get3A_261 = arith.index_cast %get3A_260 : i32 to index
      %get3A_262 = arith.index_cast %add3A_253 : i32 to index
      %get3A_263 = arith.constant 64 : index
      %get3A_264 = tpu.vector_load %arg9[%get3A_261, %get3A_262, %get3A_263] {strides = array<i32>} : memref<2x200x128xf32, #tpu.memory_space<vmem>>, vector<1x1x16xf32>,
      %get3A_265 = vector.shape_cast %get3A_264 : vector<1x1x16xf32> to vector<16xf32>
      %add3A_266 = arith.addf %get3A_259, %get3A_265 : vector<16xf32>
      %swap3A_267 = arith.constant 0 : i32
      %swap3A_268 = arith.index_cast %swap3A_267 : i32 to index
      %swap3A_269 = arith.index_cast %add3A_253 : i32 to index
      %swap3A_270 = arith.constant 0 : index
      %swap3A_271 = tpu.vector_load %arg8[%swap3A_268, %swap3A_269, %swap3A_270] {strides = array<i32>} : memref<2x200x128xf32, #tpu.memory_space<vmem>>, vector<1x1x16xf32>,
      %swap3A_272 = vector.shape_cast %swap3A_271 : vector<1x1x16xf32> to vector<16xf32>
      %swap3A_273 = vector.shape_cast %add3A_266 : vector<16xf32> to vector<1x1x16xf32>
      tpu.vector_store %arg8[%swap3A_268, %swap3A_269, %swap3A_270], %swap3A_273 {strides = array<i32>} : memref<2x200x128xf32, #tpu.memory_space<vmem>>, vector<1x1x16xf32>,
      %get3A_274 = arith.constant 0 : i32
      %get3A_275 = arith.index_cast %get3A_274 : i32 to index
      %get3A_276 = arith.index_cast %add3A_253 : i32 to index
      %get3A_277 = arith.constant 16 : index
      %get3A_278 = tpu.vector_load %arg8[%get3A_275, %get3A_276, %get3A_277] {strides = array<i32>} : memref<2x200x128xf32, #tpu.memory_space<vmem>>, vector<1x1x16xf32>,
      %get3A_279 = vector.shape_cast %get3A_278 : vector<1x1x16xf32> to vector<16xf32>
      %get3A_280 = arith.constant 0 : i32
      %get3A_281 = arith.index_cast %get3A_280 : i32 to index
      %get3A_282 = arith.index_cast %add3A_253 : i32 to index
      %get3A_283 = arith.constant 80 : index
      %get3A_284 = tpu.vector_load %arg9[%get3A_281, %get3A_282, %get3A_283] {strides = array<i32>} : memref<2x200x128xf32, #tpu.memory_space<vmem>>, vector<1x1x16xf32>,
      %get3A_285 = vector.shape_cast %get3A_284 : vector<1x1x16xf32> to vector<16xf32>
      %add3A_286 = arith.addf %get3A_279, %get3A_285 : vector<16xf32>
      %swap3A_287 = arith.constant 0 : i32
      %swap3A_288 = arith.index_cast %swap3A_287 : i32 to index
      %swap3A_289 = arith.index_cast %add3A_253 : i32 to index
      %swap3A_290 = arith.constant 16 : index
      %swap3A_291 = tpu.vector_load %arg8[%swap3A_288, %swap3A_289, %swap3A_290] {strides = array<i32>} : memref<2x200x128xf32, #tpu.memory_space<vmem>>, vector<1x1x16xf32>,
      %swap3A_292 = vector.shape_cast %swap3A_291 : vector<1x1x16xf32> to vector<16xf32>
      %swap3A_293 = vector.shape_cast %add3A_286 : vector<16xf32> to vector<1x1x16xf32>
      tpu.vector_store %arg8[%swap3A_288, %swap3A_289, %swap3A_290], %swap3A_293 {strides = array<i32>} : memref<2x200x128xf32, #tpu.memory_space<vmem>>, vector<1x1x16xf32>,
      %get3A_294 = arith.constant 0 : i32
      %get3A_295 = arith.index_cast %get3A_294 : i32 to index
      %get3A_296 = arith.index_cast %add3A_253 : i32 to index
      %get3A_297 = arith.constant 32 : index
      %get3A_298 = tpu.vector_load %arg8[%get3A_295, %get3A_296, %get3A_297] {strides = array<i32>} : memref<2x200x128xf32, #tpu.memory_space<vmem>>, vector<1x1x16xf32>,
      %get3A_299 = vector.shape_cast %get3A_298 : vector<1x1x16xf32> to vector<16xf32>
      %get3A_300 = arith.constant 0 : i32
      %get3A_301 = arith.index_cast %get3A_300 : i32 to index
      %get3A_302 = arith.index_cast %add3A_253 : i32 to index
      %get3A_303 = arith.constant 96 : index
      %get3A_304 = tpu.vector_load %arg9[%get3A_301, %get3A_302, %get3A_303] {strides = array<i32>} : memref<2x200x128xf32, #tpu.memory_space<vmem>>, vector<1x1x16xf32>,
      %get3A_305 = vector.shape_cast %get3A_304 : vector<1x1x16xf32> to vector<16xf32>
      %add3A_306 = arith.addf %get3A_299, %get3A_305 : vector<16xf32>
      %swap3A_307 = arith.constant 0 : i32
      %swap3A_308 = arith.index_cast %swap3A_307 : i32 to index
      %swap3A_309 = arith.index_cast %add3A_253 : i32 to index
      %swap3A_310 = arith.constant 32 : index
      %swap3A_311 = tpu.vector_load %arg8[%swap3A_308, %swap3A_309, %swap3A_310] {strides = array<i32>} : memref<2x200x128xf32, #tpu.memory_space<vmem>>, vector<1x1x16xf32>,
      %swap3A_312 = vector.shape_cast %swap3A_311 : vector<1x1x16xf32> to vector<16xf32>
      %swap3A_313 = vector.shape_cast %add3A_306 : vector<16xf32> to vector<1x1x16xf32>
      tpu.vector_store %arg8[%swap3A_308, %swap3A_309, %swap3A_310], %swap3A_313 {strides = array<i32>} : memref<2x200x128xf32, #tpu.memory_space<vmem>>, vector<1x1x16xf32>,
      %get3A_314 = arith.constant 0 : i32
      %get3A_315 = arith.index_cast %get3A_314 : i32 to index
      %get3A_316 = arith.index_cast %add3A_253 : i32 to index
      %get3A_317 = arith.constant 48 : index
      %get3A_318 = tpu.vector_load %arg8[%get3A_315, %get3A_316, %get3A_317] {strides = array<i32>} : memref<2x200x128xf32, #tpu.memory_space<vmem>>, vector<1x1x16xf32>,
      %get3A_319 = vector.shape_cast %get3A_318 : vector<1x1x16xf32> to vector<16xf32>
      %get3A_320 = arith.constant 0 : i32
      %get3A_321 = arith.index_cast %get3A_320 : i32 to index
      %get3A_322 = arith.index_cast %add3A_253 : i32 to index
      %get3A_323 = arith.constant 112 : index
      %get3A_324 = tpu.vector_load %arg9[%get3A_321, %get3A_322, %get3A_323] {strides = array<i32>} : memref<2x200x128xf32, #tpu.memory_space<vmem>>, vector<1x1x16xf32>,
      %get3A_325 = vector.shape_cast %get3A_324 : vector<1x1x16xf32> to vector<16xf32>
      %add3A_326 = arith.addf %get3A_319, %get3A_325 : vector<16xf32>
      %swap3A_327 = arith.constant 0 : i32
      %swap3A_328 = arith.index_cast %swap3A_327 : i32 to index
      %swap3A_329 = arith.index_cast %add3A_253 : i32 to index
      %swap3A_330 = arith.constant 48 : index
      %swap3A_331 = tpu.vector_load %arg8[%swap3A_328, %swap3A_329, %swap3A_330] {strides = array<i32>} : memref<2x200x128xf32, #tpu.memory_space<vmem>>, vector<1x1x16xf32>,
      %swap3A_332 = vector.shape_cast %swap3A_331 : vector<1x1x16xf32> to vector<16xf32>
      %swap3A_333 = vector.shape_cast %add3A_326 : vector<16xf32> to vector<1x1x16xf32>
      tpu.vector_store %arg8[%swap3A_328, %swap3A_329, %swap3A_330], %swap3A_333 {strides = array<i32>} : memref<2x200x128xf32, #tpu.memory_space<vmem>>, vector<1x1x16xf32>,
    }
    %scan3A_82 = arith.constant 200 : i32
    %add3A_83 = arith.constant 9600 : i32
    %add3A_84 = arith.addi %mul3A_2, %add3A_83 : i32
    %multiple_of3A = tpu.assume_multiple %add3A_84, 8 : i32
    %dma_start3A_85 = arith.constant 0 : i32
    %dma_start3A_86 = arith.constant 0 : i32
    %dma_start3A_87 = arith.constant 0 : i32
    %dma_start3A_88 = tpu.memref_slice %arg8[%dma_start3A_85, %dma_start3A_86, %dma_start3A_87] : memref<2x200x128xf32, #tpu.memory_space<vmem>> -> memref<1x200x128xf32, #tpu.memory_space<vmem>>
    %dma_start3A_89 = tpu.memref_squeeze %dma_start3A_88 : memref<1x200x128xf32, #tpu.memory_space<vmem>> -> memref<200x128xf32, #tpu.memory_space<vmem>>
    %dma_start3A_90 = arith.constant 0 : i32
    %dma_start3A_91 = tpu.memref_slice %arg5[%multiple_of3A, %dma_start3A_90] : memref<320000x128xf32, #tpu.memory_space<hbm>> -> memref<200x128xf32, #tpu.memory_space<hbm>>
    %dma_start3A_92 = arith.constant 0 : i32
    %dma_start3A_93 = tpu.memref_slice %arg5[%multiple_of3A, %dma_start3A_92] : memref<320000x128xf32, #tpu.memory_space<hbm>> -> memref<200x128xf32, #tpu.memory_space<hbm>>
    %dma_start3A_94 = arith.constant 0 : i32
    %dma_start3A_95 = arith.constant 0 : i32
    %dma_start3A_96 = tpu.memref_slice %arg8[%dma_start3A_85, %dma_start3A_94, %dma_start3A_95] : memref<2x200x128xf32, #tpu.memory_space<vmem>> -> memref<1x200x128xf32, #tpu.memory_space<vmem>>
    %dma_start3A_97 = tpu.memref_squeeze %dma_start3A_96 : memref<1x200x128xf32, #tpu.memory_space<vmem>> -> memref<200x128xf32, #tpu.memory_space<vmem>>
    tpu.enqueue_dma source(%dma_start3A_97 : memref<200x128xf32, #tpu.memory_space<vmem>>) target(%dma_start3A_93 : memref<200x128xf32, #tpu.memory_space<hbm>>) target_semaphore(%arg14 : memref<!tpu.dma_semaphore, #tpu.memory_space<semaphore_mem>>)
    %dma_wait3A_98 = arith.constant 0 : i32
    %dma_wait3A_99 = arith.constant 0 : i32
    %dma_wait3A_100 = arith.constant 0 : i32
    %dma_wait3A_101 = tpu.memref_slice %arg8[%dma_wait3A_98, %dma_wait3A_99, %dma_wait3A_100] : memref<2x200x128xf32, #tpu.memory_space<vmem>> -> memref<1x200x128xf32, #tpu.memory_space<vmem>>
    %dma_wait3A_102 = tpu.memref_squeeze %dma_wait3A_101 : memref<1x200x128xf32, #tpu.memory_space<vmem>> -> memref<200x128xf32, #tpu.memory_space<vmem>>
    %dma_wait3A_103 = arith.constant 0 : i32
    %dma_wait3A_104 = tpu.memref_slice %arg5[%mul3A_2, %dma_wait3A_103] : memref<320000x128xf32, #tpu.memory_space<hbm>> -> memref<200x128xf32, #tpu.memory_space<hbm>>
    %dma_wait3A_105 = arith.constant 0 : i32
    %dma_wait3A_106 = tpu.memref_slice %arg5[%mul3A_2, %dma_wait3A_105] : memref<320000x128xf32, #tpu.memory_space<hbm>> -> memref<200x128xf32, #tpu.memory_space<hbm>>
    %dma_wait3A_107 = arith.constant 0 : i32
    %dma_wait3A_108 = arith.constant 0 : i32
    %dma_wait3A_109 = tpu.memref_slice %arg8[%dma_wait3A_98, %dma_wait3A_107, %dma_wait3A_108] : memref<2x200x128xf32, #tpu.memory_space<vmem>> -> memref<1x200x128xf32, #tpu.memory_space<vmem>>
    %dma_wait3A_110 = tpu.memref_squeeze %dma_wait3A_109 : memref<1x200x128xf32, #tpu.memory_space<vmem>> -> memref<200x128xf32, #tpu.memory_space<vmem>>
    tpu.wait_dma2 semaphore(%arg14 : memref<!tpu.dma_semaphore, #tpu.memory_space<semaphore_mem>>) src(%dma_wait3A_110 : memref<200x128xf32, #tpu.memory_space<vmem>>) dst(%dma_wait3A_106 : memref<200x128xf32, #tpu.memory_space<hbm>>)
    %dma_wait3A_111 = arith.constant 1 : i32
    %dma_wait3A_112 = arith.constant 0 : i32
    %dma_wait3A_113 = arith.constant 0 : i32
    %dma_wait3A_114 = tpu.memref_slice %arg8[%dma_wait3A_111, %dma_wait3A_112, %dma_wait3A_113] : memref<2x200x128xf32, #tpu.memory_space<vmem>> -> memref<1x200x128xf32, #tpu.memory_space<vmem>>
    %dma_wait3A_115 = tpu.memref_squeeze %dma_wait3A_114 : memref<1x200x128xf32, #tpu.memory_space<vmem>> -> memref<200x128xf32, #tpu.memory_space<vmem>>
    %dma_wait3A_116 = arith.constant 0 : i32
    %dma_wait3A_117 = tpu.memref_slice %arg6[%dma_wait3A_116] : memref<10000xi32, #tpu.memory_space<vmem>> -> memref<200xi32, #tpu.memory_space<vmem>>
    %dma_wait3A_118 = arith.constant 0 : i32
    %dma_wait3A_119 = arith.constant 0 : i32
    %dma_wait3A_120 = tpu.memref_slice %arg2[%dma_wait3A_118, %dma_wait3A_119] : memref<10000x128xf32, #tpu.memory_space<hbm>> -> memref<10000x128xf32, #tpu.memory_space<hbm>>
    tpu.wait_indirect_dma semaphore(%arg11 : memref<!tpu.dma_semaphore, #tpu.memory_space<semaphore_mem>>) src(%dma_wait3A_120 : memref<10000x128xf32, #tpu.memory_space<hbm>>) dst(%dma_wait3A_115 : memref<200x128xf32, #tpu.memory_space<vmem>>)
    %dma_wait3A_121 = arith.constant 1 : i32
    %dma_wait3A_122 = arith.constant 0 : i32
    %dma_wait3A_123 = arith.constant 0 : i32
    %dma_wait3A_124 = tpu.memref_slice %arg9[%dma_wait3A_121, %dma_wait3A_122, %dma_wait3A_123] : memref<2x200x128xf32, #tpu.memory_space<vmem>> -> memref<1x200x128xf32, #tpu.memory_space<vmem>>
    %dma_wait3A_125 = tpu.memref_squeeze %dma_wait3A_124 : memref<1x200x128xf32, #tpu.memory_space<vmem>> -> memref<200x128xf32, #tpu.memory_space<vmem>>
    %dma_wait3A_126 = arith.constant 0 : i32
    %dma_wait3A_127 = tpu.memref_slice %arg7[%dma_wait3A_126] : memref<10000xi32, #tpu.memory_space<vmem>> -> memref<200xi32, #tpu.memory_space<vmem>>
    %dma_wait3A_128 = arith.constant 0 : i32
    %dma_wait3A_129 = arith.constant 0 : i32
    %dma_wait3A_130 = tpu.memref_slice %arg2[%dma_wait3A_128, %dma_wait3A_129] : memref<10000x128xf32, #tpu.memory_space<hbm>> -> memref<10000x128xf32, #tpu.memory_space<hbm>>
    tpu.wait_indirect_dma semaphore(%arg13 : memref<!tpu.dma_semaphore, #tpu.memory_space<semaphore_mem>>) src(%dma_wait3A_130 : memref<10000x128xf32, #tpu.memory_space<hbm>>) dst(%dma_wait3A_125 : memref<200x128xf32, #tpu.memory_space<vmem>>)
    %scan3A_131 = arith.constant 0 : i32
    %scan3A_132 = arith.constant 200 : i32
    %scan3A_133 = arith.addi %scan3A_131, %scan3A_132 : i32
    %scan3A_134 = arith.constant 2 : i32
    scf.for %scan3A_165 = %scan3A_131 to %scan3A_133 step %scan3A_134  : i32 {
      %mul3A_166 = arith.constant 1 : i32
      %mul3A_167 = arith.muli %scan3A_165, %mul3A_166 : i32
      %add3A_168 = arith.constant 0 : i32
      %add3A_169 = arith.addi %add3A_168, %mul3A_167 : i32
      %get3A = arith.constant 1 : i32
      %get3A_170 = arith.index_cast %get3A : i32 to index
      %get3A_171 = arith.index_cast %add3A_169 : i32 to index
      %get3A_172 = arith.constant 0 : index
      %get3A_173 = tpu.vector_load %arg8[%get3A_170, %get3A_171, %get3A_172] {strides = array<i32>} : memref<2x200x128xf32, #tpu.memory_space<vmem>>, vector<1x1x16xf32>,
      %get3A_174 = vector.shape_cast %get3A_173 : vector<1x1x16xf32> to vector<16xf32>
      %get3A_175 = arith.constant 1 : i32
      %get3A_176 = arith.index_cast %get3A_175 : i32 to index
      %get3A_177 = arith.index_cast %add3A_169 : i32 to index
      %get3A_178 = arith.constant 64 : index
      %get3A_179 = tpu.vector_load %arg9[%get3A_176, %get3A_177, %get3A_178] {strides = array<i32>} : memref<2x200x128xf32, #tpu.memory_space<vmem>>, vector<1x1x16xf32>,
      %get3A_180 = vector.shape_cast %get3A_179 : vector<1x1x16xf32> to vector<16xf32>
      %add3A_181 = arith.addf %get3A_174, %get3A_180 : vector<16xf32>
      %swap3A = arith.constant 1 : i32
      %swap3A_182 = arith.index_cast %swap3A : i32 to index
      %swap3A_183 = arith.index_cast %add3A_169 : i32 to index
      %swap3A_184 = arith.constant 0 : index
      %swap3A_185 = tpu.vector_load %arg8[%swap3A_182, %swap3A_183, %swap3A_184] {strides = array<i32>} : memref<2x200x128xf32, #tpu.memory_space<vmem>>, vector<1x1x16xf32>,
      %swap3A_186 = vector.shape_cast %swap3A_185 : vector<1x1x16xf32> to vector<16xf32>
      %swap3A_187 = vector.shape_cast %add3A_181 : vector<16xf32> to vector<1x1x16xf32>
      tpu.vector_store %arg8[%swap3A_182, %swap3A_183, %swap3A_184], %swap3A_187 {strides = array<i32>} : memref<2x200x128xf32, #tpu.memory_space<vmem>>, vector<1x1x16xf32>,
      %get3A_188 = arith.constant 1 : i32
      %get3A_189 = arith.index_cast %get3A_188 : i32 to index
      %get3A_190 = arith.index_cast %add3A_169 : i32 to index
      %get3A_191 = arith.constant 16 : index
      %get3A_192 = tpu.vector_load %arg8[%get3A_189, %get3A_190, %get3A_191] {strides = array<i32>} : memref<2x200x128xf32, #tpu.memory_space<vmem>>, vector<1x1x16xf32>,
      %get3A_193 = vector.shape_cast %get3A_192 : vector<1x1x16xf32> to vector<16xf32>
      %get3A_194 = arith.constant 1 : i32
      %get3A_195 = arith.index_cast %get3A_194 : i32 to index
      %get3A_196 = arith.index_cast %add3A_169 : i32 to index
      %get3A_197 = arith.constant 80 : index
      %get3A_198 = tpu.vector_load %arg9[%get3A_195, %get3A_196, %get3A_197] {strides = array<i32>} : memref<2x200x128xf32, #tpu.memory_space<vmem>>, vector<1x1x16xf32>,
      %get3A_199 = vector.shape_cast %get3A_198 : vector<1x1x16xf32> to vector<16xf32>
      %add3A_200 = arith.addf %get3A_193, %get3A_199 : vector<16xf32>
      %swap3A_201 = arith.constant 1 : i32
      %swap3A_202 = arith.index_cast %swap3A_201 : i32 to index
      %swap3A_203 = arith.index_cast %add3A_169 : i32 to index
      %swap3A_204 = arith.constant 16 : index
      %swap3A_205 = tpu.vector_load %arg8[%swap3A_202, %swap3A_203, %swap3A_204] {strides = array<i32>} : memref<2x200x128xf32, #tpu.memory_space<vmem>>, vector<1x1x16xf32>,
      %swap3A_206 = vector.shape_cast %swap3A_205 : vector<1x1x16xf32> to vector<16xf32>
      %swap3A_207 = vector.shape_cast %add3A_200 : vector<16xf32> to vector<1x1x16xf32>
      tpu.vector_store %arg8[%swap3A_202, %swap3A_203, %swap3A_204], %swap3A_207 {strides = array<i32>} : memref<2x200x128xf32, #tpu.memory_space<vmem>>, vector<1x1x16xf32>,
      %get3A_208 = arith.constant 1 : i32
      %get3A_209 = arith.index_cast %get3A_208 : i32 to index
      %get3A_210 = arith.index_cast %add3A_169 : i32 to index
      %get3A_211 = arith.constant 32 : index
      %get3A_212 = tpu.vector_load %arg8[%get3A_209, %get3A_210, %get3A_211] {strides = array<i32>} : memref<2x200x128xf32, #tpu.memory_space<vmem>>, vector<1x1x16xf32>,
      %get3A_213 = vector.shape_cast %get3A_212 : vector<1x1x16xf32> to vector<16xf32>
      %get3A_214 = arith.constant 1 : i32
      %get3A_215 = arith.index_cast %get3A_214 : i32 to index
      %get3A_216 = arith.index_cast %add3A_169 : i32 to index
      %get3A_217 = arith.constant 96 : index
      %get3A_218 = tpu.vector_load %arg9[%get3A_215, %get3A_216, %get3A_217] {strides = array<i32>} : memref<2x200x128xf32, #tpu.memory_space<vmem>>, vector<1x1x16xf32>,
      %get3A_219 = vector.shape_cast %get3A_218 : vector<1x1x16xf32> to vector<16xf32>
      %add3A_220 = arith.addf %get3A_213, %get3A_219 : vector<16xf32>
      %swap3A_221 = arith.constant 1 : i32
      %swap3A_222 = arith.index_cast %swap3A_221 : i32 to index
      %swap3A_223 = arith.index_cast %add3A_169 : i32 to index
      %swap3A_224 = arith.constant 32 : index
      %swap3A_225 = tpu.vector_load %arg8[%swap3A_222, %swap3A_223, %swap3A_224] {strides = array<i32>} : memref<2x200x128xf32, #tpu.memory_space<vmem>>, vector<1x1x16xf32>,
      %swap3A_226 = vector.shape_cast %swap3A_225 : vector<1x1x16xf32> to vector<16xf32>
      %swap3A_227 = vector.shape_cast %add3A_220 : vector<16xf32> to vector<1x1x16xf32>
      tpu.vector_store %arg8[%swap3A_222, %swap3A_223, %swap3A_224], %swap3A_227 {strides = array<i32>} : memref<2x200x128xf32, #tpu.memory_space<vmem>>, vector<1x1x16xf32>,
      %get3A_228 = arith.constant 1 : i32
      %get3A_229 = arith.index_cast %get3A_228 : i32 to index
      %get3A_230 = arith.index_cast %add3A_169 : i32 to index
      %get3A_231 = arith.constant 48 : index
      %get3A_232 = tpu.vector_load %arg8[%get3A_229, %get3A_230, %get3A_231] {strides = array<i32>} : memref<2x200x128xf32, #tpu.memory_space<vmem>>, vector<1x1x16xf32>,
      %get3A_233 = vector.shape_cast %get3A_232 : vector<1x1x16xf32> to vector<16xf32>
      %get3A_234 = arith.constant 1 : i32
      %get3A_235 = arith.index_cast %get3A_234 : i32 to index
      %get3A_236 = arith.index_cast %add3A_169 : i32 to index
      %get3A_237 = arith.constant 112 : index
      %get3A_238 = tpu.vector_load %arg9[%get3A_235, %get3A_236, %get3A_237] {strides = array<i32>} : memref<2x200x128xf32, #tpu.memory_space<vmem>>, vector<1x1x16xf32>,
      %get3A_239 = vector.shape_cast %get3A_238 : vector<1x1x16xf32> to vector<16xf32>
      %add3A_240 = arith.addf %get3A_233, %get3A_239 : vector<16xf32>
      %swap3A_241 = arith.constant 1 : i32
      %swap3A_242 = arith.index_cast %swap3A_241 : i32 to index
      %swap3A_243 = arith.index_cast %add3A_169 : i32 to index
      %swap3A_244 = arith.constant 48 : index
      %swap3A_245 = tpu.vector_load %arg8[%swap3A_242, %swap3A_243, %swap3A_244] {strides = array<i32>} : memref<2x200x128xf32, #tpu.memory_space<vmem>>, vector<1x1x16xf32>,
      %swap3A_246 = vector.shape_cast %swap3A_245 : vector<1x1x16xf32> to vector<16xf32>
      %swap3A_247 = vector.shape_cast %add3A_240 : vector<16xf32> to vector<1x1x16xf32>
      tpu.vector_store %arg8[%swap3A_242, %swap3A_243, %swap3A_244], %swap3A_247 {strides = array<i32>} : memref<2x200x128xf32, #tpu.memory_space<vmem>>, vector<1x1x16xf32>,
      %scan3A_248 = arith.constant 1 : i32
      %scan3A_249 = arith.addi %scan3A_165, %scan3A_248 : i32
      %mul3A_250 = arith.constant 1 : i32
      %mul3A_251 = arith.muli %scan3A_249, %mul3A_250 : i32
      %add3A_252 = arith.constant 0 : i32
      %add3A_253 = arith.addi %add3A_252, %mul3A_251 : i32
      %get3A_254 = arith.constant 1 : i32
      %get3A_255 = arith.index_cast %get3A_254 : i32 to index
      %get3A_256 = arith.index_cast %add3A_253 : i32 to index
      %get3A_257 = arith.constant 0 : index
      %get3A_258 = tpu.vector_load %arg8[%get3A_255, %get3A_256, %get3A_257] {strides = array<i32>} : memref<2x200x128xf32, #tpu.memory_space<vmem>>, vector<1x1x16xf32>,
      %get3A_259 = vector.shape_cast %get3A_258 : vector<1x1x16xf32> to vector<16xf32>
      %get3A_260 = arith.constant 1 : i32
      %get3A_261 = arith.index_cast %get3A_260 : i32 to index
      %get3A_262 = arith.index_cast %add3A_253 : i32 to index
      %get3A_263 = arith.constant 64 : index
      %get3A_264 = tpu.vector_load %arg9[%get3A_261, %get3A_262, %get3A_263] {strides = array<i32>} : memref<2x200x128xf32, #tpu.memory_space<vmem>>, vector<1x1x16xf32>,
      %get3A_265 = vector.shape_cast %get3A_264 : vector<1x1x16xf32> to vector<16xf32>
      %add3A_266 = arith.addf %get3A_259, %get3A_265 : vector<16xf32>
      %swap3A_267 = arith.constant 1 : i32
      %swap3A_268 = arith.index_cast %swap3A_267 : i32 to index
      %swap3A_269 = arith.index_cast %add3A_253 : i32 to index
      %swap3A_270 = arith.constant 0 : index
      %swap3A_271 = tpu.vector_load %arg8[%swap3A_268, %swap3A_269, %swap3A_270] {strides = array<i32>} : memref<2x200x128xf32, #tpu.memory_space<vmem>>, vector<1x1x16xf32>,
      %swap3A_272 = vector.shape_cast %swap3A_271 : vector<1x1x16xf32> to vector<16xf32>
      %swap3A_273 = vector.shape_cast %add3A_266 : vector<16xf32> to vector<1x1x16xf32>
      tpu.vector_store %arg8[%swap3A_268, %swap3A_269, %swap3A_270], %swap3A_273 {strides = array<i32>} : memref<2x200x128xf32, #tpu.memory_space<vmem>>, vector<1x1x16xf32>,
      %get3A_274 = arith.constant 1 : i32
      %get3A_275 = arith.index_cast %get3A_274 : i32 to index
      %get3A_276 = arith.index_cast %add3A_253 : i32 to index
      %get3A_277 = arith.constant 16 : index
      %get3A_278 = tpu.vector_load %arg8[%get3A_275, %get3A_276, %get3A_277] {strides = array<i32>} : memref<2x200x128xf32, #tpu.memory_space<vmem>>, vector<1x1x16xf32>,
      %get3A_279 = vector.shape_cast %get3A_278 : vector<1x1x16xf32> to vector<16xf32>
      %get3A_280 = arith.constant 1 : i32
      %get3A_281 = arith.index_cast %get3A_280 : i32 to index
      %get3A_282 = arith.index_cast %add3A_253 : i32 to index
      %get3A_283 = arith.constant 80 : index
      %get3A_284 = tpu.vector_load %arg9[%get3A_281, %get3A_282, %get3A_283] {strides = array<i32>} : memref<2x200x128xf32, #tpu.memory_space<vmem>>, vector<1x1x16xf32>,
      %get3A_285 = vector.shape_cast %get3A_284 : vector<1x1x16xf32> to vector<16xf32>
      %add3A_286 = arith.addf %get3A_279, %get3A_285 : vector<16xf32>
      %swap3A_287 = arith.constant 1 : i32
      %swap3A_288 = arith.index_cast %swap3A_287 : i32 to index
      %swap3A_289 = arith.index_cast %add3A_253 : i32 to index
      %swap3A_290 = arith.constant 16 : index
      %swap3A_291 = tpu.vector_load %arg8[%swap3A_288, %swap3A_289, %swap3A_290] {strides = array<i32>} : memref<2x200x128xf32, #tpu.memory_space<vmem>>, vector<1x1x16xf32>,
      %swap3A_292 = vector.shape_cast %swap3A_291 : vector<1x1x16xf32> to vector<16xf32>
      %swap3A_293 = vector.shape_cast %add3A_286 : vector<16xf32> to vector<1x1x16xf32>
      tpu.vector_store %arg8[%swap3A_288, %swap3A_289, %swap3A_290], %swap3A_293 {strides = array<i32>} : memref<2x200x128xf32, #tpu.memory_space<vmem>>, vector<1x1x16xf32>,
      %get3A_294 = arith.constant 1 : i32
      %get3A_295 = arith.index_cast %get3A_294 : i32 to index
      %get3A_296 = arith.index_cast %add3A_253 : i32 to index
      %get3A_297 = arith.constant 32 : index
      %get3A_298 = tpu.vector_load %arg8[%get3A_295, %get3A_296, %get3A_297] {strides = array<i32>} : memref<2x200x128xf32, #tpu.memory_space<vmem>>, vector<1x1x16xf32>,
      %get3A_299 = vector.shape_cast %get3A_298 : vector<1x1x16xf32> to vector<16xf32>
      %get3A_300 = arith.constant 1 : i32
      %get3A_301 = arith.index_cast %get3A_300 : i32 to index
      %get3A_302 = arith.index_cast %add3A_253 : i32 to index
      %get3A_303 = arith.constant 96 : index
      %get3A_304 = tpu.vector_load %arg9[%get3A_301, %get3A_302, %get3A_303] {strides = array<i32>} : memref<2x200x128xf32, #tpu.memory_space<vmem>>, vector<1x1x16xf32>,
      %get3A_305 = vector.shape_cast %get3A_304 : vector<1x1x16xf32> to vector<16xf32>
      %add3A_306 = arith.addf %get3A_299, %get3A_305 : vector<16xf32>
      %swap3A_307 = arith.constant 1 : i32
      %swap3A_308 = arith.index_cast %swap3A_307 : i32 to index
      %swap3A_309 = arith.index_cast %add3A_253 : i32 to index
      %swap3A_310 = arith.constant 32 : index
      %swap3A_311 = tpu.vector_load %arg8[%swap3A_308, %swap3A_309, %swap3A_310] {strides = array<i32>} : memref<2x200x128xf32, #tpu.memory_space<vmem>>, vector<1x1x16xf32>,
      %swap3A_312 = vector.shape_cast %swap3A_311 : vector<1x1x16xf32> to vector<16xf32>
      %swap3A_313 = vector.shape_cast %add3A_306 : vector<16xf32> to vector<1x1x16xf32>
      tpu.vector_store %arg8[%swap3A_308, %swap3A_309, %swap3A_310], %swap3A_313 {strides = array<i32>} : memref<2x200x128xf32, #tpu.memory_space<vmem>>, vector<1x1x16xf32>,
      %get3A_314 = arith.constant 1 : i32
      %get3A_315 = arith.index_cast %get3A_314 : i32 to index
      %get3A_316 = arith.index_cast %add3A_253 : i32 to index
      %get3A_317 = arith.constant 48 : index
      %get3A_318 = tpu.vector_load %arg8[%get3A_315, %get3A_316, %get3A_317] {strides = array<i32>} : memref<2x200x128xf32, #tpu.memory_space<vmem>>, vector<1x1x16xf32>,
      %get3A_319 = vector.shape_cast %get3A_318 : vector<1x1x16xf32> to vector<16xf32>
      %get3A_320 = arith.constant 1 : i32
      %get3A_321 = arith.index_cast %get3A_320 : i32 to index
      %get3A_322 = arith.index_cast %add3A_253 : i32 to index
      %get3A_323 = arith.constant 112 : index
      %get3A_324 = tpu.vector_load %arg9[%get3A_321, %get3A_322, %get3A_323] {strides = array<i32>} : memref<2x200x128xf32, #tpu.memory_space<vmem>>, vector<1x1x16xf32>,
      %get3A_325 = vector.shape_cast %get3A_324 : vector<1x1x16xf32> to vector<16xf32>
      %add3A_326 = arith.addf %get3A_319, %get3A_325 : vector<16xf32>
      %swap3A_327 = arith.constant 1 : i32
      %swap3A_328 = arith.index_cast %swap3A_327 : i32 to index
      %swap3A_329 = arith.index_cast %add3A_253 : i32 to index
      %swap3A_330 = arith.constant 48 : index
      %swap3A_331 = tpu.vector_load %arg8[%swap3A_328, %swap3A_329, %swap3A_330] {strides = array<i32>} : memref<2x200x128xf32, #tpu.memory_space<vmem>>, vector<1x1x16xf32>,
      %swap3A_332 = vector.shape_cast %swap3A_331 : vector<1x1x16xf32> to vector<16xf32>
      %swap3A_333 = vector.shape_cast %add3A_326 : vector<16xf32> to vector<1x1x16xf32>
      tpu.vector_store %arg8[%swap3A_328, %swap3A_329, %swap3A_330], %swap3A_333 {strides = array<i32>} : memref<2x200x128xf32, #tpu.memory_space<vmem>>, vector<1x1x16xf32>,
    }
    %scan3A_135 = arith.constant 200 : i32
    %add3A_136 = arith.constant 9800 : i32
    %add3A_137 = arith.addi %mul3A_2, %add3A_136 : i32
    %multiple_of3A_138 = tpu.assume_multiple %add3A_137, 8 : i32
    %dma_start3A_139 = arith.constant 1 : i32
    %dma_start3A_140 = arith.constant 0 : i32
    %dma_start3A_141 = arith.constant 0 : i32
    %dma_start3A_142 = tpu.memref_slice %arg8[%dma_start3A_139, %dma_start3A_140, %dma_start3A_141] : memref<2x200x128xf32, #tpu.memory_space<vmem>> -> memref<1x200x128xf32, #tpu.memory_space<vmem>>
    %dma_start3A_143 = tpu.memref_squeeze %dma_start3A_142 : memref<1x200x128xf32, #tpu.memory_space<vmem>> -> memref<200x128xf32, #tpu.memory_space<vmem>>
    %dma_start3A_144 = arith.constant 0 : i32
    %dma_start3A_145 = tpu.memref_slice %arg5[%multiple_of3A_138, %dma_start3A_144] : memref<320000x128xf32, #tpu.memory_space<hbm>> -> memref<200x128xf32, #tpu.memory_space<hbm>>
    %dma_start3A_146 = arith.constant 0 : i32
    %dma_start3A_147 = tpu.memref_slice %arg5[%multiple_of3A_138, %dma_start3A_146] : memref<320000x128xf32, #tpu.memory_space<hbm>> -> memref<200x128xf32, #tpu.memory_space<hbm>>
    %dma_start3A_148 = arith.constant 0 : i32
    %dma_start3A_149 = arith.constant 0 : i32
    %dma_start3A_150 = tpu.memref_slice %arg8[%dma_start3A_139, %dma_start3A_148, %dma_start3A_149] : memref<2x200x128xf32, #tpu.memory_space<vmem>> -> memref<1x200x128xf32, #tpu.memory_space<vmem>>
    %dma_start3A_151 = tpu.memref_squeeze %dma_start3A_150 : memref<1x200x128xf32, #tpu.memory_space<vmem>> -> memref<200x128xf32, #tpu.memory_space<vmem>>
    tpu.enqueue_dma source(%dma_start3A_151 : memref<200x128xf32, #tpu.memory_space<vmem>>) target(%dma_start3A_147 : memref<200x128xf32, #tpu.memory_space<hbm>>) target_semaphore(%arg15 : memref<!tpu.dma_semaphore, #tpu.memory_space<semaphore_mem>>)
    %dma_wait3A_152 = arith.constant 1 : i32
    %dma_wait3A_153 = arith.constant 0 : i32
    %dma_wait3A_154 = arith.constant 0 : i32
    %dma_wait3A_155 = tpu.memref_slice %arg8[%dma_wait3A_152, %dma_wait3A_153, %dma_wait3A_154] : memref<2x200x128xf32, #tpu.memory_space<vmem>> -> memref<1x200x128xf32, #tpu.memory_space<vmem>>
    %dma_wait3A_156 = tpu.memref_squeeze %dma_wait3A_155 : memref<1x200x128xf32, #tpu.memory_space<vmem>> -> memref<200x128xf32, #tpu.memory_space<vmem>>
    %dma_wait3A_157 = arith.constant 0 : i32
    %dma_wait3A_158 = tpu.memref_slice %arg5[%mul3A_2, %dma_wait3A_157] : memref<320000x128xf32, #tpu.memory_space<hbm>> -> memref<200x128xf32, #tpu.memory_space<hbm>>
    %dma_wait3A_159 = arith.constant 0 : i32
    %dma_wait3A_160 = tpu.memref_slice %arg5[%mul3A_2, %dma_wait3A_159] : memref<320000x128xf32, #tpu.memory_space<hbm>> -> memref<200x128xf32, #tpu.memory_space<hbm>>
    %dma_wait3A_161 = arith.constant 0 : i32
    %dma_wait3A_162 = arith.constant 0 : i32
    %dma_wait3A_163 = tpu.memref_slice %arg8[%dma_wait3A_152, %dma_wait3A_161, %dma_wait3A_162] : memref<2x200x128xf32, #tpu.memory_space<vmem>> -> memref<1x200x128xf32, #tpu.memory_space<vmem>>
    %dma_wait3A_164 = tpu.memref_squeeze %dma_wait3A_163 : memref<1x200x128xf32, #tpu.memory_space<vmem>> -> memref<200x128xf32, #tpu.memory_space<vmem>>
    tpu.wait_dma2 semaphore(%arg15 : memref<!tpu.dma_semaphore, #tpu.memory_space<semaphore_mem>>) src(%dma_wait3A_164 : memref<200x128xf32, #tpu.memory_space<vmem>>) dst(%dma_wait3A_160 : memref<200x128xf32, #tpu.memory_space<hbm>>)
    return
  }
}

module attributes {stable_mosaic.version = 14 : i64} {
  func.func @_node_pre_k(%arg0: i32, %arg1: memref<1000x128xf32, #tpu.memory_space<vmem>>, %arg2: memref<128x128xf32, #tpu.memory_space<vmem>>, %arg3: memref<128x128xf32, #tpu.memory_space<vmem>>, %arg4: memref<1x128xf32, #tpu.memory_space<vmem>>, %arg5: memref<1000x128xf32, #tpu.memory_space<vmem>>, %arg6: memref<1000x128xf32, #tpu.memory_space<vmem>>) attributes {dimension_semantics = [#tpu.dimension_semantics<arbitrary>], iteration_bounds = array<i64: 10>, scalar_prefetch = 0 : i64, scratch_operands = 0 : i64, tpu.core_type = #tpu.core_type<tc>, window_params = [{transform_indices = @transform_0, window_bounds = array<i64: 1000, 128>}, {pipeline_mode = #tpu.pipeline_mode<synchronous>, transform_indices = @transform_1, window_bounds = array<i64: 128, 128>}, {pipeline_mode = #tpu.pipeline_mode<synchronous>, transform_indices = @transform_2, window_bounds = array<i64: 128, 128>}, {pipeline_mode = #tpu.pipeline_mode<synchronous>, transform_indices = @transform_3, window_bounds = array<i64: 1, 128>}, {transform_indices = @transform_4, window_bounds = array<i64: 1000, 128>}, {transform_indices = @transform_5, window_bounds = array<i64: 1000, 128>}]} {
    %get3A = arith.constant 0 : index
    %get3A_0 = arith.constant 0 : index
    %get3A_1 = vector.load %arg1[%get3A, %get3A_0] : memref<1000x128xf32, #tpu.memory_space<vmem>>, vector<1000x128xf32>
    %get3A_2 = arith.constant 0 : index
    %get3A_3 = arith.constant 0 : index
    %get3A_4 = vector.load %arg2[%get3A_2, %get3A_3] : memref<128x128xf32, #tpu.memory_space<vmem>>, vector<128x128xf32>
    %dot_general3A = arith.constant dense<0.000000e+00> : vector<1000x128xf32>
    %dot_general3A_5 = tpu.matmul %get3A_1, %get3A_4, %dot_general3A {dimension_numbers = #tpu.dot_dimension_numbers<[1], [0], [0], [1], [0, 0, 1, 1], [], []>, transpose_lhs_hint = false} : vector<1000x128xf32>, vector<128x128xf32>, vector<1000x128xf32> -> vector<1000x128xf32>
    %swap3A = arith.constant 0 : index
    %swap3A_6 = arith.constant 0 : index
    %swap3A_7 = vector.load %arg5[%swap3A, %swap3A_6] : memref<1000x128xf32, #tpu.memory_space<vmem>>, vector<1000x128xf32>
    tpu.vector_store %arg5[%swap3A, %swap3A_6], %dot_general3A_5 {strides = array<i32>} : memref<1000x128xf32, #tpu.memory_space<vmem>>, vector<1000x128xf32>,
    %get3A_8 = arith.constant 0 : index
    %get3A_9 = arith.constant 0 : index
    %get3A_10 = vector.load %arg3[%get3A_8, %get3A_9] : memref<128x128xf32, #tpu.memory_space<vmem>>, vector<128x128xf32>
    %dot_general3A_11 = arith.constant dense<0.000000e+00> : vector<1000x128xf32>
    %dot_general3A_12 = tpu.matmul %get3A_1, %get3A_10, %dot_general3A_11 {dimension_numbers = #tpu.dot_dimension_numbers<[1], [0], [0], [1], [0, 0, 1, 1], [], []>, transpose_lhs_hint = false} : vector<1000x128xf32>, vector<128x128xf32>, vector<1000x128xf32> -> vector<1000x128xf32>
    %get3A_13 = arith.constant 0 : index
    %get3A_14 = arith.constant 0 : index
    %get3A_15 = vector.load %arg4[%get3A_13, %get3A_14] : memref<1x128xf32, #tpu.memory_space<vmem>>, vector<1x128xf32>
    %add3A = vector.broadcast %get3A_15 : vector<1x128xf32> to vector<1000x128xf32>
    %add3A_16 = arith.addf %dot_general3A_12, %add3A : vector<1000x128xf32>
    %swap3A_17 = arith.constant 0 : index
    %swap3A_18 = arith.constant 0 : index
    %swap3A_19 = vector.load %arg6[%swap3A_17, %swap3A_18] : memref<1000x128xf32, #tpu.memory_space<vmem>>, vector<1000x128xf32>
    tpu.vector_store %arg6[%swap3A_17, %swap3A_18], %add3A_16 {strides = array<i32>} : memref<1000x128xf32, #tpu.memory_space<vmem>>, vector<1000x128xf32>,
    return
  }
  func.func @transform_0(%arg0: i32) -> (i32, i32) {
    %c0_i32 = arith.constant 0 : i32
    %c0_i32_0 = arith.constant 0 : i32
    return %arg0, %c0_i32 : i32, i32
  }
  func.func @transform_1(%arg0: i32) -> (i32, i32) {
    %c0_i32 = arith.constant 0 : i32
    %c0_i32_0 = arith.constant 0 : i32
    %c0_i32_1 = arith.constant 0 : i32
    return %c0_i32, %c0_i32_0 : i32, i32
  }
  func.func @transform_2(%arg0: i32) -> (i32, i32) {
    %c0_i32 = arith.constant 0 : i32
    %c0_i32_0 = arith.constant 0 : i32
    %c0_i32_1 = arith.constant 0 : i32
    return %c0_i32, %c0_i32_0 : i32, i32
  }
  func.func @transform_3(%arg0: i32) -> (i32, i32) {
    %c0_i32 = arith.constant 0 : i32
    %c0_i32_0 = arith.constant 0 : i32
    %c0_i32_1 = arith.constant 0 : i32
    return %c0_i32, %c0_i32_0 : i32, i32
  }
  func.func @transform_4(%arg0: i32) -> (i32, i32) {
    %c0_i32 = arith.constant 0 : i32
    %c0_i32_0 = arith.constant 0 : i32
    return %arg0, %c0_i32 : i32, i32
  }
  func.func @transform_5(%arg0: i32) -> (i32, i32) {
    %c0_i32 = arith.constant 0 : i32
    %c0_i32_0 = arith.constant 0 : i32
    return %arg0, %c0_i32 : i32, i32
  }
}

module attributes {stable_mosaic.version = 14 : i64} {
  func.func @_edge_k(%arg0: i32, %arg1: memref<4000x128xf32, #tpu.memory_space<vmem>>, %arg2: memref<4000x64xf32, #tpu.memory_space<vmem>>, %arg3: memref<4000x16xf32, #tpu.memory_space<vmem>>, %arg4: memref<1x64xf32, #tpu.memory_space<vmem>>, %arg5: memref<1x1xf32, #tpu.memory_space<vmem>>, %arg6: memref<64x64xf32, #tpu.memory_space<vmem>>, %arg7: memref<16x64xf32, #tpu.memory_space<vmem>>, %arg8: memref<1x64xf32, #tpu.memory_space<vmem>>, %arg9: memref<4000x64xf32, #tpu.memory_space<vmem>>, %arg10: memref<4000x128xf32, #tpu.memory_space<vmem>>) attributes {dimension_semantics = [#tpu.dimension_semantics<arbitrary>], iteration_bounds = array<i64: 80>, scalar_prefetch = 0 : i64, scratch_operands = 0 : i64, tpu.core_type = #tpu.core_type<tc>, window_params = [{transform_indices = @transform_0, window_bounds = array<i64: 4000, 128>}, {transform_indices = @transform_1, window_bounds = array<i64: 4000, 64>}, {transform_indices = @transform_2, window_bounds = array<i64: 4000, 16>}, {pipeline_mode = #tpu.pipeline_mode<synchronous>, transform_indices = @transform_3, window_bounds = array<i64: 1, 64>}, {pipeline_mode = #tpu.pipeline_mode<synchronous>, transform_indices = @transform_4, window_bounds = array<i64: 1, 1>}, {pipeline_mode = #tpu.pipeline_mode<synchronous>, transform_indices = @transform_5, window_bounds = array<i64: 64, 64>}, {pipeline_mode = #tpu.pipeline_mode<synchronous>, transform_indices = @transform_6, window_bounds = array<i64: 16, 64>}, {pipeline_mode = #tpu.pipeline_mode<synchronous>, transform_indices = @transform_7, window_bounds = array<i64: 1, 64>}, {transform_indices = @transform_8, window_bounds = array<i64: 4000, 64>}, {transform_indices = @transform_9, window_bounds = array<i64: 4000, 128>}]} {
    %get3A = arith.constant 0 : index
    %get3A_0 = arith.constant 0 : index
    %get3A_1 = vector.load %arg2[%get3A, %get3A_0] : memref<4000x64xf32, #tpu.memory_space<vmem>>, vector<4000x64xf32>
    %get3A_2 = arith.constant 0 : index
    %get3A_3 = arith.constant 0 : index
    %get3A_4 = vector.load %arg6[%get3A_2, %get3A_3] : memref<64x64xf32, #tpu.memory_space<vmem>>, vector<64x64xf32>
    %dot_general3A = arith.constant dense<0.000000e+00> : vector<4000x64xf32>
    %dot_general3A_5 = tpu.matmul %get3A_1, %get3A_4, %dot_general3A {dimension_numbers = #tpu.dot_dimension_numbers<[1], [0], [0], [1], [0, 0, 1, 1], [], []>, transpose_lhs_hint = false} : vector<4000x64xf32>, vector<64x64xf32>, vector<4000x64xf32> -> vector<4000x64xf32>
    %get3A_6 = arith.constant 0 : index
    %get3A_7 = arith.constant 0 : index
    %get3A_8 = vector.load %arg3[%get3A_6, %get3A_7] : memref<4000x16xf32, #tpu.memory_space<vmem>>, vector<4000x16xf32>
    %get3A_9 = arith.constant 0 : index
    %get3A_10 = arith.constant 0 : index
    %get3A_11 = vector.load %arg7[%get3A_9, %get3A_10] : memref<16x64xf32, #tpu.memory_space<vmem>>, vector<16x64xf32>
    %dot_general3A_12 = arith.constant dense<0.000000e+00> : vector<4000x64xf32>
    %dot_general3A_13 = tpu.matmul %get3A_8, %get3A_11, %dot_general3A_12 {dimension_numbers = #tpu.dot_dimension_numbers<[1], [0], [0], [1], [0, 0, 1, 1], [], []>, transpose_lhs_hint = false} : vector<4000x16xf32>, vector<16x64xf32>, vector<4000x64xf32> -> vector<4000x64xf32>
    %add3A = arith.addf %dot_general3A_5, %dot_general3A_13 : vector<4000x64xf32>
    %get3A_14 = arith.constant 0 : index
    %get3A_15 = arith.constant 0 : index
    %get3A_16 = vector.load %arg8[%get3A_14, %get3A_15] : memref<1x64xf32, #tpu.memory_space<vmem>>, vector<1x64xf32>
    %add3A_17 = vector.broadcast %get3A_16 : vector<1x64xf32> to vector<4000x64xf32>
    %add3A_18 = arith.addf %add3A, %add3A_17 : vector<4000x64xf32>
    %get3A_19 = arith.constant 0 : index
    %get3A_20 = arith.constant 0 : index
    %get3A_21 = vector.load %arg1[%get3A_19, %get3A_20] : memref<4000x128xf32, #tpu.memory_space<vmem>>, vector<4000x64xf32>
    %add3A_22 = arith.addf %get3A_21, %add3A_18 : vector<4000x64xf32>
    %max3A = arith.constant 0.000000e+00 : f32
    %max3A_23 = vector.broadcast %max3A : f32 to vector<4000x64xf32>
    %max3A_24 = arith.maximumf %add3A_22, %max3A_23 : vector<4000x64xf32>
    %swap3A = arith.constant 0 : index
    %swap3A_25 = arith.constant 0 : index
    %swap3A_26 = vector.load %arg9[%swap3A, %swap3A_25] : memref<4000x64xf32, #tpu.memory_space<vmem>>, vector<4000x64xf32>
    tpu.vector_store %arg9[%swap3A, %swap3A_25], %max3A_24 {strides = array<i32>} : memref<4000x64xf32, #tpu.memory_space<vmem>>, vector<4000x64xf32>,
    %get3A_27 = arith.constant 0 : index
    %get3A_28 = arith.constant 0 : index
    %get3A_29 = vector.load %arg4[%get3A_27, %get3A_28] : memref<1x64xf32, #tpu.memory_space<vmem>>, vector<1x64xf32>
    %mul3A = vector.broadcast %get3A_29 : vector<1x64xf32> to vector<4000x64xf32>
    %mul3A_30 = arith.mulf %max3A_24, %mul3A : vector<4000x64xf32>
    %reduce_sum3A = arith.constant dense<0.000000e+00> : vector<4000xf32>
    %reduce_sum3A_31 = vector.multi_reduction <add>, %mul3A_30, %reduce_sum3A [1] : vector<4000x64xf32> to vector<4000xf32>
    %broadcast_in_dim3A = vector.shape_cast %reduce_sum3A_31 : vector<4000xf32> to vector<4000x1xf32>
    %get3A_32 = arith.constant 0 : index
    %get3A_33 = arith.constant 0 : index
    %get3A_34 = vector.load %arg5[%get3A_32, %get3A_33] : memref<1x1xf32, #tpu.memory_space<vmem>>, vector<1x1xf32>
    %add3A_35 = vector.broadcast %get3A_34 : vector<1x1xf32> to vector<4000x1xf32>
    %add3A_36 = arith.addf %broadcast_in_dim3A, %add3A_35 : vector<4000x1xf32>
    %exp3A = math.exp %add3A_36 : vector<4000x1xf32>
    %mul3A_37 = vector.broadcast %exp3A : vector<4000x1xf32> to vector<4000x64xf32>
    %mul3A_38 = arith.mulf %max3A_24, %mul3A_37 : vector<4000x64xf32>
    %broadcast_in_dim3A_39 = arith.constant 0.000000e+00 : f32
    %broadcast_in_dim3A_40 = vector.broadcast %broadcast_in_dim3A_39 : f32 to vector<4000x63xf32>
    %concatenate3A = tpu.concatenate %mul3A_38, %exp3A, %broadcast_in_dim3A_40 in 1 : vector<4000x64xf32>, vector<4000x1xf32>, vector<4000x63xf32> -> vector<4000x128xf32>
    %swap3A_41 = arith.constant 0 : index
    %swap3A_42 = arith.constant 0 : index
    %swap3A_43 = vector.load %arg10[%swap3A_41, %swap3A_42] : memref<4000x128xf32, #tpu.memory_space<vmem>>, vector<4000x128xf32>
    tpu.vector_store %arg10[%swap3A_41, %swap3A_42], %concatenate3A {strides = array<i32>} : memref<4000x128xf32, #tpu.memory_space<vmem>>, vector<4000x128xf32>,
    return
  }
  func.func @transform_0(%arg0: i32) -> (i32, i32) {
    %c0_i32 = arith.constant 0 : i32
    %c0_i32_0 = arith.constant 0 : i32
    return %arg0, %c0_i32 : i32, i32
  }
  func.func @transform_1(%arg0: i32) -> (i32, i32) {
    %c0_i32 = arith.constant 0 : i32
    %c0_i32_0 = arith.constant 0 : i32
    return %arg0, %c0_i32 : i32, i32
  }
  func.func @transform_2(%arg0: i32) -> (i32, i32) {
    %c0_i32 = arith.constant 0 : i32
    %c0_i32_0 = arith.constant 0 : i32
    return %arg0, %c0_i32 : i32, i32
  }
  func.func @transform_3(%arg0: i32) -> (i32, i32) {
    %c0_i32 = arith.constant 0 : i32
    %c0_i32_0 = arith.constant 0 : i32
    %c0_i32_1 = arith.constant 0 : i32
    return %c0_i32, %c0_i32_0 : i32, i32
  }
  func.func @transform_4(%arg0: i32) -> (i32, i32) {
    %c0_i32 = arith.constant 0 : i32
    %c0_i32_0 = arith.constant 0 : i32
    %c0_i32_1 = arith.constant 0 : i32
    return %c0_i32, %c0_i32_0 : i32, i32
  }
  func.func @transform_5(%arg0: i32) -> (i32, i32) {
    %c0_i32 = arith.constant 0 : i32
    %c0_i32_0 = arith.constant 0 : i32
    %c0_i32_1 = arith.constant 0 : i32
    return %c0_i32, %c0_i32_0 : i32, i32
  }
  func.func @transform_6(%arg0: i32) -> (i32, i32) {
    %c0_i32 = arith.constant 0 : i32
    %c0_i32_0 = arith.constant 0 : i32
    %c0_i32_1 = arith.constant 0 : i32
    return %c0_i32, %c0_i32_0 : i32, i32
  }
  func.func @transform_7(%arg0: i32) -> (i32, i32) {
    %c0_i32 = arith.constant 0 : i32
    %c0_i32_0 = arith.constant 0 : i32
    %c0_i32_1 = arith.constant 0 : i32
    return %c0_i32, %c0_i32_0 : i32, i32
  }
  func.func @transform_8(%arg0: i32) -> (i32, i32) {
    %c0_i32 = arith.constant 0 : i32
    %c0_i32_0 = arith.constant 0 : i32
    return %arg0, %c0_i32 : i32, i32
  }
  func.func @transform_9(%arg0: i32) -> (i32, i32) {
    %c0_i32 = arith.constant 0 : i32
    %c0_i32_0 = arith.constant 0 : i32
    return %arg0, %c0_i32 : i32, i32
  }
}

module attributes {stable_mosaic.version = 14 : i64} {
  func.func @_node_k(%arg0: i32, %arg1: memref<1000x128xf32, #tpu.memory_space<vmem>>, %arg2: memref<1000x128xf32, #tpu.memory_space<vmem>>, %arg3: memref<1000x128xf32, #tpu.memory_space<vmem>>, %arg4: memref<1000x128xf32, #tpu.memory_space<vmem>>, %arg5: memref<128x128xf32, #tpu.memory_space<vmem>>, %arg6: memref<64x128xf32, #tpu.memory_space<vmem>>, %arg7: memref<128x128xf32, #tpu.memory_space<vmem>>, %arg8: memref<1000x128xf32, #tpu.memory_space<vmem>>, %arg9: memref<1000x128xf32, #tpu.memory_space<vmem>>, %arg10: memref<1000x128xf32, #tpu.memory_space<vmem>>) attributes {dimension_semantics = [#tpu.dimension_semantics<arbitrary>], iteration_bounds = array<i64: 10>, scalar_prefetch = 0 : i64, scratch_operands = 0 : i64, tpu.core_type = #tpu.core_type<tc>, window_params = [{transform_indices = @transform_0, window_bounds = array<i64: 1000, 128>}, {transform_indices = @transform_1, window_bounds = array<i64: 1000, 128>}, {transform_indices = @transform_2, window_bounds = array<i64: 1000, 128>}, {transform_indices = @transform_3, window_bounds = array<i64: 1000, 128>}, {pipeline_mode = #tpu.pipeline_mode<synchronous>, transform_indices = @transform_4, window_bounds = array<i64: 128, 128>}, {pipeline_mode = #tpu.pipeline_mode<synchronous>, transform_indices = @transform_5, window_bounds = array<i64: 64, 128>}, {pipeline_mode = #tpu.pipeline_mode<synchronous>, transform_indices = @transform_6, window_bounds = array<i64: 128, 128>}, {transform_indices = @transform_7, window_bounds = array<i64: 1000, 128>}, {transform_indices = @transform_8, window_bounds = array<i64: 1000, 128>}, {transform_indices = @transform_9, window_bounds = array<i64: 1000, 128>}]} {
    %get3A = arith.constant 0 : index
    %get3A_0 = arith.constant 0 : index
    %get3A_1 = vector.load %arg1[%get3A, %get3A_0] : memref<1000x128xf32, #tpu.memory_space<vmem>>, vector<1000x128xf32>
    %get3A_2 = arith.constant 0 : index
    %get3A_3 = arith.constant 0 : index
    %get3A_4 = vector.load %arg2[%get3A_2, %get3A_3] : memref<1000x128xf32, #tpu.memory_space<vmem>>, vector<1000x128xf32>
    %add3A = arith.addf %get3A_1, %get3A_4 : vector<1000x128xf32>
    %slice3A = vector.extract_strided_slice %add3A {offsets = [0, 0], sizes = [1000, 64], strides = [1, 1]} : vector<1000x128xf32> to vector<1000x64xf32>
    %slice3A_5 = vector.extract_strided_slice %add3A {offsets = [0, 64], sizes = [1000, 1], strides = [1, 1]} : vector<1000x128xf32> to vector<1000x1xf32>
    %add3A_6 = arith.constant 1.000000e-16 : f32
    %add3A_7 = vector.broadcast %add3A_6 : f32 to vector<1000x1xf32>
    %add3A_8 = arith.addf %slice3A_5, %add3A_7 : vector<1000x1xf32>
    %div3A = vector.broadcast %add3A_8 : vector<1000x1xf32> to vector<1000x64xf32>
    %div3A_9 = arith.divf %slice3A, %div3A : vector<1000x64xf32>
    %get3A_10 = arith.constant 0 : index
    %get3A_11 = arith.constant 0 : index
    %get3A_12 = vector.load %arg3[%get3A_10, %get3A_11] : memref<1000x128xf32, #tpu.memory_space<vmem>>, vector<1000x128xf32>
    %get3A_13 = arith.constant 0 : index
    %get3A_14 = arith.constant 0 : index
    %get3A_15 = vector.load %arg5[%get3A_13, %get3A_14] : memref<128x128xf32, #tpu.memory_space<vmem>>, vector<128x128xf32>
    %dot_general3A = arith.constant dense<0.000000e+00> : vector<1000x128xf32>
    %dot_general3A_16 = tpu.matmul %get3A_12, %get3A_15, %dot_general3A {dimension_numbers = #tpu.dot_dimension_numbers<[1], [0], [0], [1], [0, 0, 1, 1], [], []>, transpose_lhs_hint = false} : vector<1000x128xf32>, vector<128x128xf32>, vector<1000x128xf32> -> vector<1000x128xf32>
    %get3A_17 = arith.constant 0 : index
    %get3A_18 = arith.constant 0 : index
    %get3A_19 = vector.load %arg6[%get3A_17, %get3A_18] : memref<64x128xf32, #tpu.memory_space<vmem>>, vector<64x128xf32>
    %dot_general3A_20 = arith.constant dense<0.000000e+00> : vector<1000x128xf32>
    %dot_general3A_21 = tpu.matmul %div3A_9, %get3A_19, %dot_general3A_20 {dimension_numbers = #tpu.dot_dimension_numbers<[1], [0], [0], [1], [0, 0, 1, 1], [], []>, transpose_lhs_hint = false} : vector<1000x64xf32>, vector<64x128xf32>, vector<1000x128xf32> -> vector<1000x128xf32>
    %add3A_22 = arith.addf %dot_general3A_16, %dot_general3A_21 : vector<1000x128xf32>
    %get3A_23 = arith.constant 0 : index
    %get3A_24 = arith.constant 0 : index
    %get3A_25 = vector.load %arg4[%get3A_23, %get3A_24] : memref<1000x128xf32, #tpu.memory_space<vmem>>, vector<1000x128xf32>
    %add3A_26 = arith.addf %add3A_22, %get3A_25 : vector<1000x128xf32>
    %max3A = arith.constant 0.000000e+00 : f32
    %max3A_27 = vector.broadcast %max3A : f32 to vector<1000x128xf32>
    %max3A_28 = arith.maximumf %add3A_26, %max3A_27 : vector<1000x128xf32>
    %swap3A = arith.constant 0 : index
    %swap3A_29 = arith.constant 0 : index
    %swap3A_30 = vector.load %arg9[%swap3A, %swap3A_29] : memref<1000x128xf32, #tpu.memory_space<vmem>>, vector<1000x128xf32>
    tpu.vector_store %arg9[%swap3A, %swap3A_29], %max3A_28 {strides = array<i32>} : memref<1000x128xf32, #tpu.memory_space<vmem>>, vector<1000x128xf32>,
    %get3A_31 = arith.constant 0 : index
    %get3A_32 = arith.constant 0 : index
    %get3A_33 = vector.load %arg7[%get3A_31, %get3A_32] : memref<128x128xf32, #tpu.memory_space<vmem>>, vector<128x128xf32>
    %dot_general3A_34 = arith.constant dense<0.000000e+00> : vector<1000x128xf32>
    %dot_general3A_35 = tpu.matmul %max3A_28, %get3A_33, %dot_general3A_34 {dimension_numbers = #tpu.dot_dimension_numbers<[1], [0], [0], [1], [0, 0, 1, 1], [], []>, transpose_lhs_hint = false} : vector<1000x128xf32>, vector<128x128xf32>, vector<1000x128xf32> -> vector<1000x128xf32>
    %get3A_36 = arith.constant 0 : index
    %get3A_37 = arith.constant 0 : index
    %get3A_38 = vector.load %arg8[%get3A_36, %get3A_37] : memref<1000x128xf32, #tpu.memory_space<vmem>>, vector<1000x128xf32>
    %add3A_39 = arith.addf %dot_general3A_35, %get3A_38 : vector<1000x128xf32>
    %swap3A_40 = arith.constant 0 : index
    %swap3A_41 = arith.constant 0 : index
    %swap3A_42 = vector.load %arg10[%swap3A_40, %swap3A_41] : memref<1000x128xf32, #tpu.memory_space<vmem>>, vector<1000x128xf32>
    tpu.vector_store %arg10[%swap3A_40, %swap3A_41], %add3A_39 {strides = array<i32>} : memref<1000x128xf32, #tpu.memory_space<vmem>>, vector<1000x128xf32>,
    return
  }
  func.func @transform_0(%arg0: i32) -> (i32, i32) {
    %c0_i32 = arith.constant 0 : i32
    %c0_i32_0 = arith.constant 0 : i32
    return %arg0, %c0_i32 : i32, i32
  }
  func.func @transform_1(%arg0: i32) -> (i32, i32) {
    %add3A = arith.constant 10 : i32
    %add3A_0 = arith.addi %arg0, %add3A : i32
    %c0_i32 = arith.constant 0 : i32
    %c0_i32_1 = arith.constant 0 : i32
    return %add3A_0, %c0_i32 : i32, i32
  }
  func.func @transform_2(%arg0: i32) -> (i32, i32) {
    %c0_i32 = arith.constant 0 : i32
    %c0_i32_0 = arith.constant 0 : i32
    return %arg0, %c0_i32 : i32, i32
  }
  func.func @transform_3(%arg0: i32) -> (i32, i32) {
    %c0_i32 = arith.constant 0 : i32
    %c0_i32_0 = arith.constant 0 : i32
    return %arg0, %c0_i32 : i32, i32
  }
  func.func @transform_4(%arg0: i32) -> (i32, i32) {
    %c0_i32 = arith.constant 0 : i32
    %c0_i32_0 = arith.constant 0 : i32
    %c0_i32_1 = arith.constant 0 : i32
    return %c0_i32, %c0_i32_0 : i32, i32
  }
  func.func @transform_5(%arg0: i32) -> (i32, i32) {
    %c0_i32 = arith.constant 0 : i32
    %c0_i32_0 = arith.constant 0 : i32
    %c0_i32_1 = arith.constant 0 : i32
    return %c0_i32, %c0_i32_0 : i32, i32
  }
  func.func @transform_6(%arg0: i32) -> (i32, i32) {
    %c0_i32 = arith.constant 0 : i32
    %c0_i32_0 = arith.constant 0 : i32
    %c0_i32_1 = arith.constant 0 : i32
    return %c0_i32, %c0_i32_0 : i32, i32
  }
  func.func @transform_7(%arg0: i32) -> (i32, i32) {
    %c0_i32 = arith.constant 0 : i32
    %c0_i32_0 = arith.constant 0 : i32
    return %arg0, %c0_i32 : i32, i32
  }
  func.func @transform_8(%arg0: i32) -> (i32, i32) {
    %c0_i32 = arith.constant 0 : i32
    %c0_i32_0 = arith.constant 0 : i32
    return %arg0, %c0_i32 : i32, i32
  }
  func.func @transform_9(%arg0: i32) -> (i32, i32) {
    %c0_i32 = arith.constant 0 : i32
    %c0_i32_0 = arith.constant 0 : i32
    return %arg0, %c0_i32 : i32, i32
  }
}

module attributes {stable_mosaic.version = 14 : i64} {
  func.func @_readout_k(%arg0: i32, %arg1: memref<4000x64xf32, #tpu.memory_space<vmem>>, %arg2: memref<64x64xf32, #tpu.memory_space<vmem>>, %arg3: memref<1x64xf32, #tpu.memory_space<vmem>>, %arg4: memref<4000x64xf32, #tpu.memory_space<vmem>>) attributes {dimension_semantics = [#tpu.dimension_semantics<arbitrary>], iteration_bounds = array<i64: 80>, scalar_prefetch = 0 : i64, scratch_operands = 0 : i64, tpu.core_type = #tpu.core_type<tc>, window_params = [{transform_indices = @transform_0, window_bounds = array<i64: 4000, 64>}, {pipeline_mode = #tpu.pipeline_mode<synchronous>, transform_indices = @transform_1, window_bounds = array<i64: 64, 64>}, {pipeline_mode = #tpu.pipeline_mode<synchronous>, transform_indices = @transform_2, window_bounds = array<i64: 1, 64>}, {transform_indices = @transform_3, window_bounds = array<i64: 4000, 64>}]} {
    %get3A = arith.constant 0 : index
    %get3A_0 = arith.constant 0 : index
    %get3A_1 = vector.load %arg1[%get3A, %get3A_0] : memref<4000x64xf32, #tpu.memory_space<vmem>>, vector<4000x64xf32>
    %get3A_2 = arith.constant 0 : index
    %get3A_3 = arith.constant 0 : index
    %get3A_4 = vector.load %arg2[%get3A_2, %get3A_3] : memref<64x64xf32, #tpu.memory_space<vmem>>, vector<64x64xf32>
    %dot_general3A = arith.constant dense<0.000000e+00> : vector<4000x64xf32>
    %dot_general3A_5 = tpu.matmul %get3A_1, %get3A_4, %dot_general3A {dimension_numbers = #tpu.dot_dimension_numbers<[1], [0], [0], [1], [0, 0, 1, 1], [], []>, transpose_lhs_hint = false} : vector<4000x64xf32>, vector<64x64xf32>, vector<4000x64xf32> -> vector<4000x64xf32>
    %get3A_6 = arith.constant 0 : index
    %get3A_7 = arith.constant 0 : index
    %get3A_8 = vector.load %arg3[%get3A_6, %get3A_7] : memref<1x64xf32, #tpu.memory_space<vmem>>, vector<1x64xf32>
    %add3A = vector.broadcast %get3A_8 : vector<1x64xf32> to vector<4000x64xf32>
    %add3A_9 = arith.addf %dot_general3A_5, %add3A : vector<4000x64xf32>
    %swap3A = arith.constant 0 : index
    %swap3A_10 = arith.constant 0 : index
    %swap3A_11 = vector.load %arg4[%swap3A, %swap3A_10] : memref<4000x64xf32, #tpu.memory_space<vmem>>, vector<4000x64xf32>
    tpu.vector_store %arg4[%swap3A, %swap3A_10], %add3A_9 {strides = array<i32>} : memref<4000x64xf32, #tpu.memory_space<vmem>>, vector<4000x64xf32>,
    return
  }
  func.func @transform_0(%arg0: i32) -> (i32, i32) {
    %c0_i32 = arith.constant 0 : i32
    %c0_i32_0 = arith.constant 0 : i32
    return %arg0, %c0_i32 : i32, i32
  }
  func.func @transform_1(%arg0: i32) -> (i32, i32) {
    %c0_i32 = arith.constant 0 : i32
    %c0_i32_0 = arith.constant 0 : i32
    %c0_i32_1 = arith.constant 0 : i32
    return %c0_i32, %c0_i32_0 : i32, i32
  }
  func.func @transform_2(%arg0: i32) -> (i32, i32) {
    %c0_i32 = arith.constant 0 : i32
    %c0_i32_0 = arith.constant 0 : i32
    %c0_i32_1 = arith.constant 0 : i32
    return %c0_i32, %c0_i32_0 : i32, i32
  }
  func.func @transform_3(%arg0: i32) -> (i32, i32) {
    %c0_i32 = arith.constant 0 : i32
    %c0_i32_0 = arith.constant 0 : i32
    return %arg0, %c0_i32 : i32, i32
  }
}

module attributes {stable_mosaic.version = 14 : i64} {
  func.func @_readout_k(%arg0: i32, %arg1: memref<1000x128xf32, #tpu.memory_space<vmem>>, %arg2: memref<128x128xf32, #tpu.memory_space<vmem>>, %arg3: memref<1x128xf32, #tpu.memory_space<vmem>>, %arg4: memref<1000x128xf32, #tpu.memory_space<vmem>>) attributes {dimension_semantics = [#tpu.dimension_semantics<arbitrary>], iteration_bounds = array<i64: 10>, scalar_prefetch = 0 : i64, scratch_operands = 0 : i64, tpu.core_type = #tpu.core_type<tc>, window_params = [{transform_indices = @transform_0, window_bounds = array<i64: 1000, 128>}, {pipeline_mode = #tpu.pipeline_mode<synchronous>, transform_indices = @transform_1, window_bounds = array<i64: 128, 128>}, {pipeline_mode = #tpu.pipeline_mode<synchronous>, transform_indices = @transform_2, window_bounds = array<i64: 1, 128>}, {transform_indices = @transform_3, window_bounds = array<i64: 1000, 128>}]} {
    %get3A = arith.constant 0 : index
    %get3A_0 = arith.constant 0 : index
    %get3A_1 = vector.load %arg1[%get3A, %get3A_0] : memref<1000x128xf32, #tpu.memory_space<vmem>>, vector<1000x128xf32>
    %get3A_2 = arith.constant 0 : index
    %get3A_3 = arith.constant 0 : index
    %get3A_4 = vector.load %arg2[%get3A_2, %get3A_3] : memref<128x128xf32, #tpu.memory_space<vmem>>, vector<128x128xf32>
    %dot_general3A = arith.constant dense<0.000000e+00> : vector<1000x128xf32>
    %dot_general3A_5 = tpu.matmul %get3A_1, %get3A_4, %dot_general3A {dimension_numbers = #tpu.dot_dimension_numbers<[1], [0], [0], [1], [0, 0, 1, 1], [], []>, transpose_lhs_hint = false} : vector<1000x128xf32>, vector<128x128xf32>, vector<1000x128xf32> -> vector<1000x128xf32>
    %get3A_6 = arith.constant 0 : index
    %get3A_7 = arith.constant 0 : index
    %get3A_8 = vector.load %arg3[%get3A_6, %get3A_7] : memref<1x128xf32, #tpu.memory_space<vmem>>, vector<1x128xf32>
    %add3A = vector.broadcast %get3A_8 : vector<1x128xf32> to vector<1000x128xf32>
    %add3A_9 = arith.addf %dot_general3A_5, %add3A : vector<1000x128xf32>
    %swap3A = arith.constant 0 : index
    %swap3A_10 = arith.constant 0 : index
    %swap3A_11 = vector.load %arg4[%swap3A, %swap3A_10] : memref<1000x128xf32, #tpu.memory_space<vmem>>, vector<1000x128xf32>
    tpu.vector_store %arg4[%swap3A, %swap3A_10], %add3A_9 {strides = array<i32>} : memref<1000x128xf32, #tpu.memory_space<vmem>>, vector<1000x128xf32>,
    return
  }
  func.func @transform_0(%arg0: i32) -> (i32, i32) {
    %c0_i32 = arith.constant 0 : i32
    %c0_i32_0 = arith.constant 0 : i32
    return %arg0, %c0_i32 : i32, i32
  }
  func.func @transform_1(%arg0: i32) -> (i32, i32) {
    %c0_i32 = arith.constant 0 : i32
    %c0_i32_0 = arith.constant 0 : i32
    %c0_i32_1 = arith.constant 0 : i32
    return %c0_i32, %c0_i32_0 : i32, i32
  }
  func.func @transform_2(%arg0: i32) -> (i32, i32) {
    %c0_i32 = arith.constant 0 : i32
    %c0_i32_0 = arith.constant 0 : i32
    %c0_i32_1 = arith.constant 0 : i32
    return %c0_i32, %c0_i32_0 : i32, i32
  }
  func.func @transform_3(%arg0: i32) -> (i32, i32) {
    %c0_i32 = arith.constant 0 : i32
    %c0_i32_0 = arith.constant 0 : i32
    return %arg0, %c0_i32 : i32, i32
  }
}

</mosaic_0001>

<sc_bundles>
// kernel: body.14.cloned.1.call-start
scs
__scs_entry_jumppad:
0x0: {  	(pc) =	sbr.rel $0x88, $3  }
0x1: {  	(tag) =	ssettag $0x0;
	lr =	simm.s32 $0x1  }
0x2: {  	[smem:$0x3F93] =	sst lr;
	_ =	strace $0xD0000000  }
0x3: {  	_ = 	snop  }
0x4: {  	_ = 	snop  }
0x5: {  	_ = 	snop  }
0x6: {  	_ = 	snop  }
0x7: {  	_ = 	snop  }
__scs_overlays_trampoline_lowered:
0x8: {  	[smem:$0x3FA2] =	sst s0  }
0x9: {  	[smem:$0x3FA3] =	sst s1  }
0xa: {  	[smem:$0x3FA4] =	sst s2  }
0xb: {  	[smem:$0x3FA5] =	sst s3  }
0xc: {  	[smem:$0x3FA6] =	sst s4  }
0xd: {  	[smem:$0x3FA7] =	sst s5  }
0xe: {  	[smem:$0x3FA8] =	sst s6  }
0xf: {  	[smem:$0x3FA9] =	sst s7  }
0x10: {  	[smem:$0x3FAA] =	sst s8  }
0x11: {  	[smem:$0x3FAB] =	sst s9;
	s0 =	simm.s32 @!p0 $0x0  }
0x12: {  	s1 =	sld [smem:$0x3F91];
	s0 =	simm.s32 @p0 $0x1  }
0x13: {  	[smem:$0x3FAC] =	sst s0;
	s0 =	simm.s32 @!p1 $0x0  }
0x14: {  	s2 =	sld [smem:$0x3F90];
	s0 =	simm.s32 @p1 $0x1  }
0x15: {  	[smem:$0x3FAD] =	sst s0;
	s0 =	simm.s32 @!p2 $0x0  }
0x16: {  	s3 =	sld [smem:$0x3FDB];
	s0 =	simm.s32 @p2 $0x1  }
0x17: {  	s4 =	simm.s32 $0x1BF5;
	[smem:$0x3FAF] =	sst s0  }
0x18: {  	s0 =	sld [smem:$0x3F92];
	_ =	swait.ge [sflag:s4], $0x0  }
0x19: {  	s7 =	sld [smem:$0x3F93]  }
0x1a: {  	s8 =	sadd.s32 $0xFFFFE003, lr  }
0x1b: {  	s9 =	sadd.s32 $0xFFFFFEF7, lr;
	s5 =	simm.s32 $0xFFFFFFFF;
	p2 =	slt.u32 s8, $0xFFFFF086  }
0x1c: {  	p1 =	slt.u32 s9, $0xF7A;
	s5 =	simm.s32 @!p2 $0x0  }
0x1d: {  	s5 =	simm.s32 @p1 $0x1;
	p0 =	seq.s32 s7, s2  }
0x1e: {  	s7 =	smul.u32 @!p0 $0xF7A, s2;
	p2 =	seq.s32 @!p0 s5, $0x0  }
0x1f: {  	s9 =	smul.u32 $0xF7A, s1;
	s8 =	simm.s32 @!p0 $0x1BF5;
	p2 =	por !p2, p0  }
0x20: {  	[sflag:s8] =	ssyncset.s32 @!p0 $0xFFFFF086;
	s6 =	sadd.s32 @!p0 s3, s7;
	s7 =	simm.s32 @!p0 $0x108  }
0x21: {  	s3 =	sadd.s32 s3, s9;
	s6 =	sadd.s32 @!p0 $0x88, s6;
	s7 =	simm.s32 @p2 $0x1082  }
0x22: {  	[simem:s7], [sflag:s8] =	dma.local @!p0 [hbm:s6], $0xF7A  }
0x23: {  	s9 =	sor.u32 $0xD0000000, s2;
	s6 =	simm.s32 $0x108;
	_ =	swait.ge @!p0 [sflag:s8], $0x0  }
0x24: {  	s3 =	sadd.s32 $0x88, s3;
	s6 =	simm.s32 @!p1 $0x1082;
	[sflag:s4] =	ssyncset.s32 $0xFFFFF086  }
0x25: {  	[simem:s6], [sflag:s4] =	dma.local [hbm:s3], $0xF7A  }
0x26: {  	[smem:$0x3F93] =	sst s1;
	(tag) =	ssettag s2;
	_ =	strace s9  }
0x27: {  	s1 =	sld [smem:$0x3FA3]  }
0x28: {  	s2 =	sld [smem:$0x3FA4]  }
0x29: {  	s4 =	sld [smem:$0x3FA6]  }
0x2a: {  	p0 =	seq.s32 s5, $0x0;
	s5 =	sld [smem:$0x3FA7]  }
0x2b: {  	s6 =	sld [smem:$0x3FA8]  }
0x2c: {  	s7 =	sld [smem:$0x3FA9]  }
0x2d: {  	s3 =	simm.s32 $0x108;
	s8 =	sld [smem:$0x3FAA]  }
0x2e: {  	s3 =	simm.s32 @!p0 $0x1082;
	s9 =	sld [smem:$0x3FAB]  }
0x2f: {  	lr =	sadd.s32 s0, s3;
	s0 =	sld [smem:$0x3FA2]  }
0x30: {  	s3 =	sld [smem:$0x3FA5]  }
0x31: {  	[smem:$0x3FAE] =	sst s10  }
0x32: {  	s10 =	sld [smem:$0x3FAC];
	_ =	sdelay $0x3  }
0x33: {  	p0 =	seq.s32 s10, $0x1;
	s10 =	sld [smem:$0x3FAE];
	_ =	sdelay $0x3  }
0x34: {  	[smem:$0x3FAE] =	sst s10  }
0x35: {  	s10 =	sld [smem:$0x3FAD];
	_ =	sdelay $0x3  }
0x36: {  	p1 =	seq.s32 s10, $0x1;
	s10 =	sld [smem:$0x3FAE];
	_ =	sdelay $0x3  }
0x37: {  	[smem:$0x3FAE] =	sst s10  }
0x38: {  	s10 =	sld [smem:$0x3FAF]  }
0x39: {  	_ = 	snop;
	(pc) =	sbr.ind lr, $3  }
0x3a: {  	_ = 	snop  }
0x3b: {  	_ = 	snop  }
0x3c: {  	p2 =	seq.s32 s10, $0x1;
	s10 =	sld [smem:$0x3FAE]  }
0x3d: {  	_ =	shalt  }
0x3e: {  	_ =	shalt  }
0x3f: {  	_ =	shalt  }
0x40: {  	_ =	shalt  }
0x41: {  	_ =	shalt  }
0x42: {  	_ =	shalt  }
0x43: {  	_ =	shalt  }
0x44: {  	_ =	shalt  }
0x45: {  	_ =	shalt  }
0x46: {  	_ =	shalt  }
0x47: {  	_ =	shalt  }
0x48: {  	_ =	shalt  }
0x49: {  	_ =	shalt  }
0x4a: {  	_ =	shalt  }
0x4b: {  	_ =	shalt  }
0x4c: {  	_ =	shalt  }
0x4d: {  	_ =	shalt  }
0x4e: {  	_ =	shalt  }
0x4f: {  	_ =	shalt  }
0x50: {  	_ =	shalt  }
0x51: {  	_ =	shalt  }
0x52: {  	_ =	shalt  }
0x53: {  	_ =	shalt  }
0x54: {  	_ =	shalt  }
0x55: {  	_ =	shalt  }
0x56: {  	_ =	shalt  }
0x57: {  	_ =	shalt  }
0x58: {  	_ =	shalt  }
0x59: {  	_ =	shalt  }
0x5a: {  	_ =	shalt  }
0x5b: {  	_ =	shalt  }
0x5c: {  	_ =	shalt  }
0x5d: {  	_ =	shalt  }
0x5e: {  	_ =	shalt  }
0x5f: {  	_ =	shalt  }
0x60: {  	_ =	shalt  }
0x61: {  	_ =	shalt  }
0x62: {  	_ =	shalt  }
0x63: {  	_ =	shalt  }
0x64: {  	_ =	shalt  }
0x65: {  	_ =	shalt  }
0x66: {  	_ =	shalt  }
0x67: {  	_ =	shalt  }
0x68: {  	_ =	shalt  }
0x69: {  	_ =	shalt  }
0x6a: {  	_ =	shalt  }
0x6b: {  	_ =	shalt  }
0x6c: {  	_ =	shalt  }
0x6d: {  	_ =	shalt  }
0x6e: {  	_ =	shalt  }
0x6f: {  	_ =	shalt  }
0x70: {  	_ =	shalt  }
0x71: {  	_ =	shalt  }
0x72: {  	_ =	shalt  }
0x73: {  	_ =	shalt  }
0x74: {  	_ =	shalt  }
0x75: {  	_ =	shalt  }
0x76: {  	_ =	shalt  }
0x77: {  	_ =	shalt  }
0x78: {  	_ =	shalt  }
0x79: {  	_ =	shalt  }
0x7a: {  	_ =	shalt  }
0x7b: {  	_ =	shalt  }
0x7c: {  	_ =	shalt  }
0x7d: {  	_ =	shalt  }
0x7e: {  	_ =	shalt  }
0x7f: {  	_ =	shalt  }
0x80: {  	_ =	shalt  }
0x81: {  	_ =	shalt  }
0x82: {  	_ =	shalt  }
0x83: {  	_ =	shalt  }
0x84: {  	_ =	shalt  }
0x85: {  	_ =	shalt  }
0x86: {  	_ =	shalt  }
0x87: {  	_ =	shalt  }
.Lfunc_end0:
.L_simem_size_0:
called_computation_lowered:
.L_overlay_start_0:
0x88: {  	s2 =	sld [smem:$0x3FD9]  }
0x89: {  	s3 =	sld [smem:$0x3FFE];
	_ =	sdelay $0x1  }
0x8a: {  	s1 =	srdreg.scid  }
0x8b: {  	s0 =	sand.u32 $0x1, s1  }
0x8c: {  	s14 =	sshll.u32 s0, $0xA;
	s2 =	sadd.s32 s3, s2  }
0x8d: {  	s2 =	sadd.s32 s2, s14  }
0x8e: {  	[smem:$0x3FBA] =	sst s2  }
0x8f: {  	_ = 	snop  }
0x90: {  	s2 =	sld [smem:$0x3FD0];
	_ =	sdelay $0x2  }
0x91: {  	s15 =	simm.s32 $0xA;
	s4 =	simm.s32 $0x10  }
0x92: {  	[smem:s4], [sflag:s15] =	dma.local [hbm:s2], $0x1  }
0x93: {  	_ =	swait.eq [sflag:s15], $0x1  }
0x94: {  	[sflag:s15] =	ssyncset.done $0x0  }
0x95: {  	[sflag:s15] =	ssyncadd.s32 $0xFFFFFFFF  }
0x96: {  	s16 =	sld [smem:$0x11];
	(tm) =	ssettm $0x1  }
0x97: {  	s17 =	sld [smem:$0x3FFB];
	_ =	sdelay $0x3  }
0x98: {  	_ =	strace s17  }
0x99: {  	s3 =	sld [smem:$0x3FFC];
	_ =	sdelay $0x3  }
0x9a: {  	_ =	strace s3  }
0x9b: {  	s3 =	sld [smem:$0x3FFD];
	_ =	sdelay $0x3  }
0x9c: {  	_ =	strace s3  }
0x9d: {  	_ =	strace $0x8FFFFFFF  }
0x9e: {  	s18 =	sld [smem:$0x3FDB];
	_ =	sdelay $0x1  }
0x9f: {  	s19 =	simm.s32 $_scs_section_size  }
0xa0: {  	s5 =	simm.s32 $_size__tile_overlayer_lowered;
	s6 =	simm.s32 $_tile_overlayer_lowered  }
0xa1: {  	s22 =	simm.s32 $0x1BFF;
	s21 =	sshll.u32 s6, $0x1;
	s3 =	sadd.s32 s19, s18  }
0xa2: {  	s7 =	simm.s32 $0x0;
	s20 =	sshll.u32 s5, $0x1;
	s5 =	sadd.s32 s21, s3  }
0xa3: {  	[timem:s7], [sflag:s22] =	dma.local [hbm:s5], s20  }
0xa4: {  	_ =	swait.ge [sflag:s22], s20  }
0xa5: {  	s4 =	ssub.s32 $0x0, s20;
	[sflag:s22] =	ssyncset.done $0x0  }
0xa6: {  	[sflag:s22] =	ssyncadd.s32 s4;
	_ =	sdelay $0x1  }
0xa7: {  	s23 =	simm.s32 $0x1B8B  }
0xa8: {  	_ =	swait.ge [sflag:s23], $0x1  }
0xa9: {  	[sflag:s23] =	ssyncset.done $0x0  }
0xaa: {  	s25 =	simm.s32 $0x1B8E;
	s24 =	sld [smem:$0x3FFE];
	[sflag:s23] =	ssyncadd.s32 $0xFFFFFFFF  }
0xab: {  	s26 =	simm.s32 $execute0_lowered;
	[smem:$0x3FD2] =	sst s25  }
0xac: {  	s5 =	sshll.u32 s26, $0x1;
	_ =	strace $0x80000046;
	[dreg:$0x1] =	wrdreg $0xFFFFFFFF  }
0xad: {  	s28 =	simm.s32 $_size_execute0_lowered;
	s3 =	sadd.s32 s3, s5;
	[dreg:$0x0] =	wrdreg $0x0  }
0xae: {  	s5 =	sshll.u32 s28, $0x1;
	[dreg:$0x2] =	wrdreg s3  }
0xaf: {  	[dreg:$0x3] =	wrdreg s5  }
0xb0: {  	[dreg:$0x4] =	wrdreg $0xC0  }
0xb1: {  	_ =	task [dreg:s7], $0x5FFFF  }
0xb2: {  	[dreg:$0x1] =	wrdreg $0xFFFFFFFF  }
0xb3: {  	[dreg:$0x0] =	wrdreg $0x60  }
0xb4: {  	[dreg:$0x2] =	wrdreg s16  }
0xb5: {  	[dreg:$0x3] =	wrdreg s24  }
0xb6: {  	[dreg:$0x4] =	wrdreg $0x9  }
0xb7: {  	_ =	task.clear_ibuf [dreg:s7], $0x5FFFF;
	_ =	strace $0x90000046  }
0xb8: {  	s29 =	simm.s32 $0x9;
	_ =	strace $0x80000048  }
0xb9: {  	_ =	swait.ge [sflag:s29], $0x1  }
0xba: {  	[sflag:s29] =	ssyncadd.s32 $0xFFFFFFFF  }
0xbb: {  	_ =	strace $0x90000048  }
0xbc: {  	_ =	sfence  }
0xbd: {  	s30 =	sld [smem:$0x0];
	_ =	sdelay $0x2  }
0xbe: {  	s31 =	sshll.u32 s1, $0xD;
	s1 =	sshrl.u32 s1, $0x2  }
0xbf: {  	s3 =	sand.u32 $0x4000, s31;
	s1 =	sadd.s32 s1, s30  }
0xc0: {  	s0 =	sor.u32 s3, s0;
	s1 =	sshll.u32 s1, $0x11  }
0xc1: {  	s0 =	sor.u32 s1, s0  }
0xc2: {  	s0 =	sadd.s32 $0x8F2B, s0  }
0xc3: {  	[sflag:s0] =	ssyncadd.remote.s32 $0x1  }
0xc4: {  	_ =	sfence.sel $0xFFFF  }
0xc5: {  	[dreg:$0x0] =	wrdreg $0xFFFFFFFF;
	(pc) =	sbr.abs _section_cstart, $3  }
0xc6: {  	[dreg:$0x1] =	wrdreg $0xFFFFFFFF  }
0xc7: {  	_ =	task.clear_ibuf [dreg:s7], $0x2FFFF;
	_ =	strace $0x9FFFFFFF  }
0xc8: {  	(tm) =	ssettm $0x7FFFFFFF  }
0xc9: {  	_ =	shalt  }
tec
execute0_lowered:
.L_overlay_start_1:
0x0: {  	(tag) =	ssettag $0x1  }
0x1: {  	s0 =	srdreg.scid;
	s2 =	rddreg [dreg:$0x0]  }
0x2: {  	s3 =	stileid.u32;
	s6 =	rddreg [dreg:$0x1]  }
0x3: {  	s11 =	simm.s32 $0x7;
	s12 =	simm.s32 $0x2780;
	s13 =	simm.s32 $0xC8  }
0x4: {  	s14 =	simm.s32 $0x4F00;
	s15 =	simm.s32 $0x11700;
	s16 =	simm.s32 $0xB300  }
0x5: {  	s17 =	simm.s32 $0x17B00;
	s18 =	simm.s32 $0x1;
	s19 =	simm.s32 $0x3  }
0x6: {  	s20 =	simm.s32 $0x5;
	s21 =	simm.s32 $0x2;
	s0 =	sand.u32 $0x1, s0  }
0x7: {  	s22 =	simm.s32 $0x4;
	s23 =	simm.s32 $0x6;
	s1 =	sshll.u32 s0, $0x4  }
0x8: {  	s25 =	simm.s32 $0x4DC8;
	s26 =	simm.s32 $0x0;
	s1 =	sor.u32 s3, s1  }
0x9: {  	s5 =	sadd.s32 $0xA2B400, s6;
	s0 =	ssub.s32 $0x2, s0;
	s4 =	smul.u32 $0x2710, s1  }
0xa: {  	s3 =	simm.s32 $0x0;
	s8 =	sshrl.u32 s0, $0x1;
	s1 =	smul.u32 $0x138800, s1  }
0xb: {  	[smem:$0x7FF] =	sst s3;
	s0 =	ssub.s32 s0, s8;
	s7 =	sshrl.u32 s4, $0x3  }
0xc: {  	_ =	strace $0x80000047;
	s1 =	sshrl.u32 s1, $0x3;
	s7 =	sadd.s32 s7, s6  }
0xd: {  	s10 =	smax.u32 s0, $0x1;
	s1 =	sadd.s32 s5, s1;
	s6 =	sadd.s32 $0x52C00, s7  }
0xe: {  	s7 =	sadd.s32 $0xA21600, s7;
	s8 =	sadd.s32 $0x25800, s1;
	s9 =	sadd.s32 $0x26480, s1  }
.LBB2_1:
0xf: {  	[tilespmem:s3], [sflag:$0x7] =	stream.linear.gather [hbm4b:s6+s3], $0x2710, $0x38;
	[tilespmem:$0x1DF00] =	vst v63  }
0x10: {  	_ =	swait.ge [sflag:s11], $0x2710  }
0x11: {  	[sflag:s11] =	ssyncset.done $0x0  }
0x12: {  	[sflag:s11] =	ssyncadd.s32 $0xFFFFD8F0  }
0x13: {  	[tilespmem:s12], [sflag:$0x7] =	stream.linear.gather [hbm4b:s7+s3], $0x2710, $0x38;
	[tilespmem:$0x1DF00] =	vst v63  }
0x14: {  	_ =	swait.ge [sflag:s11], $0x2710  }
0x15: {  	[sflag:s11] =	ssyncset.done $0x0  }
0x16: {  	[sflag:s11] =	ssyncadd.s32 $0xFFFFD8F0  }
0x17: {  	[tilespmem:s14], [sflag:$0x1] =	stream.indirect.gather [hbm4b:s2+s13], $0x80, s3, s13, $0xb8;
	[tilespmem:$0x1DF00] =	vst v63  }
0x18: {  	s28 =	simm.s32 $0x0  }
0x19: {  	[tilespmem:s15], [sflag:$0x3] =	stream.indirect.gather [hbm4b:s2+s13], $0x80, s12, s13, $0xb8;
	[tilespmem:$0x1DF00] =	vst v63  }
.LBB2_2:
0x1a: {  	p0 =	seq.s32 s28, $0x0  }
0x1b: {  	s0 =	simm.s32 @!p0 $0x6  }
0x1c: {  	s30 =	smul.u32 $0x190, s28;
	_ =	swait.ge @!p0 [sflag:s0], $0x6400  }
0x1d: {  	[sflag:s0] =	ssyncset.done @!p0 $0x0  }
0x1e: {  	s29 =	sadd.s32 $0xC8, s30;
	[sflag:s0] =	ssyncadd.s32 @!p0 $0xFFFF9C00  }
0x1f: {  	[tilespmem:s16], [sflag:$0x2] =	stream.indirect.gather [hbm4b:s2+s13], $0x80, s29, s13, $0xb8;
	[tilespmem:$0x1DF00] =	vst v63  }
0x20: {  	s24 =	sadd.s32 $0x2848, s30  }
0x21: {  	[tilespmem:s17], [sflag:$0x4] =	stream.indirect.gather [hbm4b:s2+s13], $0x80, s24, s13, $0xb8;
	[tilespmem:$0x1DF00] =	vst v63  }
0x22: {  	_ =	swait.ge [sflag:s18], $0x6400  }
0x23: {  	[sflag:s18] =	ssyncset.done $0x0  }
0x24: {  	[sflag:s18] =	ssyncadd.s32 $0xFFFF9C00  }
0x25: {  	_ =	swait.ge [sflag:s19], $0x6400  }
0x26: {  	[sflag:s19] =	ssyncset.done $0x0  }
0x27: {  	s31 =	simm.s32 $0x4F80;
	[sflag:s19] =	ssyncadd.s32 $0xFFFF9C00  }
0x28: {  	s1 =	simm.s32 $0x117C0;
	v0 =	vld [tilespmem:s31+$0xFFFFFF80]  }
0x29: {  	v1 =	vld [tilespmem:s1+$0xFFFFFF80];
	_ =	sdelay $0x4  }
0x2a: {  	v0 =	vadd.f32 v1, v0;
	_ =	sdelay $0x1  }
0x2b: {  	[tilespmem:s31+$0xFFFFFF80] =	vst v0;
	v0 =	vld [tilespmem:s31+$0xFFFFFF90]  }
0x2c: {  	v1 =	vld [tilespmem:s1+$0xFFFFFF90];
	_ =	sdelay $0x4  }
0x2d: {  	v0 =	vadd.f32 v1, v0;
	_ =	sdelay $0x1  }
0x2e: {  	[tilespmem:s31+$0xFFFFFF90] =	vst v0;
	v0 =	vld [tilespmem:s31+$0xFFFFFFA0]  }
0x2f: {  	v1 =	vld [tilespmem:s1+$0xFFFFFFA0];
	_ =	sdelay $0x4  }
0x30: {  	v0 =	vadd.f32 v1, v0;
	_ =	sdelay $0x1  }
0x31: {  	[tilespmem:s31+$0xFFFFFFA0] =	vst v0;
	v0 =	vld [tilespmem:s31+$0xFFFFFFB0]  }
0x32: {  	v1 =	vld [tilespmem:s1+$0xFFFFFFB0];
	_ =	sdelay $0x4  }
0x33: {  	v0 =	vadd.f32 v1, v0;
	_ =	sdelay $0x1  }
0x34: {  	[tilespmem:s31+$0xFFFFFFB0] =	vst v0;
	v0 =	vld [tilespmem:s31+$0x0]  }
0x35: {  	v1 =	vld [tilespmem:s1+$0x0];
	_ =	sdelay $0x4  }
0x36: {  	v0 =	vadd.f32 v1, v0;
	_ =	sdelay $0x1  }
0x37: {  	[tilespmem:s31+$0x0] =	vst v0;
	v0 =	vld [tilespmem:s31+$0x10]  }
0x38: {  	v1 =	vld [tilespmem:s1+$0x10];
	_ =	sdelay $0x4  }
0x39: {  	v0 =	vadd.f32 v1, v0;
	_ =	sdelay $0x1  }
0x3a: {  	[tilespmem:s31+$0x10] =	vst v0;
	v0 =	vld [tilespmem:s31+$0x20]  }
0x3b: {  	v1 =	vld [tilespmem:s1+$0x20];
	_ =	sdelay $0x4  }
0x3c: {  	v0 =	vadd.f32 v1, v0;
	_ =	sdelay $0x1  }
0x3d: {  	[tilespmem:s31+$0x20] =	vst v0;
	v0 =	vld [tilespmem:s31+$0x30]  }
0x3e: {  	v1 =	vld [tilespmem:s1+$0x30];
	_ =	sdelay $0x4  }
0x3f: {  	v0 =	vadd.f32 v1, v0  }
0x40: {  	s0 =	simm.s32 $0x0;
	s24 =	simm.s32 $0x5080  }
.LBB2_3:
0x41: {  	v1 =	vld [tilespmem:s24+$0xFFFFFF80];
	[tilespmem:s31+$0x30] =	vst v0;
	s1 =	sadd.s32 $0x100, s1;
	s31 =	smov.u32 s24  }
0x42: {  	s0 =	sadd.s32 $0x2, s0;
	v0 =	vld [tilespmem:s1+$0xFFFFFF80]  }
0x43: {  	p0 =	slt.u32 s0, $0xC6;
	_ =	sdelay $0x3  }
0x44: {  	v0 =	vadd.f32 v0, v1;
	_ =	sdelay $0x1  }
0x45: {  	[tilespmem:s24+$0xFFFFFF80] =	vst v0;
	v0 =	vld [tilespmem:s24+$0xFFFFFF90]  }
0x46: {  	v1 =	vld [tilespmem:s1+$0xFFFFFF90];
	_ =	sdelay $0x4  }
0x47: {  	v0 =	vadd.f32 v1, v0;
	_ =	sdelay $0x1  }
0x48: {  	[tilespmem:s24+$0xFFFFFF90] =	vst v0;
	v0 =	vld [tilespmem:s24+$0xFFFFFFA0]  }
0x49: {  	v1 =	vld [tilespmem:s1+$0xFFFFFFA0];
	_ =	sdelay $0x4  }
0x4a: {  	v0 =	vadd.f32 v1, v0;
	_ =	sdelay $0x1  }
0x4b: {  	[tilespmem:s24+$0xFFFFFFA0] =	vst v0;
	v0 =	vld [tilespmem:s24+$0xFFFFFFB0]  }
0x4c: {  	v1 =	vld [tilespmem:s1+$0xFFFFFFB0];
	_ =	sdelay $0x4  }
0x4d: {  	v0 =	vadd.f32 v1, v0;
	_ =	sdelay $0x1  }
0x4e: {  	[tilespmem:s24+$0xFFFFFFB0] =	vst v0;
	v0 =	vld [tilespmem:s24+$0x0]  }
0x4f: {  	v1 =	vld [tilespmem:s1+$0x0];
	_ =	sdelay $0x4  }
0x50: {  	v0 =	vadd.f32 v1, v0;
	_ =	sdelay $0x1  }
0x51: {  	[tilespmem:s24+$0x0] =	vst v0;
	v0 =	vld [tilespmem:s24+$0x10]  }
0x52: {  	v1 =	vld [tilespmem:s1+$0x10];
	_ =	sdelay $0x4  }
0x53: {  	v0 =	vadd.f32 v1, v0;
	_ =	sdelay $0x1  }
0x54: {  	[tilespmem:s24+$0x10] =	vst v0;
	v0 =	vld [tilespmem:s24+$0x20]  }
0x55: {  	v1 =	vld [tilespmem:s1+$0x20];
	_ =	sdelay $0x4  }
0x56: {  	v0 =	vadd.f32 v1, v0;
	_ =	sdelay $0x1  }
0x57: {  	[tilespmem:s24+$0x20] =	vst v0;
	v0 =	vld [tilespmem:s24+$0x30]  }
0x58: {  	v1 =	vld [tilespmem:s1+$0x30];
	_ =	sdelay $0x1  }
.Ltmp0:
0x59: {  	(pc) =	sbr.rel @p0 .LBB2_3-.Ltmp0, $3  }
0x5a: {  	_ =	sdelay $0x1  }
0x5b: {  	v0 =	vadd.f32 v1, v0  }
0x5c: {  	s24 =	sadd.s32 $0x100, s24  }
0x5d: {  	s0 =	sadd.s32 s4, s30  }
0x5e: {  	s0 =	sshll.u32 s0, $0x4  }
0x5f: {  	[tilespmem:s31+$0x30] =	vst v0;
	s1 =	simm.s32 $0x0;
	s0 =	sadd.s32 s5, s0  }
0x60: {  	[hbm4b:s0+s1] =	stream.linear.scatter [tilespmem:s14], [sflag:$0x5], $0x6400, $0x38;
	[tilespmem:$0x1DF00] =	vst v63  }
0x61: {  	_ =	swait.ge [sflag:s20], $0x6400  }
0x62: {  	[sflag:s20] =	ssyncset.done $0x0  }
0x63: {  	s24 =	sadd.s32 $0x190, s30;
	[sflag:s20] =	ssyncadd.s32 $0xFFFF9C00  }
0x64: {  	[tilespmem:s14], [sflag:$0x1] =	stream.indirect.gather [hbm4b:s2+s13], $0x80, s24, s13, $0xb8;
	[tilespmem:$0x1DF00] =	vst v63  }
0x65: {  	s31 =	sadd.s32 $0x2910, s30  }
0x66: {  	[tilespmem:s15], [sflag:$0x3] =	stream.indirect.gather [hbm4b:s2+s13], $0x80, s31, s13, $0xb8;
	[tilespmem:$0x1DF00] =	vst v63  }
0x67: {  	_ =	swait.ge [sflag:s21], $0x6400  }
0x68: {  	[sflag:s21] =	ssyncset.done $0x0  }
0x69: {  	[sflag:s21] =	ssyncadd.s32 $0xFFFF9C00  }
0x6a: {  	_ =	swait.ge [sflag:s22], $0x6400  }
0x6b: {  	[sflag:s22] =	ssyncset.done $0x0  }
0x6c: {  	s0 =	simm.s32 $0x0;
	[sflag:s22] =	ssyncadd.s32 $0xFFFF9C00  }
0x6d: {  	v3 =	vld [tilespmem:s0+$0xB390]  }
0x6e: {  	v1 =	vld [tilespmem:s0+$0x17BF0]  }
0x6f: {  	v2 =	vld [tilespmem:s0+$0xB3B0]  }
0x70: {  	v4 =	vld [tilespmem:s0+$0x17BE0]  }
0x71: {  	v5 =	vld [tilespmem:s0+$0xB3A0]  }
0x72: {  	v6 =	vld [tilespmem:s0+$0x17BD0]  }
0x73: {  	v0 =	vld [tilespmem:s0+$0xB380]  }
0x74: {  	v7 =	vld [tilespmem:s0+$0x17B70]  }
0x75: {  	v8 =	vld [tilespmem:s0+$0xB330]  }
0x76: {  	v2 =	vadd.f32 v1, v2;
	v1 =	vld [tilespmem:s0+$0x17B60]  }
0x77: {  	v5 =	vadd.f32 v4, v5;
	v4 =	vld [tilespmem:s0+$0x17B50]  }
0x78: {  	v6 =	vadd.f32 v6, v3;
	v3 =	vld [tilespmem:s0+$0x17B40]  }
0x79: {  	[tilespmem:s0+$0xB3B0] =	vst v2;
	v2 =	vld [tilespmem:s0+$0xB320]  }
0x7a: {  	[tilespmem:s0+$0xB390] =	vst v6;
	v6 =	vld [tilespmem:s0+$0xB310]  }
0x7b: {  	s1 =	simm.s32 $0x0;
	s24 =	simm.s32 $0x400;
	v7 =	vadd.f32 v7, v8;
	[tilespmem:s0+$0xB3A0] =	vst v5;
	v5 =	vld [tilespmem:s0+$0x17BC0]  }
.LBB2_5:
0x7c: {  	s30 =	sshra.s32 s24, $0x2;
	s1 =	sadd.s32 $0x2, s1;
	v8 =	vld [tilespmem:s0+$0xB300]  }
0x7d: {  	v9 =	vld [tilespmem:s30+$0xB390];
	p0 =	slt.u32 s1, $0xC6  }
0x7e: {  	v10 =	vld [tilespmem:s30+$0x17BF0]  }
0x7f: {  	v11 =	vld [tilespmem:s30+$0xB3B0];
	v4 =	vadd.f32 v4, v6;
	[tilespmem:s0+$0xB330] =	vst v7  }
0x80: {  	v1 =	vadd.f32 v1, v2;
	v6 =	vld [tilespmem:s30+$0x17BE0];
	v0 =	vadd.f32 v5, v0  }
0x81: {  	v2 =	vld [tilespmem:s30+$0xB3A0];
	v3 =	vadd.f32 v3, v8;
	[tilespmem:s0+$0xB310] =	vst v4  }
0x82: {  	v4 =	vld [tilespmem:s30+$0x17BD0];
	[tilespmem:s0+$0xB380] =	vst v0  }
0x83: {  	v0 =	vld [tilespmem:s30+$0xB380];
	[tilespmem:s0+$0xB320] =	vst v1  }
0x84: {  	v5 =	vld [tilespmem:s30+$0x17B70];
	v7 =	vadd.f32 v10, v11;
	[tilespmem:s0+$0xB300] =	vst v3;
	s0 =	smov.u32 s30  }
0x85: {  	v8 =	vld [tilespmem:s0+$0xB330]  }
0x86: {  	v1 =	vld [tilespmem:s0+$0x17B60];
	v3 =	vadd.f32 v6, v2;
	[tilespmem:s0+$0xB3B0] =	vst v7  }
.Ltmp1:
0x87: {  	v2 =	vld [tilespmem:s0+$0xB320];
	v6 =	vadd.f32 v4, v9;
	(pc) =	sbr.rel @p0 .LBB2_5-.Ltmp1, $4  }
0x88: {  	v4 =	vld [tilespmem:s0+$0x17B50];
	[tilespmem:s0+$0xB3A0] =	vst v3  }
0x89: {  	v3 =	vld [tilespmem:s0+$0x17B40];
	[tilespmem:s0+$0xB390] =	vst v6  }
0x8a: {  	v6 =	vld [tilespmem:s0+$0xB310];
	v7 =	vadd.f32 v5, v8  }
0x8b: {  	s24 =	sadd.s32 $0x400, s24;
	v5 =	vld [tilespmem:s0+$0x17BC0]  }
0x8c: {  	v8 =	vld [tilespmem:s0+$0xB300];
	_ =	sdelay $0x1  }
0x8d: {  	v1 =	vadd.f32 v1, v2;
	s28 =	sadd.s32 $0x1, s28  }
0x8e: {  	[tilespmem:s0+$0xB330] =	vst v7;
	p0 =	sne.s32 s28, $0x18;
	v4 =	vadd.f32 v4, v6  }
.Ltmp2:
0x8f: {  	[tilespmem:s0+$0xB320] =	vst v1;
	v0 =	vadd.f32 v5, v0;
	(pc) =	sbr.rel @p0 .LBB2_2-.Ltmp2, $4  }
0x90: {  	s1 =	sadd.s32 s4, s29;
	[tilespmem:s0+$0xB310] =	vst v4;
	v63 =	vadd.f32 v3, v8  }
0x91: {  	s1 =	sshll.u32 s1, $0x4;
	[tilespmem:s0+$0xB380] =	vst v0  }
0x92: {  	s31 =	sadd.s32 s5, s1;
	[tilespmem:s0+$0xB300] =	vst v63  }
0x93: {  	[hbm4b:s31+s3] =	stream.linear.scatter [tilespmem:s16], [sflag:$0x6], $0x6400, $0x38;
	[tilespmem:$0x1DF00] =	vst v63  }
0x94: {  	_ =	swait.ge [sflag:s23], $0x6400  }
0x95: {  	[sflag:s23] =	ssyncset.done $0x0  }
0x96: {  	s0 =	simm.s32 $0x2648;
	[sflag:s23] =	ssyncadd.s32 $0xFFFF9C00  }
0x97: {  	[tilespmem:s16], [sflag:$0x2] =	stream.indirect.gather [hbm4b:s2+s13], $0x80, s0, s13, $0xb8;
	[tilespmem:$0x1DF00] =	vst v63  }
0x98: {  	_ = 	snop  }
0x99: {  	[tilespmem:s17], [sflag:$0x4] =	stream.indirect.gather [hbm4b:s2+s13], $0x80, s25, s13, $0xb8;
	[tilespmem:$0x1DF00] =	vst v63  }
0x9a: {  	_ =	swait.ge [sflag:s18], $0x6400  }
0x9b: {  	[sflag:s18] =	ssyncset.done $0x0  }
0x9c: {  	[sflag:s18] =	ssyncadd.s32 $0xFFFF9C00  }
0x9d: {  	_ =	swait.ge [sflag:s19], $0x6400  }
0x9e: {  	[sflag:s19] =	ssyncset.done $0x0  }
0x9f: {  	s28 =	simm.s32 $0x4F80;
	[sflag:s19] =	ssyncadd.s32 $0xFFFF9C00  }
0xa0: {  	s1 =	simm.s32 $0x117C0;
	v0 =	vld [tilespmem:s28+$0xFFFFFF80]  }
0xa1: {  	v1 =	vld [tilespmem:s1+$0xFFFFFF80];
	_ =	sdelay $0x4  }
0xa2: {  	v0 =	vadd.f32 v1, v0;
	_ =	sdelay $0x1  }
0xa3: {  	[tilespmem:s28+$0xFFFFFF80] =	vst v0;
	v0 =	vld [tilespmem:s28+$0xFFFFFF90]  }
0xa4: {  	v1 =	vld [tilespmem:s1+$0xFFFFFF90];
	_ =	sdelay $0x4  }
0xa5: {  	v0 =	vadd.f32 v1, v0;
	_ =	sdelay $0x1  }
0xa6: {  	[tilespmem:s28+$0xFFFFFF90] =	vst v0;
	v0 =	vld [tilespmem:s28+$0xFFFFFFA0]  }
0xa7: {  	v1 =	vld [tilespmem:s1+$0xFFFFFFA0];
	_ =	sdelay $0x4  }
0xa8: {  	v0 =	vadd.f32 v1, v0;
	_ =	sdelay $0x1  }
0xa9: {  	[tilespmem:s28+$0xFFFFFFA0] =	vst v0;
	v0 =	vld [tilespmem:s28+$0xFFFFFFB0]  }
0xaa: {  	v1 =	vld [tilespmem:s1+$0xFFFFFFB0];
	_ =	sdelay $0x4  }
0xab: {  	v0 =	vadd.f32 v1, v0;
	_ =	sdelay $0x1  }
0xac: {  	[tilespmem:s28+$0xFFFFFFB0] =	vst v0;
	v0 =	vld [tilespmem:s28+$0x0]  }
0xad: {  	v1 =	vld [tilespmem:s1+$0x0];
	_ =	sdelay $0x4  }
0xae: {  	v0 =	vadd.f32 v1, v0;
	_ =	sdelay $0x1  }
0xaf: {  	[tilespmem:s28+$0x0] =	vst v0;
	v0 =	vld [tilespmem:s28+$0x10]  }
0xb0: {  	v1 =	vld [tilespmem:s1+$0x10];
	_ =	sdelay $0x4  }
0xb1: {  	v0 =	vadd.f32 v1, v0;
	_ =	sdelay $0x1  }
0xb2: {  	[tilespmem:s28+$0x10] =	vst v0;
	v0 =	vld [tilespmem:s28+$0x20]  }
0xb3: {  	v1 =	vld [tilespmem:s1+$0x20];
	_ =	sdelay $0x4  }
0xb4: {  	v0 =	vadd.f32 v1, v0;
	_ =	sdelay $0x1  }
0xb5: {  	[tilespmem:s28+$0x20] =	vst v0;
	v0 =	vld [tilespmem:s28+$0x30]  }
0xb6: {  	v1 =	vld [tilespmem:s1+$0x30];
	_ =	sdelay $0x4  }
0xb7: {  	v0 =	vadd.f32 v1, v0  }
0xb8: {  	s24 =	simm.s32 $0x5080;
	s0 =	simm.s32 $0x0  }
.LBB2_8:
0xb9: {  	v1 =	vld [tilespmem:s24+$0xFFFFFF80];
	[tilespmem:s28+$0x30] =	vst v0;
	s1 =	sadd.s32 $0x100, s1;
	s28 =	smov.u32 s24  }
0xba: {  	s0 =	sadd.s32 $0x2, s0;
	v0 =	vld [tilespmem:s1+$0xFFFFFF80]  }
0xbb: {  	p0 =	slt.u32 s0, $0xC6;
	_ =	sdelay $0x3  }
0xbc: {  	v0 =	vadd.f32 v0, v1;
	_ =	sdelay $0x1  }
0xbd: {  	[tilespmem:s24+$0xFFFFFF80] =	vst v0;
	v0 =	vld [tilespmem:s24+$0xFFFFFF90]  }
0xbe: {  	v1 =	vld [tilespmem:s1+$0xFFFFFF90];
	_ =	sdelay $0x4  }
0xbf: {  	v0 =	vadd.f32 v1, v0;
	_ =	sdelay $0x1  }
0xc0: {  	[tilespmem:s24+$0xFFFFFF90] =	vst v0;
	v0 =	vld [tilespmem:s24+$0xFFFFFFA0]  }
0xc1: {  	v1 =	vld [tilespmem:s1+$0xFFFFFFA0];
	_ =	sdelay $0x4  }
0xc2: {  	v0 =	vadd.f32 v1, v0;
	_ =	sdelay $0x1  }
0xc3: {  	[tilespmem:s24+$0xFFFFFFA0] =	vst v0;
	v0 =	vld [tilespmem:s24+$0xFFFFFFB0]  }
0xc4: {  	v1 =	vld [tilespmem:s1+$0xFFFFFFB0];
	_ =	sdelay $0x4  }
0xc5: {  	v0 =	vadd.f32 v1, v0;
	_ =	sdelay $0x1  }
0xc6: {  	[tilespmem:s24+$0xFFFFFFB0] =	vst v0;
	v0 =	vld [tilespmem:s24+$0x0]  }
0xc7: {  	v1 =	vld [tilespmem:s1+$0x0];
	_ =	sdelay $0x4  }
0xc8: {  	v0 =	vadd.f32 v1, v0;
	_ =	sdelay $0x1  }
0xc9: {  	[tilespmem:s24+$0x0] =	vst v0;
	v0 =	vld [tilespmem:s24+$0x10]  }
0xca: {  	v1 =	vld [tilespmem:s1+$0x10];
	_ =	sdelay $0x4  }
0xcb: {  	v0 =	vadd.f32 v1, v0;
	_ =	sdelay $0x1  }
0xcc: {  	[tilespmem:s24+$0x10] =	vst v0;
	v0 =	vld [tilespmem:s24+$0x20]  }
0xcd: {  	v1 =	vld [tilespmem:s1+$0x20];
	_ =	sdelay $0x4  }
0xce: {  	v0 =	vadd.f32 v1, v0;
	_ =	sdelay $0x1  }
0xcf: {  	[tilespmem:s24+$0x20] =	vst v0;
	v0 =	vld [tilespmem:s24+$0x30]  }
0xd0: {  	v1 =	vld [tilespmem:s1+$0x30];
	_ =	sdelay $0x1  }
.Ltmp3:
0xd1: {  	(pc) =	sbr.rel @p0 .LBB2_8-.Ltmp3, $3  }
0xd2: {  	_ =	sdelay $0x1  }
0xd3: {  	v0 =	vadd.f32 v1, v0  }
0xd4: {  	s24 =	sadd.s32 $0x100, s24  }
0xd5: {  	[tilespmem:s28+$0x30] =	vst v0;
	s0 =	simm.s32 $0x0  }
0xd6: {  	[hbm4b:s8+s0] =	stream.linear.scatter [tilespmem:s14], [sflag:$0x5], $0x6400, $0x38;
	[tilespmem:$0x1DF00] =	vst v63  }
0xd7: {  	_ =	swait.ge [sflag:s20], $0x6400  }
0xd8: {  	[sflag:s20] =	ssyncset.done $0x0  }
0xd9: {  	[sflag:s20] =	ssyncadd.s32 $0xFFFF9C00  }
0xda: {  	_ =	swait.ge [sflag:s21], $0x6400  }
0xdb: {  	[sflag:s21] =	ssyncset.done $0x0  }
0xdc: {  	[sflag:s21] =	ssyncadd.s32 $0xFFFF9C00  }
0xdd: {  	_ =	swait.ge [sflag:s22], $0x6400  }
0xde: {  	[sflag:s22] =	ssyncset.done $0x0  }
0xdf: {  	s0 =	simm.s32 $0x0;
	[sflag:s22] =	ssyncadd.s32 $0xFFFF9C00  }
0xe0: {  	v3 =	vld [tilespmem:s0+$0xB390]  }
0xe1: {  	v1 =	vld [tilespmem:s0+$0x17BF0]  }
0xe2: {  	v2 =	vld [tilespmem:s0+$0xB3B0]  }
0xe3: {  	v4 =	vld [tilespmem:s0+$0x17BE0]  }
0xe4: {  	v5 =	vld [tilespmem:s0+$0xB3A0]  }
0xe5: {  	v6 =	vld [tilespmem:s0+$0x17BD0]  }
0xe6: {  	v0 =	vld [tilespmem:s0+$0xB380]  }
0xe7: {  	v7 =	vld [tilespmem:s0+$0x17B70]  }
0xe8: {  	v8 =	vld [tilespmem:s0+$0xB330]  }
0xe9: {  	v2 =	vadd.f32 v1, v2;
	v1 =	vld [tilespmem:s0+$0x17B60]  }
0xea: {  	v5 =	vadd.f32 v4, v5;
	v4 =	vld [tilespmem:s0+$0x17B50]  }
0xeb: {  	v6 =	vadd.f32 v6, v3;
	v3 =	vld [tilespmem:s0+$0x17B40]  }
0xec: {  	[tilespmem:s0+$0xB3B0] =	vst v2;
	v2 =	vld [tilespmem:s0+$0xB320]  }
0xed: {  	[tilespmem:s0+$0xB390] =	vst v6;
	v6 =	vld [tilespmem:s0+$0xB310]  }
0xee: {  	s1 =	simm.s32 $0x0;
	s24 =	simm.s32 $0x400;
	v7 =	vadd.f32 v7, v8;
	[tilespmem:s0+$0xB3A0] =	vst v5;
	v5 =	vld [tilespmem:s0+$0x17BC0]  }
.LBB2_10:
0xef: {  	s28 =	sshra.s32 s24, $0x2;
	s1 =	sadd.s32 $0x2, s1;
	v8 =	vld [tilespmem:s0+$0xB300]  }
0xf0: {  	v9 =	vld [tilespmem:s28+$0xB390];
	p0 =	slt.u32 s1, $0xC6  }
0xf1: {  	v10 =	vld [tilespmem:s28+$0x17BF0]  }
0xf2: {  	v11 =	vld [tilespmem:s28+$0xB3B0];
	v4 =	vadd.f32 v4, v6;
	[tilespmem:s0+$0xB330] =	vst v7  }
0xf3: {  	v1 =	vadd.f32 v1, v2;
	v6 =	vld [tilespmem:s28+$0x17BE0];
	v0 =	vadd.f32 v5, v0  }
0xf4: {  	v2 =	vld [tilespmem:s28+$0xB3A0];
	v3 =	vadd.f32 v3, v8;
	[tilespmem:s0+$0xB310] =	vst v4  }
0xf5: {  	v4 =	vld [tilespmem:s28+$0x17BD0];
	[tilespmem:s0+$0xB380] =	vst v0  }
0xf6: {  	v0 =	vld [tilespmem:s28+$0xB380];
	[tilespmem:s0+$0xB320] =	vst v1  }
0xf7: {  	v5 =	vld [tilespmem:s28+$0x17B70];
	v7 =	vadd.f32 v10, v11;
	[tilespmem:s0+$0xB300] =	vst v3;
	s0 =	smov.u32 s28  }
0xf8: {  	v8 =	vld [tilespmem:s0+$0xB330]  }
0xf9: {  	v1 =	vld [tilespmem:s0+$0x17B60];
	v3 =	vadd.f32 v6, v2;
	[tilespmem:s0+$0xB3B0] =	vst v7  }
.Ltmp4:
0xfa: {  	v2 =	vld [tilespmem:s0+$0xB320];
	v6 =	vadd.f32 v4, v9;
	(pc) =	sbr.rel @p0 .LBB2_10-.Ltmp4, $4  }
0xfb: {  	v4 =	vld [tilespmem:s0+$0x17B50];
	[tilespmem:s0+$0xB3A0] =	vst v3  }
0xfc: {  	v3 =	vld [tilespmem:s0+$0x17B40];
	[tilespmem:s0+$0xB390] =	vst v6  }
0xfd: {  	v6 =	vld [tilespmem:s0+$0xB310];
	v7 =	vadd.f32 v5, v8  }
0xfe: {  	s24 =	sadd.s32 $0x400, s24;
	v5 =	vld [tilespmem:s0+$0x17BC0]  }
0xff: {  	v8 =	vld [tilespmem:s0+$0xB300];
	_ =	sdelay $0x1  }
0x100: {  	v1 =	vadd.f32 v1, v2  }
0x101: {  	[tilespmem:s0+$0xB330] =	vst v7;
	v4 =	vadd.f32 v4, v6  }
0x102: {  	[tilespmem:s0+$0xB320] =	vst v1;
	v0 =	vadd.f32 v5, v0  }
0x103: {  	s26 =	sadd.s32 $0x1, s26;
	[tilespmem:s0+$0xB310] =	vst v4;
	v63 =	vadd.f32 v3, v8  }
0x104: {  	p0 =	sne.s32 s26, s10;
	[tilespmem:s0+$0xB380] =	vst v0  }
.Ltmp5:
0x105: {  	[tilespmem:s0+$0xB300] =	vst v63;
	(pc) =	sbr.rel @p0 .LBB2_1-.Ltmp5, $4  }
0x106: {  	[hbm4b:s9+s3] =	stream.linear.scatter [tilespmem:s16], [sflag:$0x6], $0x6400, $0x38;
	[tilespmem:$0x1DF00] =	vst v63  }
0x107: {  	_ =	swait.ge [sflag:s23], $0x6400  }
0x108: {  	[sflag:s23] =	ssyncset.done $0x0  }
0x109: {  	[sflag:s23] =	ssyncadd.s32 $0xFFFF9C00  }
0x10a: {  	_ =	sfence.sel $0x180000  }
0x10b: {  	[bflag:$0x0] =	sbarrier.arrive $0xFFFF  }
0x10c: {  	_ =	strace $0x90000047  }
0x10d: {  	s0 =	stileid.u32;
	[bflag:$0x2] =	sbarrier.arrive $0xFFFF  }
0x10e: {  	p0 =	sne.s32 s0, $0x0;
	s0 =	rddreg [dreg:$0x2]  }
0x10f: {  	s0 =	sadd.s32 @!p0 $0x100000, s0  }
0x110: {  	[sflag:s0] =	ssyncadd.tile.s32 @!p0 $0x1;
	_ =	shalt  }
.Lfunc_end2:
_tile_overlayer_lowered:
.L_overlay_start_2:
0x111: {  	(tag) =	ssettag $0x2  }
0x112: {  	s0 =	rddreg [dreg:$0x0];
	s2 =	stileid.u32  }
0x113: {  	s1 =	rddreg [dreg:$0x1];
	p0 =	sne.s32 s2, $0x0  }
0x114: {  	s3 =	rddreg [dreg:$0x2];
	[bflag:$0x3] =	sbarrier.arrive $0xFFFF;
	s2 =	simm.s32 @!p0 $0x1C07  }
0x115: {  	[timem:s3], [sflag:s2] =	dma.local @!p0 [hbm:s0], s1  }
0x116: {  	s0 =	simm.s32 @!p0 $0x7  }
0x117: {  	_ =	swait.ge @!p0 [sflag:s0], s1  }
0x118: {  	s1 =	ssub.s32 @!p0 $0x0, s1;
	[sflag:s0] =	ssyncset.done @!p0 $0x0  }
0x119: {  	[sflag:s0] =	ssyncadd.s32 @!p0 s1  }
0x11a: {  	[bflag:$0x3] =	sbarrier.arrive $0xFFFF  }
0x11b: {  	_ =	shalt  }

// kernel: body.17.cloned.1.call-start
scs
__scs_entry_jumppad:
0x0: {  	(pc) =	sbr.rel $0x88, $3  }
0x1: {  	(tag) =	ssettag $0x0;
	lr =	simm.s32 $0x1  }
0x2: {  	[smem:$0x3F93] =	sst lr;
	_ =	strace $0xD0000000  }
0x3: {  	_ = 	snop  }
0x4: {  	_ = 	snop  }
0x5: {  	_ = 	snop  }
0x6: {  	_ = 	snop  }
0x7: {  	_ = 	snop  }
__scs_overlays_trampoline_lowered:
0x8: {  	[smem:$0x3FA2] =	sst s0  }
0x9: {  	[smem:$0x3FA3] =	sst s1  }
0xa: {  	[smem:$0x3FA4] =	sst s2  }
0xb: {  	[smem:$0x3FA5] =	sst s3  }
0xc: {  	[smem:$0x3FA6] =	sst s4  }
0xd: {  	[smem:$0x3FA7] =	sst s5  }
0xe: {  	[smem:$0x3FA8] =	sst s6  }
0xf: {  	[smem:$0x3FA9] =	sst s7  }
0x10: {  	[smem:$0x3FAA] =	sst s8  }
0x11: {  	[smem:$0x3FAB] =	sst s9;
	s0 =	simm.s32 @!p0 $0x0  }
0x12: {  	s1 =	sld [smem:$0x3F91];
	s0 =	simm.s32 @p0 $0x1  }
0x13: {  	[smem:$0x3FAC] =	sst s0;
	s0 =	simm.s32 @!p1 $0x0  }
0x14: {  	s2 =	sld [smem:$0x3F90];
	s0 =	simm.s32 @p1 $0x1  }
0x15: {  	[smem:$0x3FAD] =	sst s0;
	s0 =	simm.s32 @!p2 $0x0  }
0x16: {  	s3 =	sld [smem:$0x3FDB];
	s0 =	simm.s32 @p2 $0x1  }
0x17: {  	s4 =	simm.s32 $0x1BF5;
	[smem:$0x3FAF] =	sst s0  }
0x18: {  	s0 =	sld [smem:$0x3F92];
	_ =	swait.ge [sflag:s4], $0x0  }
0x19: {  	s7 =	sld [smem:$0x3F93]  }
0x1a: {  	s8 =	sadd.s32 $0xFFFFE003, lr  }
0x1b: {  	s9 =	sadd.s32 $0xFFFFFEF7, lr;
	s5 =	simm.s32 $0xFFFFFFFF;
	p2 =	slt.u32 s8, $0xFFFFF086  }
0x1c: {  	p1 =	slt.u32 s9, $0xF7A;
	s5 =	simm.s32 @!p2 $0x0  }
0x1d: {  	s5 =	simm.s32 @p1 $0x1;
	p0 =	seq.s32 s7, s2  }
0x1e: {  	s7 =	smul.u32 @!p0 $0xF7A, s2;
	p2 =	seq.s32 @!p0 s5, $0x0  }
0x1f: {  	s9 =	smul.u32 $0xF7A, s1;
	s8 =	simm.s32 @!p0 $0x1BF5;
	p2 =	por !p2, p0  }
0x20: {  	[sflag:s8] =	ssyncset.s32 @!p0 $0xFFFFF086;
	s6 =	sadd.s32 @!p0 s3, s7;
	s7 =	simm.s32 @!p0 $0x108  }
0x21: {  	s3 =	sadd.s32 s3, s9;
	s6 =	sadd.s32 @!p0 $0x88, s6;
	s7 =	simm.s32 @p2 $0x1082  }
0x22: {  	[simem:s7], [sflag:s8] =	dma.local @!p0 [hbm:s6], $0xF7A  }
0x23: {  	s9 =	sor.u32 $0xD0000000, s2;
	s6 =	simm.s32 $0x108;
	_ =	swait.ge @!p0 [sflag:s8], $0x0  }
0x24: {  	s3 =	sadd.s32 $0x88, s3;
	s6 =	simm.s32 @!p1 $0x1082;
	[sflag:s4] =	ssyncset.s32 $0xFFFFF086  }
0x25: {  	[simem:s6], [sflag:s4] =	dma.local [hbm:s3], $0xF7A  }
0x26: {  	[smem:$0x3F93] =	sst s1;
	(tag) =	ssettag s2;
	_ =	strace s9  }
0x27: {  	s1 =	sld [smem:$0x3FA3]  }
0x28: {  	s2 =	sld [smem:$0x3FA4]  }
0x29: {  	s4 =	sld [smem:$0x3FA6]  }
0x2a: {  	p0 =	seq.s32 s5, $0x0;
	s5 =	sld [smem:$0x3FA7]  }
0x2b: {  	s6 =	sld [smem:$0x3FA8]  }
0x2c: {  	s7 =	sld [smem:$0x3FA9]  }
0x2d: {  	s3 =	simm.s32 $0x108;
	s8 =	sld [smem:$0x3FAA]  }
0x2e: {  	s3 =	simm.s32 @!p0 $0x1082;
	s9 =	sld [smem:$0x3FAB]  }
0x2f: {  	lr =	sadd.s32 s0, s3;
	s0 =	sld [smem:$0x3FA2]  }
0x30: {  	s3 =	sld [smem:$0x3FA5]  }
0x31: {  	[smem:$0x3FAE] =	sst s10  }
0x32: {  	s10 =	sld [smem:$0x3FAC];
	_ =	sdelay $0x3  }
0x33: {  	p0 =	seq.s32 s10, $0x1;
	s10 =	sld [smem:$0x3FAE];
	_ =	sdelay $0x3  }
0x34: {  	[smem:$0x3FAE] =	sst s10  }
0x35: {  	s10 =	sld [smem:$0x3FAD];
	_ =	sdelay $0x3  }
0x36: {  	p1 =	seq.s32 s10, $0x1;
	s10 =	sld [smem:$0x3FAE];
	_ =	sdelay $0x3  }
0x37: {  	[smem:$0x3FAE] =	sst s10  }
0x38: {  	s10 =	sld [smem:$0x3FAF]  }
0x39: {  	_ = 	snop;
	(pc) =	sbr.ind lr, $3  }
0x3a: {  	_ = 	snop  }
0x3b: {  	_ = 	snop  }
0x3c: {  	p2 =	seq.s32 s10, $0x1;
	s10 =	sld [smem:$0x3FAE]  }
0x3d: {  	_ =	shalt  }
0x3e: {  	_ =	shalt  }
0x3f: {  	_ =	shalt  }
0x40: {  	_ =	shalt  }
0x41: {  	_ =	shalt  }
0x42: {  	_ =	shalt  }
0x43: {  	_ =	shalt  }
0x44: {  	_ =	shalt  }
0x45: {  	_ =	shalt  }
0x46: {  	_ =	shalt  }
0x47: {  	_ =	shalt  }
0x48: {  	_ =	shalt  }
0x49: {  	_ =	shalt  }
0x4a: {  	_ =	shalt  }
0x4b: {  	_ =	shalt  }
0x4c: {  	_ =	shalt  }
0x4d: {  	_ =	shalt  }
0x4e: {  	_ =	shalt  }
0x4f: {  	_ =	shalt  }
0x50: {  	_ =	shalt  }
0x51: {  	_ =	shalt  }
0x52: {  	_ =	shalt  }
0x53: {  	_ =	shalt  }
0x54: {  	_ =	shalt  }
0x55: {  	_ =	shalt  }
0x56: {  	_ =	shalt  }
0x57: {  	_ =	shalt  }
0x58: {  	_ =	shalt  }
0x59: {  	_ =	shalt  }
0x5a: {  	_ =	shalt  }
0x5b: {  	_ =	shalt  }
0x5c: {  	_ =	shalt  }
0x5d: {  	_ =	shalt  }
0x5e: {  	_ =	shalt  }
0x5f: {  	_ =	shalt  }
0x60: {  	_ =	shalt  }
0x61: {  	_ =	shalt  }
0x62: {  	_ =	shalt  }
0x63: {  	_ =	shalt  }
0x64: {  	_ =	shalt  }
0x65: {  	_ =	shalt  }
0x66: {  	_ =	shalt  }
0x67: {  	_ =	shalt  }
0x68: {  	_ =	shalt  }
0x69: {  	_ =	shalt  }
0x6a: {  	_ =	shalt  }
0x6b: {  	_ =	shalt  }
0x6c: {  	_ =	shalt  }
0x6d: {  	_ =	shalt  }
0x6e: {  	_ =	shalt  }
0x6f: {  	_ =	shalt  }
0x70: {  	_ =	shalt  }
0x71: {  	_ =	shalt  }
0x72: {  	_ =	shalt  }
0x73: {  	_ =	shalt  }
0x74: {  	_ =	shalt  }
0x75: {  	_ =	shalt  }
0x76: {  	_ =	shalt  }
0x77: {  	_ =	shalt  }
0x78: {  	_ =	shalt  }
0x79: {  	_ =	shalt  }
0x7a: {  	_ =	shalt  }
0x7b: {  	_ =	shalt  }
0x7c: {  	_ =	shalt  }
0x7d: {  	_ =	shalt  }
0x7e: {  	_ =	shalt  }
0x7f: {  	_ =	shalt  }
0x80: {  	_ =	shalt  }
0x81: {  	_ =	shalt  }
0x82: {  	_ =	shalt  }
0x83: {  	_ =	shalt  }
0x84: {  	_ =	shalt  }
0x85: {  	_ =	shalt  }
0x86: {  	_ =	shalt  }
0x87: {  	_ =	shalt  }
.Lfunc_end0:
.L_simem_size_0:
called_computation.1_lowered:
.L_overlay_start_0:
0x88: {  	s2 =	sld [smem:$0x3FD9]  }
0x89: {  	s3 =	sld [smem:$0x3FFE];
	_ =	sdelay $0x1  }
0x8a: {  	s1 =	srdreg.scid  }
0x8b: {  	s0 =	sand.u32 $0x1, s1  }
0x8c: {  	s14 =	sshll.u32 s0, $0xA;
	s2 =	sadd.s32 s3, s2  }
0x8d: {  	s2 =	sadd.s32 s2, s14  }
0x8e: {  	[smem:$0x3FBA] =	sst s2  }
0x8f: {  	_ = 	snop  }
0x90: {  	s2 =	sld [smem:$0x3FD0];
	_ =	sdelay $0x2  }
0x91: {  	s15 =	simm.s32 $0xA;
	s4 =	simm.s32 $0x10  }
0x92: {  	[smem:s4], [sflag:s15] =	dma.local [hbm:s2], $0x1  }
0x93: {  	_ =	swait.eq [sflag:s15], $0x1  }
0x94: {  	[sflag:s15] =	ssyncset.done $0x0  }
0x95: {  	[sflag:s15] =	ssyncadd.s32 $0xFFFFFFFF  }
0x96: {  	s16 =	sld [smem:$0x11];
	(tm) =	ssettm $0x1  }
0x97: {  	s17 =	sld [smem:$0x3FFB];
	_ =	sdelay $0x3  }
0x98: {  	_ =	strace s17  }
0x99: {  	s3 =	sld [smem:$0x3FFC];
	_ =	sdelay $0x3  }
0x9a: {  	_ =	strace s3  }
0x9b: {  	s3 =	sld [smem:$0x3FFD];
	_ =	sdelay $0x3  }
0x9c: {  	_ =	strace s3  }
0x9d: {  	_ =	strace $0x8FFFFFFF  }
0x9e: {  	s18 =	sld [smem:$0x3FDB];
	_ =	sdelay $0x1  }
0x9f: {  	s19 =	simm.s32 $_scs_section_size  }
0xa0: {  	s5 =	simm.s32 $_size__tile_overlayer_lowered;
	s6 =	simm.s32 $_tile_overlayer_lowered  }
0xa1: {  	s22 =	simm.s32 $0x1BFF;
	s21 =	sshll.u32 s6, $0x1;
	s3 =	sadd.s32 s19, s18  }
0xa2: {  	s7 =	simm.s32 $0x0;
	s20 =	sshll.u32 s5, $0x1;
	s5 =	sadd.s32 s21, s3  }
0xa3: {  	[timem:s7], [sflag:s22] =	dma.local [hbm:s5], s20  }
0xa4: {  	_ =	swait.ge [sflag:s22], s20  }
0xa5: {  	s4 =	ssub.s32 $0x0, s20;
	[sflag:s22] =	ssyncset.done $0x0  }
0xa6: {  	[sflag:s22] =	ssyncadd.s32 s4;
	_ =	sdelay $0x1  }
0xa7: {  	s23 =	simm.s32 $0x1B8B  }
0xa8: {  	_ =	swait.ge [sflag:s23], $0x1  }
0xa9: {  	[sflag:s23] =	ssyncset.done $0x0  }
0xaa: {  	s25 =	simm.s32 $0x1B8E;
	s24 =	sld [smem:$0x3FFE];
	[sflag:s23] =	ssyncadd.s32 $0xFFFFFFFF  }
0xab: {  	s26 =	simm.s32 $execute0_lowered;
	[smem:$0x3FD2] =	sst s25  }
0xac: {  	s5 =	sshll.u32 s26, $0x1;
	_ =	strace $0x80000049;
	[dreg:$0x1] =	wrdreg $0xFFFFFFFF  }
0xad: {  	s28 =	simm.s32 $_size_execute0_lowered;
	s3 =	sadd.s32 s3, s5;
	[dreg:$0x0] =	wrdreg $0x0  }
0xae: {  	s5 =	sshll.u32 s28, $0x1;
	[dreg:$0x2] =	wrdreg s3  }
0xaf: {  	[dreg:$0x3] =	wrdreg s5  }
0xb0: {  	[dreg:$0x4] =	wrdreg $0xC0  }
0xb1: {  	_ =	task [dreg:s7], $0x5FFFF  }
0xb2: {  	[dreg:$0x1] =	wrdreg $0xFFFFFFFF  }
0xb3: {  	[dreg:$0x0] =	wrdreg $0x60  }
0xb4: {  	[dreg:$0x2] =	wrdreg s24  }
0xb5: {  	[dreg:$0x3] =	wrdreg s16  }
0xb6: {  	[dreg:$0x4] =	wrdreg $0x51000  }
0xb7: {  	[dreg:$0x5] =	wrdreg $0x9  }
0xb8: {  	_ =	task.clear_ibuf [dreg:s7], $0x6FFFF;
	_ =	strace $0x90000049  }
0xb9: {  	s29 =	simm.s32 $0x9;
	_ =	strace $0x8000004B  }
0xba: {  	_ =	swait.ge [sflag:s29], $0x1  }
0xbb: {  	[sflag:s29] =	ssyncadd.s32 $0xFFFFFFFF  }
0xbc: {  	_ =	strace $0x9000004B  }
0xbd: {  	_ =	sfence  }
0xbe: {  	s30 =	sld [smem:$0x0];
	_ =	sdelay $0x2  }
0xbf: {  	s31 =	sshll.u32 s1, $0xD;
	s1 =	sshrl.u32 s1, $0x2  }
0xc0: {  	s3 =	sand.u32 $0x4000, s31;
	s1 =	sadd.s32 s1, s30  }
0xc1: {  	s0 =	sor.u32 s3, s0;
	s1 =	sshll.u32 s1, $0x11  }
0xc2: {  	s0 =	sor.u32 s1, s0  }
0xc3: {  	s0 =	sadd.s32 $0x8F2B, s0  }
0xc4: {  	[sflag:s0] =	ssyncadd.remote.s32 $0x1  }
0xc5: {  	_ =	sfence.sel $0xFFFF  }
0xc6: {  	[dreg:$0x0] =	wrdreg $0xFFFFFFFF;
	(pc) =	sbr.abs _section_cstart, $3  }
0xc7: {  	[dreg:$0x1] =	wrdreg $0xFFFFFFFF  }
0xc8: {  	_ =	task.clear_ibuf [dreg:s7], $0x2FFFF;
	_ =	strace $0x9FFFFFFF  }
0xc9: {  	(tm) =	ssettm $0x7FFFFFFF  }
tec
execute0_lowered:
.L_overlay_start_1:
0x0: {  	(tag) =	ssettag $0x1  }
0x1: {  	s0 =	rddreg [dreg:$0x0]  }
0x2: {  	s3 =	rddreg [dreg:$0x1]  }
0x3: {  	s1 =	rddreg [dreg:$0x2]  }
0x4: {  	s2 =	simm.s32 $0x0;
	s6 =	stileid.u32;
	s5 =	srdreg.scid  }
0x5: {  	s28 =	simm.s32 $0x3;
	s29 =	simm.s32 $0x2;
	s30 =	simm.s32 $0x6  }
0x6: {  	s31 =	simm.s32 $0x4;
	[smem:$0x7FF] =	sst s2;
	s4 =	sadd.s32 $0x13EF400, s0  }
0x7: {  	s7 =	sadd.s32 $0xA21600, s0;
	s10 =	smul.u32 $0x2700, s6;
	s14 =	sand.u32 $0x1, s5  }
0x8: {  	s9 =	smul.u32 $0x4E000, s6;
	s22 =	sshll.u32 s6, $0x6;
	s24 =	sadd.s32 $0x138000, s1  }
0x9: {  	p0 =	sne.s32 s6, $0x0;
	_ =	strace $0x8000004A;
	s17 =	smul.u32 $0x27100, s14  }
0xa: {  	s5 =	ssub.s32 $0x2, s14;
	s8 =	sshll.u32 s14, $0x4;
	s26 =	smul.u32 $0x138800, s14  }
0xb: {  	[dreg:$0x6] =	wrdreg s24;
	s20 =	smul.u32 $0x271000, s14;
	s11 =	sadd.s32 s10, s0  }
0xc: {  	s12 =	sshrl.u32 s5, $0x1;
	s8 =	sor.u32 s6, s8;
	s21 =	sshrl.u32 s9, $0x2  }
0xd: {  	s0 =	sadd.s32 $0xA52400, s0;
	s12 =	ssub.s32 s5, s12;
	s13 =	smul.u32 $0x2710, s8  }
0xe: {  	s5 =	sadd.s32 s21, s1;
	s8 =	smul.u32 $0x27100, s8;
	[dreg:$0x7] =	wrdreg s0  }
0xf: {  	s23 =	sadd.s32 $0xA2B400, s11;
	s10 =	sadd.s32 s10, s17;
	[dreg:$0x4] =	wrdreg s5  }
0x10: {  	s11 =	sshrl.u32 s26, $0x3;
	[dreg:$0x5] =	wrdreg s23;
	s5 =	sor.u32 $0x1C07, s22  }
0x11: {  	s10 =	sadd.s32 s3, s10;
	s3 =	sadd.s32 s3, s11;
	s12 =	smax.u32 s12, $0x1  }
0x12: {  	s23 =	sadd.s32 s20, s4;
	s20 =	simm.s32 $0x7;
	s25 =	sshrl.u32 s13, $0x3  }
0x13: {  	s15 =	sadd.s32 s4, s8;
	s18 =	sadd.s32 $0x50, s13;
	s11 =	sadd.s32 $0x27000, s3  }
0x14: {  	[dreg:$0x8] =	wrdreg s15;
	s16 =	sadd.s32 s7, s25;
	s19 =	sshll.u32 s18, $0x4  }
0x15: {  	s0 =	sshrl.u32 s18, $0x3;
	s18 =	smul.u32 $0x2710, s6;
	[dreg:$0x9] =	wrdreg s16  }
0x16: {  	s16 =	sadd.s32 $0xA0, s13;
	s13 =	sadd.s32 s4, s19;
	s14 =	sadd.s32 s7, s0  }
0x17: {  	s19 =	smul.u32 $0x27100, s6;
	s21 =	sshll.u32 s16, $0x4;
	s22 =	sshrl.u32 s16, $0x3  }
0x18: {  	s24 =	sadd.s32 s18, s17;
	s15 =	sadd.s32 s4, s21;
	s16 =	sadd.s32 s7, s22  }
0x19: {  	s0 =	sadd.s32 s19, s23;
	s25 =	sadd.s32 $0x140, s24;
	s3 =	sadd.s32 $0xF0, s24  }
0x1a: {  	s21 =	simm.s32 $0x5000;
	s22 =	simm.s32 $0x2800;
	s23 =	simm.s32 $0x5080  }
0x1b: {  	s24 =	simm.s32 $0x1;
	s17 =	sadd.s32 $0x1400, s0;
	s26 =	sshrl.u32 s25, $0x3  }
0x1c: {  	s3 =	sshrl.u32 s3, $0x3;
	s25 =	simm.s32 $0x5;
	s0 =	simm.s32 $0x0  }
0x1d: {  	s18 =	sadd.s32 s26, s7;
	s19 =	sadd.s32 s3, s7;
	s26 =	simm.s32 $0x50  }
.LBB2_1:
0x1e: {  	s3 =	rddreg [dreg:$0x4]  }
0x1f: {  	s4 =	rddreg [dreg:$0x5];
	s3 =	sshrl.u32 s3, $0x3  }
0x20: {  	[spmem:s3], [sflag:s5] =	dma.local [hbm:s4], $0x2700  }
0x21: {  	_ =	swait.ge [sflag:s20], $0x2700  }
0x22: {  	[sflag:s20] =	ssyncset.done $0x0;
	s4 =	rddreg [dreg:$0x6]  }
0x23: {  	s6 =	rddreg [dreg:$0x7];
	[sflag:s20] =	ssyncadd.s32 $0xFFFFD900;
	s4 =	sshrl.u32 @!p0 s4, $0x3  }
0x24: {  	[spmem:s4], [sflag:s5] =	dma.local @!p0 [hbm:s6], $0x100  }
0x25: {  	s6 =	simm.s32 @!p0 $0x7  }
0x26: {  	_ =	swait.ge @!p0 [sflag:s6], $0x100  }
0x27: {  	[sflag:s6] =	ssyncset.done @!p0 $0x0  }
0x28: {  	s8 =	rddreg [dreg:$0x8];
	[sflag:s6] =	ssyncadd.s32 @!p0 $0xFFFFFF00  }
0x29: {  	[tilespmem:s2], [sflag:$0x1] =	stream.linear.gather [hbm4b:s8+s2], $0x2800, $0x38;
	[tilespmem:$0x18980] =	vst v63  }
0x2a: {  	s9 =	rddreg [dreg:$0x9]  }
0x2b: {  	[tilespmem:s21], [sflag:$0x5] =	stream.linear.gather [hbm4b:s9+s2], $0x50, $0x38;
	[tilespmem:$0x18980] =	vst v63  }
0x2c: {  	[bflag:$0x0] =	sbarrier.arrive $0xFFFF  }
0x2d: {  	[tilespmem:s22], [sflag:$0x2] =	stream.linear.gather [hbm4b:s13+s2], $0x2800, $0x38;
	[tilespmem:$0x18980] =	vst v63  }
0x2e: {  	_ = 	snop  }
0x2f: {  	[tilespmem:s23], [sflag:$0x6] =	stream.linear.gather [hbm4b:s14+s2], $0x50, $0x38;
	[tilespmem:$0x18980] =	vst v63  }
0x30: {  	_ =	swait.ge [sflag:s24], $0x2800  }
0x31: {  	[sflag:s24] =	ssyncset.done $0x0  }
0x32: {  	[sflag:s24] =	ssyncadd.s32 $0xFFFFD800  }
0x33: {  	_ =	swait.ge [sflag:s25], $0x50  }
0x34: {  	[sflag:s25] =	ssyncset.done $0x0  }
0x35: {  	[sflag:s25] =	ssyncadd.s32 $0xFFFFFFB0  }
0x36: {  	[spmem:s1] =	stream.indirect.scatter.add.f32 [tilespmem:s2], [sflag:$0x3], $0x80, s21, s26, $0xb8;
	[tilespmem:$0x18980] =	vst v63  }
0x37: {  	_ =	swait.ge [sflag:s28], $0x2800  }
0x38: {  	[sflag:s28] =	ssyncset.done $0x0  }
0x39: {  	[sflag:s28] =	ssyncadd.s32 $0xFFFFD800  }
0x3a: {  	[tilespmem:s2], [sflag:$0x1] =	stream.linear.gather [hbm4b:s15+s2], $0x2800, $0x38;
	[tilespmem:$0x18980] =	vst v63  }
0x3b: {  	_ = 	snop  }
0x3c: {  	[tilespmem:s21], [sflag:$0x5] =	stream.linear.gather [hbm4b:s16+s2], $0x50, $0x38;
	[tilespmem:$0x18980] =	vst v63  }
0x3d: {  	_ =	swait.ge [sflag:s29], $0x2800  }
0x3e: {  	[sflag:s29] =	ssyncset.done $0x0  }
0x3f: {  	[sflag:s29] =	ssyncadd.s32 $0xFFFFD800  }
0x40: {  	_ =	swait.ge [sflag:s30], $0x50  }
0x41: {  	[sflag:s30] =	ssyncset.done $0x0  }
0x42: {  	[sflag:s30] =	ssyncadd.s32 $0xFFFFFFB0  }
0x43: {  	[spmem:s1] =	stream.indirect.scatter.add.f32 [tilespmem:s22], [sflag:$0x4], $0x80, s23, s26, $0xb8;
	[tilespmem:$0x18980] =	vst v63  }
0x44: {  	_ =	swait.ge [sflag:s31], $0x2800  }
0x45: {  	[sflag:s31] =	ssyncset.done $0x0  }
0x46: {  	s7 =	sadd.s32 $0xFFFFFB00, s17;
	[sflag:s31] =	ssyncadd.s32 $0xFFFFD800  }
0x47: {  	[tilespmem:s22], [sflag:$0x2] =	stream.linear.gather [hbm4b:s7+s2], $0x2800, $0x38;
	[tilespmem:$0x18980] =	vst v63  }
0x48: {  	s8 =	sadd.s32 $0x0, s19  }
0x49: {  	[tilespmem:s23], [sflag:$0x6] =	stream.linear.gather [hbm4b:s8+s2], $0x50, $0x38;
	[tilespmem:$0x18980] =	vst v63  }
0x4a: {  	_ =	swait.ge [sflag:s24], $0x2800  }
0x4b: {  	[sflag:s24] =	ssyncset.done $0x0  }
0x4c: {  	[sflag:s24] =	ssyncadd.s32 $0xFFFFD800  }
0x4d: {  	_ =	swait.ge [sflag:s25], $0x50  }
0x4e: {  	[sflag:s25] =	ssyncset.done $0x0  }
0x4f: {  	[sflag:s25] =	ssyncadd.s32 $0xFFFFFFB0  }
0x50: {  	[spmem:s1] =	stream.indirect.scatter.add.f32 [tilespmem:s2], [sflag:$0x3], $0x80, s21, s26, $0xb8;
	[tilespmem:$0x18980] =	vst v63  }
0x51: {  	_ =	swait.ge [sflag:s28], $0x2800  }
0x52: {  	[sflag:s28] =	ssyncset.done $0x0  }
0x53: {  	[sflag:s28] =	ssyncadd.s32 $0xFFFFD800  }
0x54: {  	[tilespmem:s2], [sflag:$0x1] =	stream.linear.gather [hbm4b:s17+s2], $0x2800, $0x38;
	[tilespmem:$0x18980] =	vst v63  }
0x55: {  	s9 =	sadd.s32 $0x0, s18  }
0x56: {  	[tilespmem:s21], [sflag:$0x5] =	stream.linear.gather [hbm4b:s9+s2], $0x50, $0x38;
	[tilespmem:$0x18980] =	vst v63  }
0x57: {  	_ =	swait.ge [sflag:s29], $0x2800  }
0x58: {  	[sflag:s29] =	ssyncset.done $0x0  }
0x59: {  	[sflag:s29] =	ssyncadd.s32 $0xFFFFD800  }
0x5a: {  	_ =	swait.ge [sflag:s30], $0x50  }
0x5b: {  	[sflag:s30] =	ssyncset.done $0x0  }
0x5c: {  	s6 =	simm.s32 $0x14;
	s7 =	sadd.s32 $0xA00, s17;
	[sflag:s30] =	ssyncadd.s32 $0xFFFFFFB0  }
.LBB2_2:
0x5d: {  	[spmem:s1] =	stream.indirect.scatter.add.f32 [tilespmem:s22], [sflag:$0x4], $0x80, s23, s26, $0xb8;
	[tilespmem:$0x18980] =	vst v63  }
0x5e: {  	s8 =	smov.u32 s6  }
0x5f: {  	p1 =	sne.s32 s6, $0x4B0;
	s6 =	sadd.s32 $0x14, s6;
	_ =	swait.ge [sflag:s31], $0x2800  }
0x60: {  	[sflag:s31] =	ssyncset.done $0x0  }
0x61: {  	s9 =	sadd.s32 $0xFFFFFB00, s7;
	[sflag:s31] =	ssyncadd.s32 $0xFFFFD800  }
0x62: {  	[tilespmem:s22], [sflag:$0x2] =	stream.linear.gather [hbm4b:s9+s2], $0x2800, $0x38;
	[tilespmem:$0x18980] =	vst v63  }
0x63: {  	s9 =	sadd.s32 s8, s19  }
0x64: {  	[tilespmem:s23], [sflag:$0x6] =	stream.linear.gather [hbm4b:s9+s2], $0x50, $0x38;
	[tilespmem:$0x18980] =	vst v63  }
0x65: {  	_ =	swait.ge [sflag:s24], $0x2800  }
0x66: {  	[sflag:s24] =	ssyncset.done $0x0  }
0x67: {  	[sflag:s24] =	ssyncadd.s32 $0xFFFFD800  }
0x68: {  	_ =	swait.ge [sflag:s25], $0x50  }
0x69: {  	[sflag:s25] =	ssyncset.done $0x0  }
0x6a: {  	[sflag:s25] =	ssyncadd.s32 $0xFFFFFFB0  }
0x6b: {  	[spmem:s1] =	stream.indirect.scatter.add.f32 [tilespmem:s2], [sflag:$0x3], $0x80, s21, s26, $0xb8;
	[tilespmem:$0x18980] =	vst v63  }
0x6c: {  	_ =	swait.ge [sflag:s28], $0x2800  }
0x6d: {  	[sflag:s28] =	ssyncset.done $0x0  }
0x6e: {  	[sflag:s28] =	ssyncadd.s32 $0xFFFFD800  }
0x6f: {  	[tilespmem:s2], [sflag:$0x1] =	stream.linear.gather [hbm4b:s7+s2], $0x2800, $0x38;
	[tilespmem:$0x18980] =	vst v63  }
0x70: {  	s8 =	sadd.s32 s8, s18  }
0x71: {  	[tilespmem:s21], [sflag:$0x5] =	stream.linear.gather [hbm4b:s8+s2], $0x50, $0x38;
	[tilespmem:$0x18980] =	vst v63  }
0x72: {  	_ =	swait.ge [sflag:s29], $0x2800  }
.Ltmp0:
0x73: {  	[sflag:s29] =	ssyncset.done $0x0;
	(pc) =	sbr.rel @p1 .LBB2_2-.Ltmp0, $4  }
0x74: {  	[sflag:s29] =	ssyncadd.s32 $0xFFFFD800  }
0x75: {  	_ =	swait.ge [sflag:s30], $0x50  }
0x76: {  	[sflag:s30] =	ssyncset.done $0x0  }
0x77: {  	s7 =	sadd.s32 $0xA00, s7;
	[sflag:s30] =	ssyncadd.s32 $0xFFFFFFB0  }
0x78: {  	[spmem:s1] =	stream.indirect.scatter.add.f32 [tilespmem:s22], [sflag:$0x4], $0x80, s23, s26, $0xb8;
	[tilespmem:$0x18980] =	vst v63  }
0x79: {  	_ =	swait.ge [sflag:s31], $0x2800  }
0x7a: {  	[sflag:s31] =	ssyncset.done $0x0  }
0x7b: {  	[sflag:s31] =	ssyncadd.s32 $0xFFFFD800  }
0x7c: {  	_ =	swait.ge [sflag:s24], $0x2800  }
0x7d: {  	[sflag:s24] =	ssyncset.done $0x0  }
0x7e: {  	[sflag:s24] =	ssyncadd.s32 $0xFFFFD800  }
0x7f: {  	_ =	swait.ge [sflag:s25], $0x50  }
0x80: {  	[sflag:s25] =	ssyncset.done $0x0  }
0x81: {  	[sflag:s25] =	ssyncadd.s32 $0xFFFFFFB0  }
0x82: {  	[spmem:s1] =	stream.indirect.scatter.add.f32 [tilespmem:s2], [sflag:$0x3], $0x80, s21, s26, $0xb8;
	[tilespmem:$0x18980] =	vst v63  }
0x83: {  	_ =	swait.ge [sflag:s28], $0x2800  }
0x84: {  	[sflag:s28] =	ssyncset.done $0x0  }
0x85: {  	[sflag:s28] =	ssyncadd.s32 $0xFFFFD800  }
0x86: {  	[bflag:$0x0] =	sbarrier.arrive $0xFFFF  }
0x87: {  	[hbm:s10], [sflag:s5] =	dma.local [spmem:s3], $0x2700  }
0x88: {  	s0 =	sadd.s32 $0x1, s0;
	_ =	swait.ge [sflag:s20], $0x2700  }
0x89: {  	p1 =	sne.s32 s0, s12;
	[sflag:s20] =	ssyncset.done $0x0  }
.Ltmp1:
0x8a: {  	s3 =	simm.s32 @!p0 $0x7;
	[sflag:s20] =	ssyncadd.s32 $0xFFFFD900;
	(pc) =	sbr.rel @p1 .LBB2_1-.Ltmp1, $4  }
0x8b: {  	[hbm:s11], [sflag:s5] =	dma.local @!p0 [spmem:s4], $0x100  }
0x8c: {  	_ =	swait.ge @!p0 [sflag:s3], $0x100  }
0x8d: {  	[sflag:s3] =	ssyncset.done @!p0 $0x0  }
0x8e: {  	[sflag:s3] =	ssyncadd.s32 @!p0 $0xFFFFFF00  }
0x8f: {  	_ =	sfence.sel $0x180000  }
0x90: {  	[bflag:$0x0] =	sbarrier.arrive $0xFFFF  }
0x91: {  	_ =	strace $0x9000004A  }
0x92: {  	[bflag:$0x2] =	sbarrier.arrive $0xFFFF  }
0x93: {  	s0 =	rddreg [dreg:$0x3]  }
0x94: {  	s0 =	sadd.s32 @!p0 $0x100000, s0  }
0x95: {  	[sflag:s0] =	ssyncadd.tile.s32 @!p0 $0x1;
	_ =	shalt  }
.Lfunc_end2:
_tile_overlayer_lowered:
.L_overlay_start_2:
0x96: {  	(tag) =	ssettag $0x2  }
0x97: {  	s0 =	rddreg [dreg:$0x0];
	s2 =	stileid.u32  }
0x98: {  	s1 =	rddreg [dreg:$0x1];
	p0 =	sne.s32 s2, $0x0  }
0x99: {  	s3 =	rddreg [dreg:$0x2];
	[bflag:$0x3] =	sbarrier.arrive $0xFFFF;
	s2 =	simm.s32 @!p0 $0x1C07  }
0x9a: {  	[timem:s3], [sflag:s2] =	dma.local @!p0 [hbm:s0], s1  }
0x9b: {  	s0 =	simm.s32 @!p0 $0x7  }
0x9c: {  	_ =	swait.ge @!p0 [sflag:s0], s1  }
0x9d: {  	s1 =	ssub.s32 @!p0 $0x0, s1;
	[sflag:s0] =	ssyncset.done @!p0 $0x0  }
0x9e: {  	[sflag:s0] =	ssyncadd.s32 @!p0 s1  }
0x9f: {  	[bflag:$0x3] =	sbarrier.arrive $0xFFFF  }
0xa0: {  	_ =	shalt  }

</sc_bundles>
